<compile_context>
chip_gen: v7x
topology: tpu7x:2x2x1
jax: 0.10.2.dev20260603
libtpu: 0.0.44.dev20260713+nightly
codegen_flags: <defaults>
</compile_context>

<pallas_src>
import functools

import jax
import jax.numpy as jnp
from jax import lax
from jax.experimental import pallas as pl
from jax.experimental.pallas import tpu as pltpu
from jax.experimental.pallas import tpu_sc as plsc

_TEMP = 0.05
_LOG2E = 1.4426950408889634
_B = 1024
_D = 64
_N = 100000
_R = 10000
_K = _N // _R

_NC = 2
_NS = 16
_NL = 16
_NW = _NC * _NS
_BPW = _B // _NW


def _rsqrt_newton(x):
    i = plsc.bitcast(x, jnp.int32)
    y = plsc.bitcast(jnp.int32(0x5F3759DF) - (i >> 1), jnp.float32)
    for _ in range(3):
        y = y * (1.5 - 0.5 * x * y * y)
    return y


def _sc_target_logits(features, targets, inputs):
    mesh = plsc.VectorSubcoreMesh(core_axis_name="c", subcore_axis_name="s")

    @functools.partial(
        pl.kernel,
        mesh=mesh,
        out_type=jax.ShapeDtypeStruct((_NW, _NL), jnp.float32),
        scratch_types=[
            pltpu.VMEM((_BPW,), jnp.int32),
            pltpu.VMEM((_BPW, _D), jnp.float32),
            pltpu.VMEM((_BPW, _D), jnp.float32),
            pltpu.VMEM((_NL,), jnp.float32),
            pltpu.SemaphoreType.DMA,
        ],
        compiler_params=pltpu.CompilerParams(needs_layout_passes=False),
    )
    def body(feat_hbm, idx_hbm, x_hbm, out_hbm, idx_v, rows_v, x_v, acc_v,
             sem):
        wid = lax.axis_index("s") * _NC + lax.axis_index("c")
        base = wid * _BPW
        pltpu.sync_copy(idx_hbm.at[pl.ds(base, _BPW)], idx_v)
        copies = []
        for g in range(_BPW // _NL):
            vec = idx_v[pl.ds(g * _NL, _NL)]
            for l in range(_NL):
                r = g * _NL + l
                cp = pltpu.make_async_copy(
                    feat_hbm.at[pl.ds(vec[l], 1)], rows_v.at[pl.ds(r, 1)],
                    sem)
                cp.start()
                copies.append(cp)
        pltpu.sync_copy(x_hbm.at[pl.ds(base, _BPW)], x_v)
        for cp in copies:
            cp.wait()

        acc = jnp.zeros((_NL,), jnp.float32)
        for g in range(_BPW // _NL):
            rows16 = lax.broadcasted_iota(jnp.int32, (_NL,), 0) + (g * _NL)
            ss = jnp.zeros((_NL,), jnp.float32)
            dot = jnp.zeros((_NL,), jnp.float32)
            for c in range(_D):
                col16 = jnp.full((_NL,), c, jnp.int32)
                xv = plsc.load_gather(x_v, [rows16, col16])
                fv = plsc.load_gather(rows_v, [rows16, col16])
                ss = ss + xv * xv
                dot = dot + xv * fv
            rnorm = _rsqrt_newton(jnp.maximum(ss, 1e-24))
            acc = acc + dot * rnorm * (1.0 / _TEMP)
        acc_v[...] = acc
        pltpu.sync_copy(acc_v, out_hbm.at[wid])

    return body(features, targets, inputs)


def _tc_body(x_ref, f_ref, out_ref, xs_s, acc_s):
    k = pl.program_id(0)

    @pl.when(k == 0)
    def _init():
        x = x_ref[...]
        norm = jnp.maximum(
            jnp.sqrt(jnp.sum(x * x, axis=1, keepdims=True)), 1e-12)
        xs_s[...] = (x * (_LOG2E / (norm * _TEMP))).astype(jnp.bfloat16)
        acc_s[...] = jnp.zeros_like(acc_s)

    logits2 = lax.dot_general(
        xs_s[...], f_ref[...].astype(jnp.bfloat16),
        (((1,), (1,)), ((), ())),
        preferred_element_type=jnp.float32)
    acc_s[...] += jnp.sum(jnp.exp2(logits2), axis=1, keepdims=True)

    @pl.when(k == _K - 1)
    def _fin():
        out_ref[0, 0] = jnp.mean(jnp.log(acc_s[...]))


def kernel(inputs, targets, features):
    tgt_parts = _sc_target_logits(features, targets.astype(jnp.int32),
                                  inputs)
    mean_lse = pl.pallas_call(
        _tc_body,
        grid=(_K,),
        in_specs=[
            pl.BlockSpec((_B, _D), lambda k: (0, 0)),
            pl.BlockSpec((_R, _D), lambda k: (k, 0)),
        ],
        out_specs=pl.BlockSpec(
            (1, 1), lambda k: (0, 0), memory_space=pltpu.SMEM),
        out_shape=jax.ShapeDtypeStruct((1, 1), jnp.float32),
        scratch_shapes=[
            pltpu.VMEM((_B, _D), jnp.bfloat16),
            pltpu.VMEM((_B, 1), jnp.float32),
        ],
        compiler_params=pltpu.CompilerParams(
            dimension_semantics=("arbitrary",),
            vmem_limit_bytes=110 * 1024 * 1024),
    )(inputs, features)
    return mean_lse[0, 0] - jnp.sum(tgt_parts) * (1.0 / _B)

# --- scband reference (transcript-rebuilt; emitter-appended) ---
"""Pipeline reference for scband-hard-cluster-memory-15710990369517 (READ-ONLY COPY).

The authoritative reference and input builder live on the scoring server;
editing this copy changes nothing except your own understanding.
"""

import jax, jax.numpy as jnp
import numpy as np

NUM_SAMPLES = 100000
NUM_FEATURES = 64
BATCH = 1024
TEMP = 0.05


def setup_inputs(seed: int = 0) -> dict:
    key = jax.random.key(seed)
    k1, k2, k3 = jax.random.split(key, 3)
    inputs = jax.random.normal(k1, (BATCH, NUM_FEATURES), dtype=jnp.float32)
    targets = jax.random.randint(k2, (BATCH,), 0, NUM_SAMPLES, dtype=jnp.int32)
    # memory bank ('features' buffer). Registered as zeros in the module, but we
    # materialize a populated (row-normalized) bank so logits are non-degenerate.
    features = jax.random.normal(k3, (NUM_SAMPLES, NUM_FEATURES), dtype=jnp.float32)
    features = features / jnp.clip(jnp.linalg.norm(features, axis=1, keepdims=True), 1e-12)
    return {"inputs": inputs, "targets": targets, "features": features}


def reference(inputs, targets, features):
    # F.normalize(inputs, dim=1) with eps=1e-12
    norms = jnp.clip(jnp.linalg.norm(inputs, axis=1, keepdims=True), 1e-12)
    x = inputs / norms
    # EM_Hard.forward: inputs.mm(proxies.t())
    outputs = x @ features.T
    outputs = outputs / TEMP
    # F.cross_entropy(outputs, targets), mean reduction
    lse = jax.nn.logsumexp(outputs, axis=1)
    tgt = jnp.take_along_axis(outputs, targets[:, None].astype(jnp.int32), axis=1)[:, 0]
    loss = jnp.mean(lse - tgt)
    return loss

if __name__ == "__main__":
    import jax
    _d = setup_inputs()
    print(jax.jit(kernel)(*tuple(_d.values())))

</pallas_src>

<mosaic_0001>
#map = affine_map<(d0, d1) -> (0, 0)>
#map1 = affine_map<(d0, d1) -> (0)>
module attributes {stable_mosaic.version = 14 : i64} {
  func.func @body(%arg0: i32, %arg1: i32, %arg2: memref<100000x64xf32, #tpu.memory_space<hbm>>, %arg3: memref<1024xi32, #tpu.memory_space<hbm>>, %arg4: memref<1024x64xf32, #tpu.memory_space<hbm>>, %arg5: memref<32x16xf32, #tpu.memory_space<hbm>>, %arg6: memref<32xi32, #tpu.memory_space<vmem>>, %arg7: memref<32x64xf32, #tpu.memory_space<vmem>>, %arg8: memref<32x64xf32, #tpu.memory_space<vmem>>, %arg9: memref<16xf32, #tpu.memory_space<vmem>>, %arg10: memref<!tpu.dma_semaphore, #tpu.memory_space<semaphore_mem>>) attributes {dimension_semantics = [#tpu.dimension_semantics<core_parallel>, #tpu.dimension_semantics<subcore_parallel>], iteration_bounds = array<i64: 2, 16>, scalar_prefetch = 0 : i64, scratch_operands = 5 : i64, tpu.core_type = #tpu.core_type<sc_vector_subcore>, window_params = [{transform_indices = #map}, {transform_indices = #map1}, {transform_indices = #map}, {transform_indices = #map}]} {
    %mul3A = arith.constant 2 : i32
    %mul3A_0 = arith.muli %arg1, %mul3A : i32
    %add3A = arith.addi %mul3A_0, %arg0 : i32
    %mul3A_1 = arith.constant 32 : i32
    %mul3A_2 = arith.muli %add3A, %mul3A_1 : i32
    "tpu.region"() ({
      %run_scoped3A = tpu.sem_alloc : memref<!tpu.dma_semaphore, #tpu.memory_space<semaphore_mem>>
      %dma_start3A_1828 = tpu.memref_slice %arg3[%mul3A_2] : memref<1024xi32, #tpu.memory_space<hbm>> -> memref<32xi32, #tpu.memory_space<hbm>>
      %dma_start3A_1829 = tpu.memref_slice %arg3[%mul3A_2] : memref<1024xi32, #tpu.memory_space<hbm>> -> memref<32xi32, #tpu.memory_space<hbm>>
      tpu.enqueue_dma source(%dma_start3A_1829 : memref<32xi32, #tpu.memory_space<hbm>>) target(%arg6 : memref<32xi32, #tpu.memory_space<vmem>>) target_semaphore(%run_scoped3A : memref<!tpu.dma_semaphore, #tpu.memory_space<semaphore_mem>>)
      %dma_wait3A_1830 = tpu.memref_slice %arg3[%mul3A_2] : memref<1024xi32, #tpu.memory_space<hbm>> -> memref<32xi32, #tpu.memory_space<hbm>>
      %dma_wait3A_1831 = tpu.memref_slice %arg3[%mul3A_2] : memref<1024xi32, #tpu.memory_space<hbm>> -> memref<32xi32, #tpu.memory_space<hbm>>
      tpu.wait_dma2 semaphore(%run_scoped3A : memref<!tpu.dma_semaphore, #tpu.memory_space<semaphore_mem>>) src(%dma_wait3A_1831 : memref<32xi32, #tpu.memory_space<hbm>>) dst(%arg6 : memref<32xi32, #tpu.memory_space<vmem>>)
      tpu.yield
    }) : () -> ()
    %get3A = arith.constant 0 : index
    %get3A_3 = tpu.vector_load %arg6[%get3A] {strides = array<i32>} : memref<32xi32, #tpu.memory_space<vmem>>, vector<16xi32>,
    %slice3A = vector.extract_strided_slice %get3A_3 {offsets = [0], sizes = [1], strides = [1]} : vector<16xi32> to vector<1xi32>
    %squeeze3A = vector.extract %slice3A[0] : i32 from vector<1xi32>
    %dma_start3A = arith.constant 0 : i32
    %dma_start3A_4 = arith.constant 0 : i32
    %dma_start3A_5 = tpu.memref_slice %arg7[%dma_start3A, %dma_start3A_4] : memref<32x64xf32, #tpu.memory_space<vmem>> -> memref<1x64xf32, #tpu.memory_space<vmem>>
    %dma_start3A_6 = arith.constant 0 : i32
    %dma_start3A_7 = tpu.memref_slice %arg2[%squeeze3A, %dma_start3A_6] : memref<100000x64xf32, #tpu.memory_space<hbm>> -> memref<1x64xf32, #tpu.memory_space<hbm>>
    %dma_start3A_8 = arith.constant 0 : i32
    %dma_start3A_9 = arith.constant 0 : i32
    %dma_start3A_10 = tpu.memref_slice %arg7[%dma_start3A_8, %dma_start3A_9] : memref<32x64xf32, #tpu.memory_space<vmem>> -> memref<1x64xf32, #tpu.memory_space<vmem>>
    %dma_start3A_11 = arith.constant 0 : i32
    %dma_start3A_12 = tpu.memref_slice %arg2[%squeeze3A, %dma_start3A_11] : memref<100000x64xf32, #tpu.memory_space<hbm>> -> memref<1x64xf32, #tpu.memory_space<hbm>>
    tpu.enqueue_dma source(%dma_start3A_12 : memref<1x64xf32, #tpu.memory_space<hbm>>) target(%dma_start3A_10 : memref<1x64xf32, #tpu.memory_space<vmem>>) target_semaphore(%arg10 : memref<!tpu.dma_semaphore, #tpu.memory_space<semaphore_mem>>)
    %slice3A_13 = vector.extract_strided_slice %get3A_3 {offsets = [1], sizes = [1], strides = [1]} : vector<16xi32> to vector<1xi32>
    %squeeze3A_14 = vector.extract %slice3A_13[0] : i32 from vector<1xi32>
    %dma_start3A_15 = arith.constant 1 : i32
    %dma_start3A_16 = arith.constant 0 : i32
    %dma_start3A_17 = tpu.memref_slice %arg7[%dma_start3A_15, %dma_start3A_16] : memref<32x64xf32, #tpu.memory_space<vmem>> -> memref<1x64xf32, #tpu.memory_space<vmem>>
    %dma_start3A_18 = arith.constant 0 : i32
    %dma_start3A_19 = tpu.memref_slice %arg2[%squeeze3A_14, %dma_start3A_18] : memref<100000x64xf32, #tpu.memory_space<hbm>> -> memref<1x64xf32, #tpu.memory_space<hbm>>
    %dma_start3A_20 = arith.constant 1 : i32
    %dma_start3A_21 = arith.constant 0 : i32
    %dma_start3A_22 = tpu.memref_slice %arg7[%dma_start3A_20, %dma_start3A_21] : memref<32x64xf32, #tpu.memory_space<vmem>> -> memref<1x64xf32, #tpu.memory_space<vmem>>
    %dma_start3A_23 = arith.constant 0 : i32
    %dma_start3A_24 = tpu.memref_slice %arg2[%squeeze3A_14, %dma_start3A_23] : memref<100000x64xf32, #tpu.memory_space<hbm>> -> memref<1x64xf32, #tpu.memory_space<hbm>>
    tpu.enqueue_dma source(%dma_start3A_24 : memref<1x64xf32, #tpu.memory_space<hbm>>) target(%dma_start3A_22 : memref<1x64xf32, #tpu.memory_space<vmem>>) target_semaphore(%arg10 : memref<!tpu.dma_semaphore, #tpu.memory_space<semaphore_mem>>)
    %slice3A_25 = vector.extract_strided_slice %get3A_3 {offsets = [2], sizes = [1], strides = [1]} : vector<16xi32> to vector<1xi32>
    %squeeze3A_26 = vector.extract %slice3A_25[0] : i32 from vector<1xi32>
    %dma_start3A_27 = arith.constant 2 : i32
    %dma_start3A_28 = arith.constant 0 : i32
    %dma_start3A_29 = tpu.memref_slice %arg7[%dma_start3A_27, %dma_start3A_28] : memref<32x64xf32, #tpu.memory_space<vmem>> -> memref<1x64xf32, #tpu.memory_space<vmem>>
    %dma_start3A_30 = arith.constant 0 : i32
    %dma_start3A_31 = tpu.memref_slice %arg2[%squeeze3A_26, %dma_start3A_30] : memref<100000x64xf32, #tpu.memory_space<hbm>> -> memref<1x64xf32, #tpu.memory_space<hbm>>
    %dma_start3A_32 = arith.constant 2 : i32
    %dma_start3A_33 = arith.constant 0 : i32
    %dma_start3A_34 = tpu.memref_slice %arg7[%dma_start3A_32, %dma_start3A_33] : memref<32x64xf32, #tpu.memory_space<vmem>> -> memref<1x64xf32, #tpu.memory_space<vmem>>
    %dma_start3A_35 = arith.constant 0 : i32
    %dma_start3A_36 = tpu.memref_slice %arg2[%squeeze3A_26, %dma_start3A_35] : memref<100000x64xf32, #tpu.memory_space<hbm>> -> memref<1x64xf32, #tpu.memory_space<hbm>>
    tpu.enqueue_dma source(%dma_start3A_36 : memref<1x64xf32, #tpu.memory_space<hbm>>) target(%dma_start3A_34 : memref<1x64xf32, #tpu.memory_space<vmem>>) target_semaphore(%arg10 : memref<!tpu.dma_semaphore, #tpu.memory_space<semaphore_mem>>)
    %slice3A_37 = vector.extract_strided_slice %get3A_3 {offsets = [3], sizes = [1], strides = [1]} : vector<16xi32> to vector<1xi32>
    %squeeze3A_38 = vector.extract %slice3A_37[0] : i32 from vector<1xi32>
    %dma_start3A_39 = arith.constant 3 : i32
    %dma_start3A_40 = arith.constant 0 : i32
    %dma_start3A_41 = tpu.memref_slice %arg7[%dma_start3A_39, %dma_start3A_40] : memref<32x64xf32, #tpu.memory_space<vmem>> -> memref<1x64xf32, #tpu.memory_space<vmem>>
    %dma_start3A_42 = arith.constant 0 : i32
    %dma_start3A_43 = tpu.memref_slice %arg2[%squeeze3A_38, %dma_start3A_42] : memref<100000x64xf32, #tpu.memory_space<hbm>> -> memref<1x64xf32, #tpu.memory_space<hbm>>
    %dma_start3A_44 = arith.constant 3 : i32
    %dma_start3A_45 = arith.constant 0 : i32
    %dma_start3A_46 = tpu.memref_slice %arg7[%dma_start3A_44, %dma_start3A_45] : memref<32x64xf32, #tpu.memory_space<vmem>> -> memref<1x64xf32, #tpu.memory_space<vmem>>
    %dma_start3A_47 = arith.constant 0 : i32
    %dma_start3A_48 = tpu.memref_slice %arg2[%squeeze3A_38, %dma_start3A_47] : memref<100000x64xf32, #tpu.memory_space<hbm>> -> memref<1x64xf32, #tpu.memory_space<hbm>>
    tpu.enqueue_dma source(%dma_start3A_48 : memref<1x64xf32, #tpu.memory_space<hbm>>) target(%dma_start3A_46 : memref<1x64xf32, #tpu.memory_space<vmem>>) target_semaphore(%arg10 : memref<!tpu.dma_semaphore, #tpu.memory_space<semaphore_mem>>)
    %slice3A_49 = vector.extract_strided_slice %get3A_3 {offsets = [4], sizes = [1], strides = [1]} : vector<16xi32> to vector<1xi32>
    %squeeze3A_50 = vector.extract %slice3A_49[0] : i32 from vector<1xi32>
    %dma_start3A_51 = arith.constant 4 : i32
    %dma_start3A_52 = arith.constant 0 : i32
    %dma_start3A_53 = tpu.memref_slice %arg7[%dma_start3A_51, %dma_start3A_52] : memref<32x64xf32, #tpu.memory_space<vmem>> -> memref<1x64xf32, #tpu.memory_space<vmem>>
    %dma_start3A_54 = arith.constant 0 : i32
    %dma_start3A_55 = tpu.memref_slice %arg2[%squeeze3A_50, %dma_start3A_54] : memref<100000x64xf32, #tpu.memory_space<hbm>> -> memref<1x64xf32, #tpu.memory_space<hbm>>
    %dma_start3A_56 = arith.constant 4 : i32
    %dma_start3A_57 = arith.constant 0 : i32
    %dma_start3A_58 = tpu.memref_slice %arg7[%dma_start3A_56, %dma_start3A_57] : memref<32x64xf32, #tpu.memory_space<vmem>> -> memref<1x64xf32, #tpu.memory_space<vmem>>
    %dma_start3A_59 = arith.constant 0 : i32
    %dma_start3A_60 = tpu.memref_slice %arg2[%squeeze3A_50, %dma_start3A_59] : memref<100000x64xf32, #tpu.memory_space<hbm>> -> memref<1x64xf32, #tpu.memory_space<hbm>>
    tpu.enqueue_dma source(%dma_start3A_60 : memref<1x64xf32, #tpu.memory_space<hbm>>) target(%dma_start3A_58 : memref<1x64xf32, #tpu.memory_space<vmem>>) target_semaphore(%arg10 : memref<!tpu.dma_semaphore, #tpu.memory_space<semaphore_mem>>)
    %slice3A_61 = vector.extract_strided_slice %get3A_3 {offsets = [5], sizes = [1], strides = [1]} : vector<16xi32> to vector<1xi32>
    %squeeze3A_62 = vector.extract %slice3A_61[0] : i32 from vector<1xi32>
    %dma_start3A_63 = arith.constant 5 : i32
    %dma_start3A_64 = arith.constant 0 : i32
    %dma_start3A_65 = tpu.memref_slice %arg7[%dma_start3A_63, %dma_start3A_64] : memref<32x64xf32, #tpu.memory_space<vmem>> -> memref<1x64xf32, #tpu.memory_space<vmem>>
    %dma_start3A_66 = arith.constant 0 : i32
    %dma_start3A_67 = tpu.memref_slice %arg2[%squeeze3A_62, %dma_start3A_66] : memref<100000x64xf32, #tpu.memory_space<hbm>> -> memref<1x64xf32, #tpu.memory_space<hbm>>
    %dma_start3A_68 = arith.constant 5 : i32
    %dma_start3A_69 = arith.constant 0 : i32
    %dma_start3A_70 = tpu.memref_slice %arg7[%dma_start3A_68, %dma_start3A_69] : memref<32x64xf32, #tpu.memory_space<vmem>> -> memref<1x64xf32, #tpu.memory_space<vmem>>
    %dma_start3A_71 = arith.constant 0 : i32
    %dma_start3A_72 = tpu.memref_slice %arg2[%squeeze3A_62, %dma_start3A_71] : memref<100000x64xf32, #tpu.memory_space<hbm>> -> memref<1x64xf32, #tpu.memory_space<hbm>>
    tpu.enqueue_dma source(%dma_start3A_72 : memref<1x64xf32, #tpu.memory_space<hbm>>) target(%dma_start3A_70 : memref<1x64xf32, #tpu.memory_space<vmem>>) target_semaphore(%arg10 : memref<!tpu.dma_semaphore, #tpu.memory_space<semaphore_mem>>)
    %slice3A_73 = vector.extract_strided_slice %get3A_3 {offsets = [6], sizes = [1], strides = [1]} : vector<16xi32> to vector<1xi32>
    %squeeze3A_74 = vector.extract %slice3A_73[0] : i32 from vector<1xi32>
    %dma_start3A_75 = arith.constant 6 : i32
    %dma_start3A_76 = arith.constant 0 : i32
    %dma_start3A_77 = tpu.memref_slice %arg7[%dma_start3A_75, %dma_start3A_76] : memref<32x64xf32, #tpu.memory_space<vmem>> -> memref<1x64xf32, #tpu.memory_space<vmem>>
    %dma_start3A_78 = arith.constant 0 : i32
    %dma_start3A_79 = tpu.memref_slice %arg2[%squeeze3A_74, %dma_start3A_78] : memref<100000x64xf32, #tpu.memory_space<hbm>> -> memref<1x64xf32, #tpu.memory_space<hbm>>
    %dma_start3A_80 = arith.constant 6 : i32
    %dma_start3A_81 = arith.constant 0 : i32
    %dma_start3A_82 = tpu.memref_slice %arg7[%dma_start3A_80, %dma_start3A_81] : memref<32x64xf32, #tpu.memory_space<vmem>> -> memref<1x64xf32, #tpu.memory_space<vmem>>
    %dma_start3A_83 = arith.constant 0 : i32
    %dma_start3A_84 = tpu.memref_slice %arg2[%squeeze3A_74, %dma_start3A_83] : memref<100000x64xf32, #tpu.memory_space<hbm>> -> memref<1x64xf32, #tpu.memory_space<hbm>>
    tpu.enqueue_dma source(%dma_start3A_84 : memref<1x64xf32, #tpu.memory_space<hbm>>) target(%dma_start3A_82 : memref<1x64xf32, #tpu.memory_space<vmem>>) target_semaphore(%arg10 : memref<!tpu.dma_semaphore, #tpu.memory_space<semaphore_mem>>)
    %slice3A_85 = vector.extract_strided_slice %get3A_3 {offsets = [7], sizes = [1], strides = [1]} : vector<16xi32> to vector<1xi32>
    %squeeze3A_86 = vector.extract %slice3A_85[0] : i32 from vector<1xi32>
    %dma_start3A_87 = arith.constant 7 : i32
    %dma_start3A_88 = arith.constant 0 : i32
    %dma_start3A_89 = tpu.memref_slice %arg7[%dma_start3A_87, %dma_start3A_88] : memref<32x64xf32, #tpu.memory_space<vmem>> -> memref<1x64xf32, #tpu.memory_space<vmem>>
    %dma_start3A_90 = arith.constant 0 : i32
    %dma_start3A_91 = tpu.memref_slice %arg2[%squeeze3A_86, %dma_start3A_90] : memref<100000x64xf32, #tpu.memory_space<hbm>> -> memref<1x64xf32, #tpu.memory_space<hbm>>
    %dma_start3A_92 = arith.constant 7 : i32
    %dma_start3A_93 = arith.constant 0 : i32
    %dma_start3A_94 = tpu.memref_slice %arg7[%dma_start3A_92, %dma_start3A_93] : memref<32x64xf32, #tpu.memory_space<vmem>> -> memref<1x64xf32, #tpu.memory_space<vmem>>
    %dma_start3A_95 = arith.constant 0 : i32
    %dma_start3A_96 = tpu.memref_slice %arg2[%squeeze3A_86, %dma_start3A_95] : memref<100000x64xf32, #tpu.memory_space<hbm>> -> memref<1x64xf32, #tpu.memory_space<hbm>>
    tpu.enqueue_dma source(%dma_start3A_96 : memref<1x64xf32, #tpu.memory_space<hbm>>) target(%dma_start3A_94 : memref<1x64xf32, #tpu.memory_space<vmem>>) target_semaphore(%arg10 : memref<!tpu.dma_semaphore, #tpu.memory_space<semaphore_mem>>)
    %slice3A_97 = vector.extract_strided_slice %get3A_3 {offsets = [8], sizes = [1], strides = [1]} : vector<16xi32> to vector<1xi32>
    %squeeze3A_98 = vector.extract %slice3A_97[0] : i32 from vector<1xi32>
    %dma_start3A_99 = arith.constant 8 : i32
    %dma_start3A_100 = arith.constant 0 : i32
    %dma_start3A_101 = tpu.memref_slice %arg7[%dma_start3A_99, %dma_start3A_100] : memref<32x64xf32, #tpu.memory_space<vmem>> -> memref<1x64xf32, #tpu.memory_space<vmem>>
    %dma_start3A_102 = arith.constant 0 : i32
    %dma_start3A_103 = tpu.memref_slice %arg2[%squeeze3A_98, %dma_start3A_102] : memref<100000x64xf32, #tpu.memory_space<hbm>> -> memref<1x64xf32, #tpu.memory_space<hbm>>
    %dma_start3A_104 = arith.constant 8 : i32
    %dma_start3A_105 = arith.constant 0 : i32
    %dma_start3A_106 = tpu.memref_slice %arg7[%dma_start3A_104, %dma_start3A_105] : memref<32x64xf32, #tpu.memory_space<vmem>> -> memref<1x64xf32, #tpu.memory_space<vmem>>
    %dma_start3A_107 = arith.constant 0 : i32
    %dma_start3A_108 = tpu.memref_slice %arg2[%squeeze3A_98, %dma_start3A_107] : memref<100000x64xf32, #tpu.memory_space<hbm>> -> memref<1x64xf32, #tpu.memory_space<hbm>>
    tpu.enqueue_dma source(%dma_start3A_108 : memref<1x64xf32, #tpu.memory_space<hbm>>) target(%dma_start3A_106 : memref<1x64xf32, #tpu.memory_space<vmem>>) target_semaphore(%arg10 : memref<!tpu.dma_semaphore, #tpu.memory_space<semaphore_mem>>)
    %slice3A_109 = vector.extract_strided_slice %get3A_3 {offsets = [9], sizes = [1], strides = [1]} : vector<16xi32> to vector<1xi32>
    %squeeze3A_110 = vector.extract %slice3A_109[0] : i32 from vector<1xi32>
    %dma_start3A_111 = arith.constant 9 : i32
    %dma_start3A_112 = arith.constant 0 : i32
    %dma_start3A_113 = tpu.memref_slice %arg7[%dma_start3A_111, %dma_start3A_112] : memref<32x64xf32, #tpu.memory_space<vmem>> -> memref<1x64xf32, #tpu.memory_space<vmem>>
    %dma_start3A_114 = arith.constant 0 : i32
    %dma_start3A_115 = tpu.memref_slice %arg2[%squeeze3A_110, %dma_start3A_114] : memref<100000x64xf32, #tpu.memory_space<hbm>> -> memref<1x64xf32, #tpu.memory_space<hbm>>
    %dma_start3A_116 = arith.constant 9 : i32
    %dma_start3A_117 = arith.constant 0 : i32
    %dma_start3A_118 = tpu.memref_slice %arg7[%dma_start3A_116, %dma_start3A_117] : memref<32x64xf32, #tpu.memory_space<vmem>> -> memref<1x64xf32, #tpu.memory_space<vmem>>
    %dma_start3A_119 = arith.constant 0 : i32
    %dma_start3A_120 = tpu.memref_slice %arg2[%squeeze3A_110, %dma_start3A_119] : memref<100000x64xf32, #tpu.memory_space<hbm>> -> memref<1x64xf32, #tpu.memory_space<hbm>>
    tpu.enqueue_dma source(%dma_start3A_120 : memref<1x64xf32, #tpu.memory_space<hbm>>) target(%dma_start3A_118 : memref<1x64xf32, #tpu.memory_space<vmem>>) target_semaphore(%arg10 : memref<!tpu.dma_semaphore, #tpu.memory_space<semaphore_mem>>)
    %slice3A_121 = vector.extract_strided_slice %get3A_3 {offsets = [10], sizes = [1], strides = [1]} : vector<16xi32> to vector<1xi32>
    %squeeze3A_122 = vector.extract %slice3A_121[0] : i32 from vector<1xi32>
    %dma_start3A_123 = arith.constant 10 : i32
    %dma_start3A_124 = arith.constant 0 : i32
    %dma_start3A_125 = tpu.memref_slice %arg7[%dma_start3A_123, %dma_start3A_124] : memref<32x64xf32, #tpu.memory_space<vmem>> -> memref<1x64xf32, #tpu.memory_space<vmem>>
    %dma_start3A_126 = arith.constant 0 : i32
    %dma_start3A_127 = tpu.memref_slice %arg2[%squeeze3A_122, %dma_start3A_126] : memref<100000x64xf32, #tpu.memory_space<hbm>> -> memref<1x64xf32, #tpu.memory_space<hbm>>
    %dma_start3A_128 = arith.constant 10 : i32
    %dma_start3A_129 = arith.constant 0 : i32
    %dma_start3A_130 = tpu.memref_slice %arg7[%dma_start3A_128, %dma_start3A_129] : memref<32x64xf32, #tpu.memory_space<vmem>> -> memref<1x64xf32, #tpu.memory_space<vmem>>
    %dma_start3A_131 = arith.constant 0 : i32
    %dma_start3A_132 = tpu.memref_slice %arg2[%squeeze3A_122, %dma_start3A_131] : memref<100000x64xf32, #tpu.memory_space<hbm>> -> memref<1x64xf32, #tpu.memory_space<hbm>>
    tpu.enqueue_dma source(%dma_start3A_132 : memref<1x64xf32, #tpu.memory_space<hbm>>) target(%dma_start3A_130 : memref<1x64xf32, #tpu.memory_space<vmem>>) target_semaphore(%arg10 : memref<!tpu.dma_semaphore, #tpu.memory_space<semaphore_mem>>)
    %slice3A_133 = vector.extract_strided_slice %get3A_3 {offsets = [11], sizes = [1], strides = [1]} : vector<16xi32> to vector<1xi32>
    %squeeze3A_134 = vector.extract %slice3A_133[0] : i32 from vector<1xi32>
    %dma_start3A_135 = arith.constant 11 : i32
    %dma_start3A_136 = arith.constant 0 : i32
    %dma_start3A_137 = tpu.memref_slice %arg7[%dma_start3A_135, %dma_start3A_136] : memref<32x64xf32, #tpu.memory_space<vmem>> -> memref<1x64xf32, #tpu.memory_space<vmem>>
    %dma_start3A_138 = arith.constant 0 : i32
    %dma_start3A_139 = tpu.memref_slice %arg2[%squeeze3A_134, %dma_start3A_138] : memref<100000x64xf32, #tpu.memory_space<hbm>> -> memref<1x64xf32, #tpu.memory_space<hbm>>
    %dma_start3A_140 = arith.constant 11 : i32
    %dma_start3A_141 = arith.constant 0 : i32
    %dma_start3A_142 = tpu.memref_slice %arg7[%dma_start3A_140, %dma_start3A_141] : memref<32x64xf32, #tpu.memory_space<vmem>> -> memref<1x64xf32, #tpu.memory_space<vmem>>
    %dma_start3A_143 = arith.constant 0 : i32
    %dma_start3A_144 = tpu.memref_slice %arg2[%squeeze3A_134, %dma_start3A_143] : memref<100000x64xf32, #tpu.memory_space<hbm>> -> memref<1x64xf32, #tpu.memory_space<hbm>>
    tpu.enqueue_dma source(%dma_start3A_144 : memref<1x64xf32, #tpu.memory_space<hbm>>) target(%dma_start3A_142 : memref<1x64xf32, #tpu.memory_space<vmem>>) target_semaphore(%arg10 : memref<!tpu.dma_semaphore, #tpu.memory_space<semaphore_mem>>)
    %slice3A_145 = vector.extract_strided_slice %get3A_3 {offsets = [12], sizes = [1], strides = [1]} : vector<16xi32> to vector<1xi32>
    %squeeze3A_146 = vector.extract %slice3A_145[0] : i32 from vector<1xi32>
    %dma_start3A_147 = arith.constant 12 : i32
    %dma_start3A_148 = arith.constant 0 : i32
    %dma_start3A_149 = tpu.memref_slice %arg7[%dma_start3A_147, %dma_start3A_148] : memref<32x64xf32, #tpu.memory_space<vmem>> -> memref<1x64xf32, #tpu.memory_space<vmem>>
    %dma_start3A_150 = arith.constant 0 : i32
    %dma_start3A_151 = tpu.memref_slice %arg2[%squeeze3A_146, %dma_start3A_150] : memref<100000x64xf32, #tpu.memory_space<hbm>> -> memref<1x64xf32, #tpu.memory_space<hbm>>
    %dma_start3A_152 = arith.constant 12 : i32
    %dma_start3A_153 = arith.constant 0 : i32
    %dma_start3A_154 = tpu.memref_slice %arg7[%dma_start3A_152, %dma_start3A_153] : memref<32x64xf32, #tpu.memory_space<vmem>> -> memref<1x64xf32, #tpu.memory_space<vmem>>
    %dma_start3A_155 = arith.constant 0 : i32
    %dma_start3A_156 = tpu.memref_slice %arg2[%squeeze3A_146, %dma_start3A_155] : memref<100000x64xf32, #tpu.memory_space<hbm>> -> memref<1x64xf32, #tpu.memory_space<hbm>>
    tpu.enqueue_dma source(%dma_start3A_156 : memref<1x64xf32, #tpu.memory_space<hbm>>) target(%dma_start3A_154 : memref<1x64xf32, #tpu.memory_space<vmem>>) target_semaphore(%arg10 : memref<!tpu.dma_semaphore, #tpu.memory_space<semaphore_mem>>)
    %slice3A_157 = vector.extract_strided_slice %get3A_3 {offsets = [13], sizes = [1], strides = [1]} : vector<16xi32> to vector<1xi32>
    %squeeze3A_158 = vector.extract %slice3A_157[0] : i32 from vector<1xi32>
    %dma_start3A_159 = arith.constant 13 : i32
    %dma_start3A_160 = arith.constant 0 : i32
    %dma_start3A_161 = tpu.memref_slice %arg7[%dma_start3A_159, %dma_start3A_160] : memref<32x64xf32, #tpu.memory_space<vmem>> -> memref<1x64xf32, #tpu.memory_space<vmem>>
    %dma_start3A_162 = arith.constant 0 : i32
    %dma_start3A_163 = tpu.memref_slice %arg2[%squeeze3A_158, %dma_start3A_162] : memref<100000x64xf32, #tpu.memory_space<hbm>> -> memref<1x64xf32, #tpu.memory_space<hbm>>
    %dma_start3A_164 = arith.constant 13 : i32
    %dma_start3A_165 = arith.constant 0 : i32
    %dma_start3A_166 = tpu.memref_slice %arg7[%dma_start3A_164, %dma_start3A_165] : memref<32x64xf32, #tpu.memory_space<vmem>> -> memref<1x64xf32, #tpu.memory_space<vmem>>
    %dma_start3A_167 = arith.constant 0 : i32
    %dma_start3A_168 = tpu.memref_slice %arg2[%squeeze3A_158, %dma_start3A_167] : memref<100000x64xf32, #tpu.memory_space<hbm>> -> memref<1x64xf32, #tpu.memory_space<hbm>>
    tpu.enqueue_dma source(%dma_start3A_168 : memref<1x64xf32, #tpu.memory_space<hbm>>) target(%dma_start3A_166 : memref<1x64xf32, #tpu.memory_space<vmem>>) target_semaphore(%arg10 : memref<!tpu.dma_semaphore, #tpu.memory_space<semaphore_mem>>)
    %slice3A_169 = vector.extract_strided_slice %get3A_3 {offsets = [14], sizes = [1], strides = [1]} : vector<16xi32> to vector<1xi32>
    %squeeze3A_170 = vector.extract %slice3A_169[0] : i32 from vector<1xi32>
    %dma_start3A_171 = arith.constant 14 : i32
    %dma_start3A_172 = arith.constant 0 : i32
    %dma_start3A_173 = tpu.memref_slice %arg7[%dma_start3A_171, %dma_start3A_172] : memref<32x64xf32, #tpu.memory_space<vmem>> -> memref<1x64xf32, #tpu.memory_space<vmem>>
    %dma_start3A_174 = arith.constant 0 : i32
    %dma_start3A_175 = tpu.memref_slice %arg2[%squeeze3A_170, %dma_start3A_174] : memref<100000x64xf32, #tpu.memory_space<hbm>> -> memref<1x64xf32, #tpu.memory_space<hbm>>
    %dma_start3A_176 = arith.constant 14 : i32
    %dma_start3A_177 = arith.constant 0 : i32
    %dma_start3A_178 = tpu.memref_slice %arg7[%dma_start3A_176, %dma_start3A_177] : memref<32x64xf32, #tpu.memory_space<vmem>> -> memref<1x64xf32, #tpu.memory_space<vmem>>
    %dma_start3A_179 = arith.constant 0 : i32
    %dma_start3A_180 = tpu.memref_slice %arg2[%squeeze3A_170, %dma_start3A_179] : memref<100000x64xf32, #tpu.memory_space<hbm>> -> memref<1x64xf32, #tpu.memory_space<hbm>>
    tpu.enqueue_dma source(%dma_start3A_180 : memref<1x64xf32, #tpu.memory_space<hbm>>) target(%dma_start3A_178 : memref<1x64xf32, #tpu.memory_space<vmem>>) target_semaphore(%arg10 : memref<!tpu.dma_semaphore, #tpu.memory_space<semaphore_mem>>)
    %slice3A_181 = vector.extract_strided_slice %get3A_3 {offsets = [15], sizes = [1], strides = [1]} : vector<16xi32> to vector<1xi32>
    %squeeze3A_182 = vector.extract %slice3A_181[0] : i32 from vector<1xi32>
    %dma_start3A_183 = arith.constant 15 : i32
    %dma_start3A_184 = arith.constant 0 : i32
    %dma_start3A_185 = tpu.memref_slice %arg7[%dma_start3A_183, %dma_start3A_184] : memref<32x64xf32, #tpu.memory_space<vmem>> -> memref<1x64xf32, #tpu.memory_space<vmem>>
    %dma_start3A_186 = arith.constant 0 : i32
    %dma_start3A_187 = tpu.memref_slice %arg2[%squeeze3A_182, %dma_start3A_186] : memref<100000x64xf32, #tpu.memory_space<hbm>> -> memref<1x64xf32, #tpu.memory_space<hbm>>
    %dma_start3A_188 = arith.constant 15 : i32
    %dma_start3A_189 = arith.constant 0 : i32
    %dma_start3A_190 = tpu.memref_slice %arg7[%dma_start3A_188, %dma_start3A_189] : memref<32x64xf32, #tpu.memory_space<vmem>> -> memref<1x64xf32, #tpu.memory_space<vmem>>
    %dma_start3A_191 = arith.constant 0 : i32
    %dma_start3A_192 = tpu.memref_slice %arg2[%squeeze3A_182, %dma_start3A_191] : memref<100000x64xf32, #tpu.memory_space<hbm>> -> memref<1x64xf32, #tpu.memory_space<hbm>>
    tpu.enqueue_dma source(%dma_start3A_192 : memref<1x64xf32, #tpu.memory_space<hbm>>) target(%dma_start3A_190 : memref<1x64xf32, #tpu.memory_space<vmem>>) target_semaphore(%arg10 : memref<!tpu.dma_semaphore, #tpu.memory_space<semaphore_mem>>)
    %get3A_193 = arith.constant 16 : index
    %get3A_194 = tpu.vector_load %arg6[%get3A_193] {strides = array<i32>} : memref<32xi32, #tpu.memory_space<vmem>>, vector<16xi32>,
    %slice3A_195 = vector.extract_strided_slice %get3A_194 {offsets = [0], sizes = [1], strides = [1]} : vector<16xi32> to vector<1xi32>
    %squeeze3A_196 = vector.extract %slice3A_195[0] : i32 from vector<1xi32>
    %dma_start3A_197 = arith.constant 16 : i32
    %dma_start3A_198 = arith.constant 0 : i32
    %dma_start3A_199 = tpu.memref_slice %arg7[%dma_start3A_197, %dma_start3A_198] : memref<32x64xf32, #tpu.memory_space<vmem>> -> memref<1x64xf32, #tpu.memory_space<vmem>>
    %dma_start3A_200 = arith.constant 0 : i32
    %dma_start3A_201 = tpu.memref_slice %arg2[%squeeze3A_196, %dma_start3A_200] : memref<100000x64xf32, #tpu.memory_space<hbm>> -> memref<1x64xf32, #tpu.memory_space<hbm>>
    %dma_start3A_202 = arith.constant 16 : i32
    %dma_start3A_203 = arith.constant 0 : i32
    %dma_start3A_204 = tpu.memref_slice %arg7[%dma_start3A_202, %dma_start3A_203] : memref<32x64xf32, #tpu.memory_space<vmem>> -> memref<1x64xf32, #tpu.memory_space<vmem>>
    %dma_start3A_205 = arith.constant 0 : i32
    %dma_start3A_206 = tpu.memref_slice %arg2[%squeeze3A_196, %dma_start3A_205] : memref<100000x64xf32, #tpu.memory_space<hbm>> -> memref<1x64xf32, #tpu.memory_space<hbm>>
    tpu.enqueue_dma source(%dma_start3A_206 : memref<1x64xf32, #tpu.memory_space<hbm>>) target(%dma_start3A_204 : memref<1x64xf32, #tpu.memory_space<vmem>>) target_semaphore(%arg10 : memref<!tpu.dma_semaphore, #tpu.memory_space<semaphore_mem>>)
    %slice3A_207 = vector.extract_strided_slice %get3A_194 {offsets = [1], sizes = [1], strides = [1]} : vector<16xi32> to vector<1xi32>
    %squeeze3A_208 = vector.extract %slice3A_207[0] : i32 from vector<1xi32>
    %dma_start3A_209 = arith.constant 17 : i32
    %dma_start3A_210 = arith.constant 0 : i32
    %dma_start3A_211 = tpu.memref_slice %arg7[%dma_start3A_209, %dma_start3A_210] : memref<32x64xf32, #tpu.memory_space<vmem>> -> memref<1x64xf32, #tpu.memory_space<vmem>>
    %dma_start3A_212 = arith.constant 0 : i32
    %dma_start3A_213 = tpu.memref_slice %arg2[%squeeze3A_208, %dma_start3A_212] : memref<100000x64xf32, #tpu.memory_space<hbm>> -> memref<1x64xf32, #tpu.memory_space<hbm>>
    %dma_start3A_214 = arith.constant 17 : i32
    %dma_start3A_215 = arith.constant 0 : i32
    %dma_start3A_216 = tpu.memref_slice %arg7[%dma_start3A_214, %dma_start3A_215] : memref<32x64xf32, #tpu.memory_space<vmem>> -> memref<1x64xf32, #tpu.memory_space<vmem>>
    %dma_start3A_217 = arith.constant 0 : i32
    %dma_start3A_218 = tpu.memref_slice %arg2[%squeeze3A_208, %dma_start3A_217] : memref<100000x64xf32, #tpu.memory_space<hbm>> -> memref<1x64xf32, #tpu.memory_space<hbm>>
    tpu.enqueue_dma source(%dma_start3A_218 : memref<1x64xf32, #tpu.memory_space<hbm>>) target(%dma_start3A_216 : memref<1x64xf32, #tpu.memory_space<vmem>>) target_semaphore(%arg10 : memref<!tpu.dma_semaphore, #tpu.memory_space<semaphore_mem>>)
    %slice3A_219 = vector.extract_strided_slice %get3A_194 {offsets = [2], sizes = [1], strides = [1]} : vector<16xi32> to vector<1xi32>
    %squeeze3A_220 = vector.extract %slice3A_219[0] : i32 from vector<1xi32>
    %dma_start3A_221 = arith.constant 18 : i32
    %dma_start3A_222 = arith.constant 0 : i32
    %dma_start3A_223 = tpu.memref_slice %arg7[%dma_start3A_221, %dma_start3A_222] : memref<32x64xf32, #tpu.memory_space<vmem>> -> memref<1x64xf32, #tpu.memory_space<vmem>>
    %dma_start3A_224 = arith.constant 0 : i32
    %dma_start3A_225 = tpu.memref_slice %arg2[%squeeze3A_220, %dma_start3A_224] : memref<100000x64xf32, #tpu.memory_space<hbm>> -> memref<1x64xf32, #tpu.memory_space<hbm>>
    %dma_start3A_226 = arith.constant 18 : i32
    %dma_start3A_227 = arith.constant 0 : i32
    %dma_start3A_228 = tpu.memref_slice %arg7[%dma_start3A_226, %dma_start3A_227] : memref<32x64xf32, #tpu.memory_space<vmem>> -> memref<1x64xf32, #tpu.memory_space<vmem>>
    %dma_start3A_229 = arith.constant 0 : i32
    %dma_start3A_230 = tpu.memref_slice %arg2[%squeeze3A_220, %dma_start3A_229] : memref<100000x64xf32, #tpu.memory_space<hbm>> -> memref<1x64xf32, #tpu.memory_space<hbm>>
    tpu.enqueue_dma source(%dma_start3A_230 : memref<1x64xf32, #tpu.memory_space<hbm>>) target(%dma_start3A_228 : memref<1x64xf32, #tpu.memory_space<vmem>>) target_semaphore(%arg10 : memref<!tpu.dma_semaphore, #tpu.memory_space<semaphore_mem>>)
    %slice3A_231 = vector.extract_strided_slice %get3A_194 {offsets = [3], sizes = [1], strides = [1]} : vector<16xi32> to vector<1xi32>
    %squeeze3A_232 = vector.extract %slice3A_231[0] : i32 from vector<1xi32>
    %dma_start3A_233 = arith.constant 19 : i32
    %dma_start3A_234 = arith.constant 0 : i32
    %dma_start3A_235 = tpu.memref_slice %arg7[%dma_start3A_233, %dma_start3A_234] : memref<32x64xf32, #tpu.memory_space<vmem>> -> memref<1x64xf32, #tpu.memory_space<vmem>>
    %dma_start3A_236 = arith.constant 0 : i32
    %dma_start3A_237 = tpu.memref_slice %arg2[%squeeze3A_232, %dma_start3A_236] : memref<100000x64xf32, #tpu.memory_space<hbm>> -> memref<1x64xf32, #tpu.memory_space<hbm>>
    %dma_start3A_238 = arith.constant 19 : i32
    %dma_start3A_239 = arith.constant 0 : i32
    %dma_start3A_240 = tpu.memref_slice %arg7[%dma_start3A_238, %dma_start3A_239] : memref<32x64xf32, #tpu.memory_space<vmem>> -> memref<1x64xf32, #tpu.memory_space<vmem>>
    %dma_start3A_241 = arith.constant 0 : i32
    %dma_start3A_242 = tpu.memref_slice %arg2[%squeeze3A_232, %dma_start3A_241] : memref<100000x64xf32, #tpu.memory_space<hbm>> -> memref<1x64xf32, #tpu.memory_space<hbm>>
    tpu.enqueue_dma source(%dma_start3A_242 : memref<1x64xf32, #tpu.memory_space<hbm>>) target(%dma_start3A_240 : memref<1x64xf32, #tpu.memory_space<vmem>>) target_semaphore(%arg10 : memref<!tpu.dma_semaphore, #tpu.memory_space<semaphore_mem>>)
    %slice3A_243 = vector.extract_strided_slice %get3A_194 {offsets = [4], sizes = [1], strides = [1]} : vector<16xi32> to vector<1xi32>
    %squeeze3A_244 = vector.extract %slice3A_243[0] : i32 from vector<1xi32>
    %dma_start3A_245 = arith.constant 20 : i32
    %dma_start3A_246 = arith.constant 0 : i32
    %dma_start3A_247 = tpu.memref_slice %arg7[%dma_start3A_245, %dma_start3A_246] : memref<32x64xf32, #tpu.memory_space<vmem>> -> memref<1x64xf32, #tpu.memory_space<vmem>>
    %dma_start3A_248 = arith.constant 0 : i32
    %dma_start3A_249 = tpu.memref_slice %arg2[%squeeze3A_244, %dma_start3A_248] : memref<100000x64xf32, #tpu.memory_space<hbm>> -> memref<1x64xf32, #tpu.memory_space<hbm>>
    %dma_start3A_250 = arith.constant 20 : i32
    %dma_start3A_251 = arith.constant 0 : i32
    %dma_start3A_252 = tpu.memref_slice %arg7[%dma_start3A_250, %dma_start3A_251] : memref<32x64xf32, #tpu.memory_space<vmem>> -> memref<1x64xf32, #tpu.memory_space<vmem>>
    %dma_start3A_253 = arith.constant 0 : i32
    %dma_start3A_254 = tpu.memref_slice %arg2[%squeeze3A_244, %dma_start3A_253] : memref<100000x64xf32, #tpu.memory_space<hbm>> -> memref<1x64xf32, #tpu.memory_space<hbm>>
    tpu.enqueue_dma source(%dma_start3A_254 : memref<1x64xf32, #tpu.memory_space<hbm>>) target(%dma_start3A_252 : memref<1x64xf32, #tpu.memory_space<vmem>>) target_semaphore(%arg10 : memref<!tpu.dma_semaphore, #tpu.memory_space<semaphore_mem>>)
    %slice3A_255 = vector.extract_strided_slice %get3A_194 {offsets = [5], sizes = [1], strides = [1]} : vector<16xi32> to vector<1xi32>
    %squeeze3A_256 = vector.extract %slice3A_255[0] : i32 from vector<1xi32>
    %dma_start3A_257 = arith.constant 21 : i32
    %dma_start3A_258 = arith.constant 0 : i32
    %dma_start3A_259 = tpu.memref_slice %arg7[%dma_start3A_257, %dma_start3A_258] : memref<32x64xf32, #tpu.memory_space<vmem>> -> memref<1x64xf32, #tpu.memory_space<vmem>>
    %dma_start3A_260 = arith.constant 0 : i32
    %dma_start3A_261 = tpu.memref_slice %arg2[%squeeze3A_256, %dma_start3A_260] : memref<100000x64xf32, #tpu.memory_space<hbm>> -> memref<1x64xf32, #tpu.memory_space<hbm>>
    %dma_start3A_262 = arith.constant 21 : i32
    %dma_start3A_263 = arith.constant 0 : i32
    %dma_start3A_264 = tpu.memref_slice %arg7[%dma_start3A_262, %dma_start3A_263] : memref<32x64xf32, #tpu.memory_space<vmem>> -> memref<1x64xf32, #tpu.memory_space<vmem>>
    %dma_start3A_265 = arith.constant 0 : i32
    %dma_start3A_266 = tpu.memref_slice %arg2[%squeeze3A_256, %dma_start3A_265] : memref<100000x64xf32, #tpu.memory_space<hbm>> -> memref<1x64xf32, #tpu.memory_space<hbm>>
    tpu.enqueue_dma source(%dma_start3A_266 : memref<1x64xf32, #tpu.memory_space<hbm>>) target(%dma_start3A_264 : memref<1x64xf32, #tpu.memory_space<vmem>>) target_semaphore(%arg10 : memref<!tpu.dma_semaphore, #tpu.memory_space<semaphore_mem>>)
    %slice3A_267 = vector.extract_strided_slice %get3A_194 {offsets = [6], sizes = [1], strides = [1]} : vector<16xi32> to vector<1xi32>
    %squeeze3A_268 = vector.extract %slice3A_267[0] : i32 from vector<1xi32>
    %dma_start3A_269 = arith.constant 22 : i32
    %dma_start3A_270 = arith.constant 0 : i32
    %dma_start3A_271 = tpu.memref_slice %arg7[%dma_start3A_269, %dma_start3A_270] : memref<32x64xf32, #tpu.memory_space<vmem>> -> memref<1x64xf32, #tpu.memory_space<vmem>>
    %dma_start3A_272 = arith.constant 0 : i32
    %dma_start3A_273 = tpu.memref_slice %arg2[%squeeze3A_268, %dma_start3A_272] : memref<100000x64xf32, #tpu.memory_space<hbm>> -> memref<1x64xf32, #tpu.memory_space<hbm>>
    %dma_start3A_274 = arith.constant 22 : i32
    %dma_start3A_275 = arith.constant 0 : i32
    %dma_start3A_276 = tpu.memref_slice %arg7[%dma_start3A_274, %dma_start3A_275] : memref<32x64xf32, #tpu.memory_space<vmem>> -> memref<1x64xf32, #tpu.memory_space<vmem>>
    %dma_start3A_277 = arith.constant 0 : i32
    %dma_start3A_278 = tpu.memref_slice %arg2[%squeeze3A_268, %dma_start3A_277] : memref<100000x64xf32, #tpu.memory_space<hbm>> -> memref<1x64xf32, #tpu.memory_space<hbm>>
    tpu.enqueue_dma source(%dma_start3A_278 : memref<1x64xf32, #tpu.memory_space<hbm>>) target(%dma_start3A_276 : memref<1x64xf32, #tpu.memory_space<vmem>>) target_semaphore(%arg10 : memref<!tpu.dma_semaphore, #tpu.memory_space<semaphore_mem>>)
    %slice3A_279 = vector.extract_strided_slice %get3A_194 {offsets = [7], sizes = [1], strides = [1]} : vector<16xi32> to vector<1xi32>
    %squeeze3A_280 = vector.extract %slice3A_279[0] : i32 from vector<1xi32>
    %dma_start3A_281 = arith.constant 23 : i32
    %dma_start3A_282 = arith.constant 0 : i32
    %dma_start3A_283 = tpu.memref_slice %arg7[%dma_start3A_281, %dma_start3A_282] : memref<32x64xf32, #tpu.memory_space<vmem>> -> memref<1x64xf32, #tpu.memory_space<vmem>>
    %dma_start3A_284 = arith.constant 0 : i32
    %dma_start3A_285 = tpu.memref_slice %arg2[%squeeze3A_280, %dma_start3A_284] : memref<100000x64xf32, #tpu.memory_space<hbm>> -> memref<1x64xf32, #tpu.memory_space<hbm>>
    %dma_start3A_286 = arith.constant 23 : i32
    %dma_start3A_287 = arith.constant 0 : i32
    %dma_start3A_288 = tpu.memref_slice %arg7[%dma_start3A_286, %dma_start3A_287] : memref<32x64xf32, #tpu.memory_space<vmem>> -> memref<1x64xf32, #tpu.memory_space<vmem>>
    %dma_start3A_289 = arith.constant 0 : i32
    %dma_start3A_290 = tpu.memref_slice %arg2[%squeeze3A_280, %dma_start3A_289] : memref<100000x64xf32, #tpu.memory_space<hbm>> -> memref<1x64xf32, #tpu.memory_space<hbm>>
    tpu.enqueue_dma source(%dma_start3A_290 : memref<1x64xf32, #tpu.memory_space<hbm>>) target(%dma_start3A_288 : memref<1x64xf32, #tpu.memory_space<vmem>>) target_semaphore(%arg10 : memref<!tpu.dma_semaphore, #tpu.memory_space<semaphore_mem>>)
    %slice3A_291 = vector.extract_strided_slice %get3A_194 {offsets = [8], sizes = [1], strides = [1]} : vector<16xi32> to vector<1xi32>
    %squeeze3A_292 = vector.extract %slice3A_291[0] : i32 from vector<1xi32>
    %dma_start3A_293 = arith.constant 24 : i32
    %dma_start3A_294 = arith.constant 0 : i32
    %dma_start3A_295 = tpu.memref_slice %arg7[%dma_start3A_293, %dma_start3A_294] : memref<32x64xf32, #tpu.memory_space<vmem>> -> memref<1x64xf32, #tpu.memory_space<vmem>>
    %dma_start3A_296 = arith.constant 0 : i32
    %dma_start3A_297 = tpu.memref_slice %arg2[%squeeze3A_292, %dma_start3A_296] : memref<100000x64xf32, #tpu.memory_space<hbm>> -> memref<1x64xf32, #tpu.memory_space<hbm>>
    %dma_start3A_298 = arith.constant 24 : i32
    %dma_start3A_299 = arith.constant 0 : i32
    %dma_start3A_300 = tpu.memref_slice %arg7[%dma_start3A_298, %dma_start3A_299] : memref<32x64xf32, #tpu.memory_space<vmem>> -> memref<1x64xf32, #tpu.memory_space<vmem>>
    %dma_start3A_301 = arith.constant 0 : i32
    %dma_start3A_302 = tpu.memref_slice %arg2[%squeeze3A_292, %dma_start3A_301] : memref<100000x64xf32, #tpu.memory_space<hbm>> -> memref<1x64xf32, #tpu.memory_space<hbm>>
    tpu.enqueue_dma source(%dma_start3A_302 : memref<1x64xf32, #tpu.memory_space<hbm>>) target(%dma_start3A_300 : memref<1x64xf32, #tpu.memory_space<vmem>>) target_semaphore(%arg10 : memref<!tpu.dma_semaphore, #tpu.memory_space<semaphore_mem>>)
    %slice3A_303 = vector.extract_strided_slice %get3A_194 {offsets = [9], sizes = [1], strides = [1]} : vector<16xi32> to vector<1xi32>
    %squeeze3A_304 = vector.extract %slice3A_303[0] : i32 from vector<1xi32>
    %dma_start3A_305 = arith.constant 25 : i32
    %dma_start3A_306 = arith.constant 0 : i32
    %dma_start3A_307 = tpu.memref_slice %arg7[%dma_start3A_305, %dma_start3A_306] : memref<32x64xf32, #tpu.memory_space<vmem>> -> memref<1x64xf32, #tpu.memory_space<vmem>>
    %dma_start3A_308 = arith.constant 0 : i32
    %dma_start3A_309 = tpu.memref_slice %arg2[%squeeze3A_304, %dma_start3A_308] : memref<100000x64xf32, #tpu.memory_space<hbm>> -> memref<1x64xf32, #tpu.memory_space<hbm>>
    %dma_start3A_310 = arith.constant 25 : i32
    %dma_start3A_311 = arith.constant 0 : i32
    %dma_start3A_312 = tpu.memref_slice %arg7[%dma_start3A_310, %dma_start3A_311] : memref<32x64xf32, #tpu.memory_space<vmem>> -> memref<1x64xf32, #tpu.memory_space<vmem>>
    %dma_start3A_313 = arith.constant 0 : i32
    %dma_start3A_314 = tpu.memref_slice %arg2[%squeeze3A_304, %dma_start3A_313] : memref<100000x64xf32, #tpu.memory_space<hbm>> -> memref<1x64xf32, #tpu.memory_space<hbm>>
    tpu.enqueue_dma source(%dma_start3A_314 : memref<1x64xf32, #tpu.memory_space<hbm>>) target(%dma_start3A_312 : memref<1x64xf32, #tpu.memory_space<vmem>>) target_semaphore(%arg10 : memref<!tpu.dma_semaphore, #tpu.memory_space<semaphore_mem>>)
    %slice3A_315 = vector.extract_strided_slice %get3A_194 {offsets = [10], sizes = [1], strides = [1]} : vector<16xi32> to vector<1xi32>
    %squeeze3A_316 = vector.extract %slice3A_315[0] : i32 from vector<1xi32>
    %dma_start3A_317 = arith.constant 26 : i32
    %dma_start3A_318 = arith.constant 0 : i32
    %dma_start3A_319 = tpu.memref_slice %arg7[%dma_start3A_317, %dma_start3A_318] : memref<32x64xf32, #tpu.memory_space<vmem>> -> memref<1x64xf32, #tpu.memory_space<vmem>>
    %dma_start3A_320 = arith.constant 0 : i32
    %dma_start3A_321 = tpu.memref_slice %arg2[%squeeze3A_316, %dma_start3A_320] : memref<100000x64xf32, #tpu.memory_space<hbm>> -> memref<1x64xf32, #tpu.memory_space<hbm>>
    %dma_start3A_322 = arith.constant 26 : i32
    %dma_start3A_323 = arith.constant 0 : i32
    %dma_start3A_324 = tpu.memref_slice %arg7[%dma_start3A_322, %dma_start3A_323] : memref<32x64xf32, #tpu.memory_space<vmem>> -> memref<1x64xf32, #tpu.memory_space<vmem>>
    %dma_start3A_325 = arith.constant 0 : i32
    %dma_start3A_326 = tpu.memref_slice %arg2[%squeeze3A_316, %dma_start3A_325] : memref<100000x64xf32, #tpu.memory_space<hbm>> -> memref<1x64xf32, #tpu.memory_space<hbm>>
    tpu.enqueue_dma source(%dma_start3A_326 : memref<1x64xf32, #tpu.memory_space<hbm>>) target(%dma_start3A_324 : memref<1x64xf32, #tpu.memory_space<vmem>>) target_semaphore(%arg10 : memref<!tpu.dma_semaphore, #tpu.memory_space<semaphore_mem>>)
    %slice3A_327 = vector.extract_strided_slice %get3A_194 {offsets = [11], sizes = [1], strides = [1]} : vector<16xi32> to vector<1xi32>
    %squeeze3A_328 = vector.extract %slice3A_327[0] : i32 from vector<1xi32>
    %dma_start3A_329 = arith.constant 27 : i32
    %dma_start3A_330 = arith.constant 0 : i32
    %dma_start3A_331 = tpu.memref_slice %arg7[%dma_start3A_329, %dma_start3A_330] : memref<32x64xf32, #tpu.memory_space<vmem>> -> memref<1x64xf32, #tpu.memory_space<vmem>>
    %dma_start3A_332 = arith.constant 0 : i32
    %dma_start3A_333 = tpu.memref_slice %arg2[%squeeze3A_328, %dma_start3A_332] : memref<100000x64xf32, #tpu.memory_space<hbm>> -> memref<1x64xf32, #tpu.memory_space<hbm>>
    %dma_start3A_334 = arith.constant 27 : i32
    %dma_start3A_335 = arith.constant 0 : i32
    %dma_start3A_336 = tpu.memref_slice %arg7[%dma_start3A_334, %dma_start3A_335] : memref<32x64xf32, #tpu.memory_space<vmem>> -> memref<1x64xf32, #tpu.memory_space<vmem>>
    %dma_start3A_337 = arith.constant 0 : i32
    %dma_start3A_338 = tpu.memref_slice %arg2[%squeeze3A_328, %dma_start3A_337] : memref<100000x64xf32, #tpu.memory_space<hbm>> -> memref<1x64xf32, #tpu.memory_space<hbm>>
    tpu.enqueue_dma source(%dma_start3A_338 : memref<1x64xf32, #tpu.memory_space<hbm>>) target(%dma_start3A_336 : memref<1x64xf32, #tpu.memory_space<vmem>>) target_semaphore(%arg10 : memref<!tpu.dma_semaphore, #tpu.memory_space<semaphore_mem>>)
    %slice3A_339 = vector.extract_strided_slice %get3A_194 {offsets = [12], sizes = [1], strides = [1]} : vector<16xi32> to vector<1xi32>
    %squeeze3A_340 = vector.extract %slice3A_339[0] : i32 from vector<1xi32>
    %dma_start3A_341 = arith.constant 28 : i32
    %dma_start3A_342 = arith.constant 0 : i32
    %dma_start3A_343 = tpu.memref_slice %arg7[%dma_start3A_341, %dma_start3A_342] : memref<32x64xf32, #tpu.memory_space<vmem>> -> memref<1x64xf32, #tpu.memory_space<vmem>>
    %dma_start3A_344 = arith.constant 0 : i32
    %dma_start3A_345 = tpu.memref_slice %arg2[%squeeze3A_340, %dma_start3A_344] : memref<100000x64xf32, #tpu.memory_space<hbm>> -> memref<1x64xf32, #tpu.memory_space<hbm>>
    %dma_start3A_346 = arith.constant 28 : i32
    %dma_start3A_347 = arith.constant 0 : i32
    %dma_start3A_348 = tpu.memref_slice %arg7[%dma_start3A_346, %dma_start3A_347] : memref<32x64xf32, #tpu.memory_space<vmem>> -> memref<1x64xf32, #tpu.memory_space<vmem>>
    %dma_start3A_349 = arith.constant 0 : i32
    %dma_start3A_350 = tpu.memref_slice %arg2[%squeeze3A_340, %dma_start3A_349] : memref<100000x64xf32, #tpu.memory_space<hbm>> -> memref<1x64xf32, #tpu.memory_space<hbm>>
    tpu.enqueue_dma source(%dma_start3A_350 : memref<1x64xf32, #tpu.memory_space<hbm>>) target(%dma_start3A_348 : memref<1x64xf32, #tpu.memory_space<vmem>>) target_semaphore(%arg10 : memref<!tpu.dma_semaphore, #tpu.memory_space<semaphore_mem>>)
    %slice3A_351 = vector.extract_strided_slice %get3A_194 {offsets = [13], sizes = [1], strides = [1]} : vector<16xi32> to vector<1xi32>
    %squeeze3A_352 = vector.extract %slice3A_351[0] : i32 from vector<1xi32>
    %dma_start3A_353 = arith.constant 29 : i32
    %dma_start3A_354 = arith.constant 0 : i32
    %dma_start3A_355 = tpu.memref_slice %arg7[%dma_start3A_353, %dma_start3A_354] : memref<32x64xf32, #tpu.memory_space<vmem>> -> memref<1x64xf32, #tpu.memory_space<vmem>>
    %dma_start3A_356 = arith.constant 0 : i32
    %dma_start3A_357 = tpu.memref_slice %arg2[%squeeze3A_352, %dma_start3A_356] : memref<100000x64xf32, #tpu.memory_space<hbm>> -> memref<1x64xf32, #tpu.memory_space<hbm>>
    %dma_start3A_358 = arith.constant 29 : i32
    %dma_start3A_359 = arith.constant 0 : i32
    %dma_start3A_360 = tpu.memref_slice %arg7[%dma_start3A_358, %dma_start3A_359] : memref<32x64xf32, #tpu.memory_space<vmem>> -> memref<1x64xf32, #tpu.memory_space<vmem>>
    %dma_start3A_361 = arith.constant 0 : i32
    %dma_start3A_362 = tpu.memref_slice %arg2[%squeeze3A_352, %dma_start3A_361] : memref<100000x64xf32, #tpu.memory_space<hbm>> -> memref<1x64xf32, #tpu.memory_space<hbm>>
    tpu.enqueue_dma source(%dma_start3A_362 : memref<1x64xf32, #tpu.memory_space<hbm>>) target(%dma_start3A_360 : memref<1x64xf32, #tpu.memory_space<vmem>>) target_semaphore(%arg10 : memref<!tpu.dma_semaphore, #tpu.memory_space<semaphore_mem>>)
    %slice3A_363 = vector.extract_strided_slice %get3A_194 {offsets = [14], sizes = [1], strides = [1]} : vector<16xi32> to vector<1xi32>
    %squeeze3A_364 = vector.extract %slice3A_363[0] : i32 from vector<1xi32>
    %dma_start3A_365 = arith.constant 30 : i32
    %dma_start3A_366 = arith.constant 0 : i32
    %dma_start3A_367 = tpu.memref_slice %arg7[%dma_start3A_365, %dma_start3A_366] : memref<32x64xf32, #tpu.memory_space<vmem>> -> memref<1x64xf32, #tpu.memory_space<vmem>>
    %dma_start3A_368 = arith.constant 0 : i32
    %dma_start3A_369 = tpu.memref_slice %arg2[%squeeze3A_364, %dma_start3A_368] : memref<100000x64xf32, #tpu.memory_space<hbm>> -> memref<1x64xf32, #tpu.memory_space<hbm>>
    %dma_start3A_370 = arith.constant 30 : i32
    %dma_start3A_371 = arith.constant 0 : i32
    %dma_start3A_372 = tpu.memref_slice %arg7[%dma_start3A_370, %dma_start3A_371] : memref<32x64xf32, #tpu.memory_space<vmem>> -> memref<1x64xf32, #tpu.memory_space<vmem>>
    %dma_start3A_373 = arith.constant 0 : i32
    %dma_start3A_374 = tpu.memref_slice %arg2[%squeeze3A_364, %dma_start3A_373] : memref<100000x64xf32, #tpu.memory_space<hbm>> -> memref<1x64xf32, #tpu.memory_space<hbm>>
    tpu.enqueue_dma source(%dma_start3A_374 : memref<1x64xf32, #tpu.memory_space<hbm>>) target(%dma_start3A_372 : memref<1x64xf32, #tpu.memory_space<vmem>>) target_semaphore(%arg10 : memref<!tpu.dma_semaphore, #tpu.memory_space<semaphore_mem>>)
    %slice3A_375 = vector.extract_strided_slice %get3A_194 {offsets = [15], sizes = [1], strides = [1]} : vector<16xi32> to vector<1xi32>
    %squeeze3A_376 = vector.extract %slice3A_375[0] : i32 from vector<1xi32>
    %dma_start3A_377 = arith.constant 31 : i32
    %dma_start3A_378 = arith.constant 0 : i32
    %dma_start3A_379 = tpu.memref_slice %arg7[%dma_start3A_377, %dma_start3A_378] : memref<32x64xf32, #tpu.memory_space<vmem>> -> memref<1x64xf32, #tpu.memory_space<vmem>>
    %dma_start3A_380 = arith.constant 0 : i32
    %dma_start3A_381 = tpu.memref_slice %arg2[%squeeze3A_376, %dma_start3A_380] : memref<100000x64xf32, #tpu.memory_space<hbm>> -> memref<1x64xf32, #tpu.memory_space<hbm>>
    %dma_start3A_382 = arith.constant 31 : i32
    %dma_start3A_383 = arith.constant 0 : i32
    %dma_start3A_384 = tpu.memref_slice %arg7[%dma_start3A_382, %dma_start3A_383] : memref<32x64xf32, #tpu.memory_space<vmem>> -> memref<1x64xf32, #tpu.memory_space<vmem>>
    %dma_start3A_385 = arith.constant 0 : i32
    %dma_start3A_386 = tpu.memref_slice %arg2[%squeeze3A_376, %dma_start3A_385] : memref<100000x64xf32, #tpu.memory_space<hbm>> -> memref<1x64xf32, #tpu.memory_space<hbm>>
    tpu.enqueue_dma source(%dma_start3A_386 : memref<1x64xf32, #tpu.memory_space<hbm>>) target(%dma_start3A_384 : memref<1x64xf32, #tpu.memory_space<vmem>>) target_semaphore(%arg10 : memref<!tpu.dma_semaphore, #tpu.memory_space<semaphore_mem>>)
    "tpu.region"() ({
      %run_scoped3A = tpu.sem_alloc : memref<!tpu.dma_semaphore, #tpu.memory_space<semaphore_mem>>
      %dma_start3A_1828 = arith.constant 0 : i32
      %dma_start3A_1829 = tpu.memref_slice %arg4[%mul3A_2, %dma_start3A_1828] : memref<1024x64xf32, #tpu.memory_space<hbm>> -> memref<32x64xf32, #tpu.memory_space<hbm>>
      %dma_start3A_1830 = arith.constant 0 : i32
      %dma_start3A_1831 = tpu.memref_slice %arg4[%mul3A_2, %dma_start3A_1830] : memref<1024x64xf32, #tpu.memory_space<hbm>> -> memref<32x64xf32, #tpu.memory_space<hbm>>
      tpu.enqueue_dma source(%dma_start3A_1831 : memref<32x64xf32, #tpu.memory_space<hbm>>) target(%arg8 : memref<32x64xf32, #tpu.memory_space<vmem>>) target_semaphore(%run_scoped3A : memref<!tpu.dma_semaphore, #tpu.memory_space<semaphore_mem>>)
      %dma_wait3A_1832 = arith.constant 0 : i32
      %dma_wait3A_1833 = tpu.memref_slice %arg4[%mul3A_2, %dma_wait3A_1832] : memref<1024x64xf32, #tpu.memory_space<hbm>> -> memref<32x64xf32, #tpu.memory_space<hbm>>
      %dma_wait3A_1834 = arith.constant 0 : i32
      %dma_wait3A_1835 = tpu.memref_slice %arg4[%mul3A_2, %dma_wait3A_1834] : memref<1024x64xf32, #tpu.memory_space<hbm>> -> memref<32x64xf32, #tpu.memory_space<hbm>>
      tpu.wait_dma2 semaphore(%run_scoped3A : memref<!tpu.dma_semaphore, #tpu.memory_space<semaphore_mem>>) src(%dma_wait3A_1835 : memref<32x64xf32, #tpu.memory_space<hbm>>) dst(%arg8 : memref<32x64xf32, #tpu.memory_space<vmem>>)
      tpu.yield
    }) : () -> ()
    %dma_wait3A = arith.constant 0 : i32
    %dma_wait3A_387 = arith.constant 0 : i32
    %dma_wait3A_388 = tpu.memref_slice %arg7[%dma_wait3A, %dma_wait3A_387] : memref<32x64xf32, #tpu.memory_space<vmem>> -> memref<1x64xf32, #tpu.memory_space<vmem>>
    %dma_wait3A_389 = arith.constant 0 : i32
    %dma_wait3A_390 = tpu.memref_slice %arg2[%squeeze3A, %dma_wait3A_389] : memref<100000x64xf32, #tpu.memory_space<hbm>> -> memref<1x64xf32, #tpu.memory_space<hbm>>
    %dma_wait3A_391 = arith.constant 0 : i32
    %dma_wait3A_392 = arith.constant 0 : i32
    %dma_wait3A_393 = tpu.memref_slice %arg7[%dma_wait3A_391, %dma_wait3A_392] : memref<32x64xf32, #tpu.memory_space<vmem>> -> memref<1x64xf32, #tpu.memory_space<vmem>>
    %dma_wait3A_394 = arith.constant 0 : i32
    %dma_wait3A_395 = tpu.memref_slice %arg2[%squeeze3A, %dma_wait3A_394] : memref<100000x64xf32, #tpu.memory_space<hbm>> -> memref<1x64xf32, #tpu.memory_space<hbm>>
    tpu.wait_dma2 semaphore(%arg10 : memref<!tpu.dma_semaphore, #tpu.memory_space<semaphore_mem>>) src(%dma_wait3A_395 : memref<1x64xf32, #tpu.memory_space<hbm>>) dst(%dma_wait3A_393 : memref<1x64xf32, #tpu.memory_space<vmem>>)
    %dma_wait3A_396 = arith.constant 1 : i32
    %dma_wait3A_397 = arith.constant 0 : i32
    %dma_wait3A_398 = tpu.memref_slice %arg7[%dma_wait3A_396, %dma_wait3A_397] : memref<32x64xf32, #tpu.memory_space<vmem>> -> memref<1x64xf32, #tpu.memory_space<vmem>>
    %dma_wait3A_399 = arith.constant 0 : i32
    %dma_wait3A_400 = tpu.memref_slice %arg2[%squeeze3A_14, %dma_wait3A_399] : memref<100000x64xf32, #tpu.memory_space<hbm>> -> memref<1x64xf32, #tpu.memory_space<hbm>>
    %dma_wait3A_401 = arith.constant 1 : i32
    %dma_wait3A_402 = arith.constant 0 : i32
    %dma_wait3A_403 = tpu.memref_slice %arg7[%dma_wait3A_401, %dma_wait3A_402] : memref<32x64xf32, #tpu.memory_space<vmem>> -> memref<1x64xf32, #tpu.memory_space<vmem>>
    %dma_wait3A_404 = arith.constant 0 : i32
    %dma_wait3A_405 = tpu.memref_slice %arg2[%squeeze3A_14, %dma_wait3A_404] : memref<100000x64xf32, #tpu.memory_space<hbm>> -> memref<1x64xf32, #tpu.memory_space<hbm>>
    tpu.wait_dma2 semaphore(%arg10 : memref<!tpu.dma_semaphore, #tpu.memory_space<semaphore_mem>>) src(%dma_wait3A_405 : memref<1x64xf32, #tpu.memory_space<hbm>>) dst(%dma_wait3A_403 : memref<1x64xf32, #tpu.memory_space<vmem>>)
    %dma_wait3A_406 = arith.constant 2 : i32
    %dma_wait3A_407 = arith.constant 0 : i32
    %dma_wait3A_408 = tpu.memref_slice %arg7[%dma_wait3A_406, %dma_wait3A_407] : memref<32x64xf32, #tpu.memory_space<vmem>> -> memref<1x64xf32, #tpu.memory_space<vmem>>
    %dma_wait3A_409 = arith.constant 0 : i32
    %dma_wait3A_410 = tpu.memref_slice %arg2[%squeeze3A_26, %dma_wait3A_409] : memref<100000x64xf32, #tpu.memory_space<hbm>> -> memref<1x64xf32, #tpu.memory_space<hbm>>
    %dma_wait3A_411 = arith.constant 2 : i32
    %dma_wait3A_412 = arith.constant 0 : i32
    %dma_wait3A_413 = tpu.memref_slice %arg7[%dma_wait3A_411, %dma_wait3A_412] : memref<32x64xf32, #tpu.memory_space<vmem>> -> memref<1x64xf32, #tpu.memory_space<vmem>>
    %dma_wait3A_414 = arith.constant 0 : i32
    %dma_wait3A_415 = tpu.memref_slice %arg2[%squeeze3A_26, %dma_wait3A_414] : memref<100000x64xf32, #tpu.memory_space<hbm>> -> memref<1x64xf32, #tpu.memory_space<hbm>>
    tpu.wait_dma2 semaphore(%arg10 : memref<!tpu.dma_semaphore, #tpu.memory_space<semaphore_mem>>) src(%dma_wait3A_415 : memref<1x64xf32, #tpu.memory_space<hbm>>) dst(%dma_wait3A_413 : memref<1x64xf32, #tpu.memory_space<vmem>>)
    %dma_wait3A_416 = arith.constant 3 : i32
    %dma_wait3A_417 = arith.constant 0 : i32
    %dma_wait3A_418 = tpu.memref_slice %arg7[%dma_wait3A_416, %dma_wait3A_417] : memref<32x64xf32, #tpu.memory_space<vmem>> -> memref<1x64xf32, #tpu.memory_space<vmem>>
    %dma_wait3A_419 = arith.constant 0 : i32
    %dma_wait3A_420 = tpu.memref_slice %arg2[%squeeze3A_38, %dma_wait3A_419] : memref<100000x64xf32, #tpu.memory_space<hbm>> -> memref<1x64xf32, #tpu.memory_space<hbm>>
    %dma_wait3A_421 = arith.constant 3 : i32
    %dma_wait3A_422 = arith.constant 0 : i32
    %dma_wait3A_423 = tpu.memref_slice %arg7[%dma_wait3A_421, %dma_wait3A_422] : memref<32x64xf32, #tpu.memory_space<vmem>> -> memref<1x64xf32, #tpu.memory_space<vmem>>
    %dma_wait3A_424 = arith.constant 0 : i32
    %dma_wait3A_425 = tpu.memref_slice %arg2[%squeeze3A_38, %dma_wait3A_424] : memref<100000x64xf32, #tpu.memory_space<hbm>> -> memref<1x64xf32, #tpu.memory_space<hbm>>
    tpu.wait_dma2 semaphore(%arg10 : memref<!tpu.dma_semaphore, #tpu.memory_space<semaphore_mem>>) src(%dma_wait3A_425 : memref<1x64xf32, #tpu.memory_space<hbm>>) dst(%dma_wait3A_423 : memref<1x64xf32, #tpu.memory_space<vmem>>)
    %dma_wait3A_426 = arith.constant 4 : i32
    %dma_wait3A_427 = arith.constant 0 : i32
    %dma_wait3A_428 = tpu.memref_slice %arg7[%dma_wait3A_426, %dma_wait3A_427] : memref<32x64xf32, #tpu.memory_space<vmem>> -> memref<1x64xf32, #tpu.memory_space<vmem>>
    %dma_wait3A_429 = arith.constant 0 : i32
    %dma_wait3A_430 = tpu.memref_slice %arg2[%squeeze3A_50, %dma_wait3A_429] : memref<100000x64xf32, #tpu.memory_space<hbm>> -> memref<1x64xf32, #tpu.memory_space<hbm>>
    %dma_wait3A_431 = arith.constant 4 : i32
    %dma_wait3A_432 = arith.constant 0 : i32
    %dma_wait3A_433 = tpu.memref_slice %arg7[%dma_wait3A_431, %dma_wait3A_432] : memref<32x64xf32, #tpu.memory_space<vmem>> -> memref<1x64xf32, #tpu.memory_space<vmem>>
    %dma_wait3A_434 = arith.constant 0 : i32
    %dma_wait3A_435 = tpu.memref_slice %arg2[%squeeze3A_50, %dma_wait3A_434] : memref<100000x64xf32, #tpu.memory_space<hbm>> -> memref<1x64xf32, #tpu.memory_space<hbm>>
    tpu.wait_dma2 semaphore(%arg10 : memref<!tpu.dma_semaphore, #tpu.memory_space<semaphore_mem>>) src(%dma_wait3A_435 : memref<1x64xf32, #tpu.memory_space<hbm>>) dst(%dma_wait3A_433 : memref<1x64xf32, #tpu.memory_space<vmem>>)
    %dma_wait3A_436 = arith.constant 5 : i32
    %dma_wait3A_437 = arith.constant 0 : i32
    %dma_wait3A_438 = tpu.memref_slice %arg7[%dma_wait3A_436, %dma_wait3A_437] : memref<32x64xf32, #tpu.memory_space<vmem>> -> memref<1x64xf32, #tpu.memory_space<vmem>>
    %dma_wait3A_439 = arith.constant 0 : i32
    %dma_wait3A_440 = tpu.memref_slice %arg2[%squeeze3A_62, %dma_wait3A_439] : memref<100000x64xf32, #tpu.memory_space<hbm>> -> memref<1x64xf32, #tpu.memory_space<hbm>>
    %dma_wait3A_441 = arith.constant 5 : i32
    %dma_wait3A_442 = arith.constant 0 : i32
    %dma_wait3A_443 = tpu.memref_slice %arg7[%dma_wait3A_441, %dma_wait3A_442] : memref<32x64xf32, #tpu.memory_space<vmem>> -> memref<1x64xf32, #tpu.memory_space<vmem>>
    %dma_wait3A_444 = arith.constant 0 : i32
    %dma_wait3A_445 = tpu.memref_slice %arg2[%squeeze3A_62, %dma_wait3A_444] : memref<100000x64xf32, #tpu.memory_space<hbm>> -> memref<1x64xf32, #tpu.memory_space<hbm>>
    tpu.wait_dma2 semaphore(%arg10 : memref<!tpu.dma_semaphore, #tpu.memory_space<semaphore_mem>>) src(%dma_wait3A_445 : memref<1x64xf32, #tpu.memory_space<hbm>>) dst(%dma_wait3A_443 : memref<1x64xf32, #tpu.memory_space<vmem>>)
    %dma_wait3A_446 = arith.constant 6 : i32
    %dma_wait3A_447 = arith.constant 0 : i32
    %dma_wait3A_448 = tpu.memref_slice %arg7[%dma_wait3A_446, %dma_wait3A_447] : memref<32x64xf32, #tpu.memory_space<vmem>> -> memref<1x64xf32, #tpu.memory_space<vmem>>
    %dma_wait3A_449 = arith.constant 0 : i32
    %dma_wait3A_450 = tpu.memref_slice %arg2[%squeeze3A_74, %dma_wait3A_449] : memref<100000x64xf32, #tpu.memory_space<hbm>> -> memref<1x64xf32, #tpu.memory_space<hbm>>
    %dma_wait3A_451 = arith.constant 6 : i32
    %dma_wait3A_452 = arith.constant 0 : i32
    %dma_wait3A_453 = tpu.memref_slice %arg7[%dma_wait3A_451, %dma_wait3A_452] : memref<32x64xf32, #tpu.memory_space<vmem>> -> memref<1x64xf32, #tpu.memory_space<vmem>>
    %dma_wait3A_454 = arith.constant 0 : i32
    %dma_wait3A_455 = tpu.memref_slice %arg2[%squeeze3A_74, %dma_wait3A_454] : memref<100000x64xf32, #tpu.memory_space<hbm>> -> memref<1x64xf32, #tpu.memory_space<hbm>>
    tpu.wait_dma2 semaphore(%arg10 : memref<!tpu.dma_semaphore, #tpu.memory_space<semaphore_mem>>) src(%dma_wait3A_455 : memref<1x64xf32, #tpu.memory_space<hbm>>) dst(%dma_wait3A_453 : memref<1x64xf32, #tpu.memory_space<vmem>>)
    %dma_wait3A_456 = arith.constant 7 : i32
    %dma_wait3A_457 = arith.constant 0 : i32
    %dma_wait3A_458 = tpu.memref_slice %arg7[%dma_wait3A_456, %dma_wait3A_457] : memref<32x64xf32, #tpu.memory_space<vmem>> -> memref<1x64xf32, #tpu.memory_space<vmem>>
    %dma_wait3A_459 = arith.constant 0 : i32
    %dma_wait3A_460 = tpu.memref_slice %arg2[%squeeze3A_86, %dma_wait3A_459] : memref<100000x64xf32, #tpu.memory_space<hbm>> -> memref<1x64xf32, #tpu.memory_space<hbm>>
    %dma_wait3A_461 = arith.constant 7 : i32
    %dma_wait3A_462 = arith.constant 0 : i32
    %dma_wait3A_463 = tpu.memref_slice %arg7[%dma_wait3A_461, %dma_wait3A_462] : memref<32x64xf32, #tpu.memory_space<vmem>> -> memref<1x64xf32, #tpu.memory_space<vmem>>
    %dma_wait3A_464 = arith.constant 0 : i32
    %dma_wait3A_465 = tpu.memref_slice %arg2[%squeeze3A_86, %dma_wait3A_464] : memref<100000x64xf32, #tpu.memory_space<hbm>> -> memref<1x64xf32, #tpu.memory_space<hbm>>
    tpu.wait_dma2 semaphore(%arg10 : memref<!tpu.dma_semaphore, #tpu.memory_space<semaphore_mem>>) src(%dma_wait3A_465 : memref<1x64xf32, #tpu.memory_space<hbm>>) dst(%dma_wait3A_463 : memref<1x64xf32, #tpu.memory_space<vmem>>)
    %dma_wait3A_466 = arith.constant 8 : i32
    %dma_wait3A_467 = arith.constant 0 : i32
    %dma_wait3A_468 = tpu.memref_slice %arg7[%dma_wait3A_466, %dma_wait3A_467] : memref<32x64xf32, #tpu.memory_space<vmem>> -> memref<1x64xf32, #tpu.memory_space<vmem>>
    %dma_wait3A_469 = arith.constant 0 : i32
    %dma_wait3A_470 = tpu.memref_slice %arg2[%squeeze3A_98, %dma_wait3A_469] : memref<100000x64xf32, #tpu.memory_space<hbm>> -> memref<1x64xf32, #tpu.memory_space<hbm>>
    %dma_wait3A_471 = arith.constant 8 : i32
    %dma_wait3A_472 = arith.constant 0 : i32
    %dma_wait3A_473 = tpu.memref_slice %arg7[%dma_wait3A_471, %dma_wait3A_472] : memref<32x64xf32, #tpu.memory_space<vmem>> -> memref<1x64xf32, #tpu.memory_space<vmem>>
    %dma_wait3A_474 = arith.constant 0 : i32
    %dma_wait3A_475 = tpu.memref_slice %arg2[%squeeze3A_98, %dma_wait3A_474] : memref<100000x64xf32, #tpu.memory_space<hbm>> -> memref<1x64xf32, #tpu.memory_space<hbm>>
    tpu.wait_dma2 semaphore(%arg10 : memref<!tpu.dma_semaphore, #tpu.memory_space<semaphore_mem>>) src(%dma_wait3A_475 : memref<1x64xf32, #tpu.memory_space<hbm>>) dst(%dma_wait3A_473 : memref<1x64xf32, #tpu.memory_space<vmem>>)
    %dma_wait3A_476 = arith.constant 9 : i32
    %dma_wait3A_477 = arith.constant 0 : i32
    %dma_wait3A_478 = tpu.memref_slice %arg7[%dma_wait3A_476, %dma_wait3A_477] : memref<32x64xf32, #tpu.memory_space<vmem>> -> memref<1x64xf32, #tpu.memory_space<vmem>>
    %dma_wait3A_479 = arith.constant 0 : i32
    %dma_wait3A_480 = tpu.memref_slice %arg2[%squeeze3A_110, %dma_wait3A_479] : memref<100000x64xf32, #tpu.memory_space<hbm>> -> memref<1x64xf32, #tpu.memory_space<hbm>>
    %dma_wait3A_481 = arith.constant 9 : i32
    %dma_wait3A_482 = arith.constant 0 : i32
    %dma_wait3A_483 = tpu.memref_slice %arg7[%dma_wait3A_481, %dma_wait3A_482] : memref<32x64xf32, #tpu.memory_space<vmem>> -> memref<1x64xf32, #tpu.memory_space<vmem>>
    %dma_wait3A_484 = arith.constant 0 : i32
    %dma_wait3A_485 = tpu.memref_slice %arg2[%squeeze3A_110, %dma_wait3A_484] : memref<100000x64xf32, #tpu.memory_space<hbm>> -> memref<1x64xf32, #tpu.memory_space<hbm>>
    tpu.wait_dma2 semaphore(%arg10 : memref<!tpu.dma_semaphore, #tpu.memory_space<semaphore_mem>>) src(%dma_wait3A_485 : memref<1x64xf32, #tpu.memory_space<hbm>>) dst(%dma_wait3A_483 : memref<1x64xf32, #tpu.memory_space<vmem>>)
    %dma_wait3A_486 = arith.constant 10 : i32
    %dma_wait3A_487 = arith.constant 0 : i32
    %dma_wait3A_488 = tpu.memref_slice %arg7[%dma_wait3A_486, %dma_wait3A_487] : memref<32x64xf32, #tpu.memory_space<vmem>> -> memref<1x64xf32, #tpu.memory_space<vmem>>
    %dma_wait3A_489 = arith.constant 0 : i32
    %dma_wait3A_490 = tpu.memref_slice %arg2[%squeeze3A_122, %dma_wait3A_489] : memref<100000x64xf32, #tpu.memory_space<hbm>> -> memref<1x64xf32, #tpu.memory_space<hbm>>
    %dma_wait3A_491 = arith.constant 10 : i32
    %dma_wait3A_492 = arith.constant 0 : i32
    %dma_wait3A_493 = tpu.memref_slice %arg7[%dma_wait3A_491, %dma_wait3A_492] : memref<32x64xf32, #tpu.memory_space<vmem>> -> memref<1x64xf32, #tpu.memory_space<vmem>>
    %dma_wait3A_494 = arith.constant 0 : i32
    %dma_wait3A_495 = tpu.memref_slice %arg2[%squeeze3A_122, %dma_wait3A_494] : memref<100000x64xf32, #tpu.memory_space<hbm>> -> memref<1x64xf32, #tpu.memory_space<hbm>>
    tpu.wait_dma2 semaphore(%arg10 : memref<!tpu.dma_semaphore, #tpu.memory_space<semaphore_mem>>) src(%dma_wait3A_495 : memref<1x64xf32, #tpu.memory_space<hbm>>) dst(%dma_wait3A_493 : memref<1x64xf32, #tpu.memory_space<vmem>>)
    %dma_wait3A_496 = arith.constant 11 : i32
    %dma_wait3A_497 = arith.constant 0 : i32
    %dma_wait3A_498 = tpu.memref_slice %arg7[%dma_wait3A_496, %dma_wait3A_497] : memref<32x64xf32, #tpu.memory_space<vmem>> -> memref<1x64xf32, #tpu.memory_space<vmem>>
    %dma_wait3A_499 = arith.constant 0 : i32
    %dma_wait3A_500 = tpu.memref_slice %arg2[%squeeze3A_134, %dma_wait3A_499] : memref<100000x64xf32, #tpu.memory_space<hbm>> -> memref<1x64xf32, #tpu.memory_space<hbm>>
    %dma_wait3A_501 = arith.constant 11 : i32
    %dma_wait3A_502 = arith.constant 0 : i32
    %dma_wait3A_503 = tpu.memref_slice %arg7[%dma_wait3A_501, %dma_wait3A_502] : memref<32x64xf32, #tpu.memory_space<vmem>> -> memref<1x64xf32, #tpu.memory_space<vmem>>
    %dma_wait3A_504 = arith.constant 0 : i32
    %dma_wait3A_505 = tpu.memref_slice %arg2[%squeeze3A_134, %dma_wait3A_504] : memref<100000x64xf32, #tpu.memory_space<hbm>> -> memref<1x64xf32, #tpu.memory_space<hbm>>
    tpu.wait_dma2 semaphore(%arg10 : memref<!tpu.dma_semaphore, #tpu.memory_space<semaphore_mem>>) src(%dma_wait3A_505 : memref<1x64xf32, #tpu.memory_space<hbm>>) dst(%dma_wait3A_503 : memref<1x64xf32, #tpu.memory_space<vmem>>)
    %dma_wait3A_506 = arith.constant 12 : i32
    %dma_wait3A_507 = arith.constant 0 : i32
    %dma_wait3A_508 = tpu.memref_slice %arg7[%dma_wait3A_506, %dma_wait3A_507] : memref<32x64xf32, #tpu.memory_space<vmem>> -> memref<1x64xf32, #tpu.memory_space<vmem>>
    %dma_wait3A_509 = arith.constant 0 : i32
    %dma_wait3A_510 = tpu.memref_slice %arg2[%squeeze3A_146, %dma_wait3A_509] : memref<100000x64xf32, #tpu.memory_space<hbm>> -> memref<1x64xf32, #tpu.memory_space<hbm>>
    %dma_wait3A_511 = arith.constant 12 : i32
    %dma_wait3A_512 = arith.constant 0 : i32
    %dma_wait3A_513 = tpu.memref_slice %arg7[%dma_wait3A_511, %dma_wait3A_512] : memref<32x64xf32, #tpu.memory_space<vmem>> -> memref<1x64xf32, #tpu.memory_space<vmem>>
    %dma_wait3A_514 = arith.constant 0 : i32
    %dma_wait3A_515 = tpu.memref_slice %arg2[%squeeze3A_146, %dma_wait3A_514] : memref<100000x64xf32, #tpu.memory_space<hbm>> -> memref<1x64xf32, #tpu.memory_space<hbm>>
    tpu.wait_dma2 semaphore(%arg10 : memref<!tpu.dma_semaphore, #tpu.memory_space<semaphore_mem>>) src(%dma_wait3A_515 : memref<1x64xf32, #tpu.memory_space<hbm>>) dst(%dma_wait3A_513 : memref<1x64xf32, #tpu.memory_space<vmem>>)
    %dma_wait3A_516 = arith.constant 13 : i32
    %dma_wait3A_517 = arith.constant 0 : i32
    %dma_wait3A_518 = tpu.memref_slice %arg7[%dma_wait3A_516, %dma_wait3A_517] : memref<32x64xf32, #tpu.memory_space<vmem>> -> memref<1x64xf32, #tpu.memory_space<vmem>>
    %dma_wait3A_519 = arith.constant 0 : i32
    %dma_wait3A_520 = tpu.memref_slice %arg2[%squeeze3A_158, %dma_wait3A_519] : memref<100000x64xf32, #tpu.memory_space<hbm>> -> memref<1x64xf32, #tpu.memory_space<hbm>>
    %dma_wait3A_521 = arith.constant 13 : i32
    %dma_wait3A_522 = arith.constant 0 : i32
    %dma_wait3A_523 = tpu.memref_slice %arg7[%dma_wait3A_521, %dma_wait3A_522] : memref<32x64xf32, #tpu.memory_space<vmem>> -> memref<1x64xf32, #tpu.memory_space<vmem>>
    %dma_wait3A_524 = arith.constant 0 : i32
    %dma_wait3A_525 = tpu.memref_slice %arg2[%squeeze3A_158, %dma_wait3A_524] : memref<100000x64xf32, #tpu.memory_space<hbm>> -> memref<1x64xf32, #tpu.memory_space<hbm>>
    tpu.wait_dma2 semaphore(%arg10 : memref<!tpu.dma_semaphore, #tpu.memory_space<semaphore_mem>>) src(%dma_wait3A_525 : memref<1x64xf32, #tpu.memory_space<hbm>>) dst(%dma_wait3A_523 : memref<1x64xf32, #tpu.memory_space<vmem>>)
    %dma_wait3A_526 = arith.constant 14 : i32
    %dma_wait3A_527 = arith.constant 0 : i32
    %dma_wait3A_528 = tpu.memref_slice %arg7[%dma_wait3A_526, %dma_wait3A_527] : memref<32x64xf32, #tpu.memory_space<vmem>> -> memref<1x64xf32, #tpu.memory_space<vmem>>
    %dma_wait3A_529 = arith.constant 0 : i32
    %dma_wait3A_530 = tpu.memref_slice %arg2[%squeeze3A_170, %dma_wait3A_529] : memref<100000x64xf32, #tpu.memory_space<hbm>> -> memref<1x64xf32, #tpu.memory_space<hbm>>
    %dma_wait3A_531 = arith.constant 14 : i32
    %dma_wait3A_532 = arith.constant 0 : i32
    %dma_wait3A_533 = tpu.memref_slice %arg7[%dma_wait3A_531, %dma_wait3A_532] : memref<32x64xf32, #tpu.memory_space<vmem>> -> memref<1x64xf32, #tpu.memory_space<vmem>>
    %dma_wait3A_534 = arith.constant 0 : i32
    %dma_wait3A_535 = tpu.memref_slice %arg2[%squeeze3A_170, %dma_wait3A_534] : memref<100000x64xf32, #tpu.memory_space<hbm>> -> memref<1x64xf32, #tpu.memory_space<hbm>>
    tpu.wait_dma2 semaphore(%arg10 : memref<!tpu.dma_semaphore, #tpu.memory_space<semaphore_mem>>) src(%dma_wait3A_535 : memref<1x64xf32, #tpu.memory_space<hbm>>) dst(%dma_wait3A_533 : memref<1x64xf32, #tpu.memory_space<vmem>>)
    %dma_wait3A_536 = arith.constant 15 : i32
    %dma_wait3A_537 = arith.constant 0 : i32
    %dma_wait3A_538 = tpu.memref_slice %arg7[%dma_wait3A_536, %dma_wait3A_537] : memref<32x64xf32, #tpu.memory_space<vmem>> -> memref<1x64xf32, #tpu.memory_space<vmem>>
    %dma_wait3A_539 = arith.constant 0 : i32
    %dma_wait3A_540 = tpu.memref_slice %arg2[%squeeze3A_182, %dma_wait3A_539] : memref<100000x64xf32, #tpu.memory_space<hbm>> -> memref<1x64xf32, #tpu.memory_space<hbm>>
    %dma_wait3A_541 = arith.constant 15 : i32
    %dma_wait3A_542 = arith.constant 0 : i32
    %dma_wait3A_543 = tpu.memref_slice %arg7[%dma_wait3A_541, %dma_wait3A_542] : memref<32x64xf32, #tpu.memory_space<vmem>> -> memref<1x64xf32, #tpu.memory_space<vmem>>
    %dma_wait3A_544 = arith.constant 0 : i32
    %dma_wait3A_545 = tpu.memref_slice %arg2[%squeeze3A_182, %dma_wait3A_544] : memref<100000x64xf32, #tpu.memory_space<hbm>> -> memref<1x64xf32, #tpu.memory_space<hbm>>
    tpu.wait_dma2 semaphore(%arg10 : memref<!tpu.dma_semaphore, #tpu.memory_space<semaphore_mem>>) src(%dma_wait3A_545 : memref<1x64xf32, #tpu.memory_space<hbm>>) dst(%dma_wait3A_543 : memref<1x64xf32, #tpu.memory_space<vmem>>)
    %dma_wait3A_546 = arith.constant 16 : i32
    %dma_wait3A_547 = arith.constant 0 : i32
    %dma_wait3A_548 = tpu.memref_slice %arg7[%dma_wait3A_546, %dma_wait3A_547] : memref<32x64xf32, #tpu.memory_space<vmem>> -> memref<1x64xf32, #tpu.memory_space<vmem>>
    %dma_wait3A_549 = arith.constant 0 : i32
    %dma_wait3A_550 = tpu.memref_slice %arg2[%squeeze3A_196, %dma_wait3A_549] : memref<100000x64xf32, #tpu.memory_space<hbm>> -> memref<1x64xf32, #tpu.memory_space<hbm>>
    %dma_wait3A_551 = arith.constant 16 : i32
    %dma_wait3A_552 = arith.constant 0 : i32
    %dma_wait3A_553 = tpu.memref_slice %arg7[%dma_wait3A_551, %dma_wait3A_552] : memref<32x64xf32, #tpu.memory_space<vmem>> -> memref<1x64xf32, #tpu.memory_space<vmem>>
    %dma_wait3A_554 = arith.constant 0 : i32
    %dma_wait3A_555 = tpu.memref_slice %arg2[%squeeze3A_196, %dma_wait3A_554] : memref<100000x64xf32, #tpu.memory_space<hbm>> -> memref<1x64xf32, #tpu.memory_space<hbm>>
    tpu.wait_dma2 semaphore(%arg10 : memref<!tpu.dma_semaphore, #tpu.memory_space<semaphore_mem>>) src(%dma_wait3A_555 : memref<1x64xf32, #tpu.memory_space<hbm>>) dst(%dma_wait3A_553 : memref<1x64xf32, #tpu.memory_space<vmem>>)
    %dma_wait3A_556 = arith.constant 17 : i32
    %dma_wait3A_557 = arith.constant 0 : i32
    %dma_wait3A_558 = tpu.memref_slice %arg7[%dma_wait3A_556, %dma_wait3A_557] : memref<32x64xf32, #tpu.memory_space<vmem>> -> memref<1x64xf32, #tpu.memory_space<vmem>>
    %dma_wait3A_559 = arith.constant 0 : i32
    %dma_wait3A_560 = tpu.memref_slice %arg2[%squeeze3A_208, %dma_wait3A_559] : memref<100000x64xf32, #tpu.memory_space<hbm>> -> memref<1x64xf32, #tpu.memory_space<hbm>>
    %dma_wait3A_561 = arith.constant 17 : i32
    %dma_wait3A_562 = arith.constant 0 : i32
    %dma_wait3A_563 = tpu.memref_slice %arg7[%dma_wait3A_561, %dma_wait3A_562] : memref<32x64xf32, #tpu.memory_space<vmem>> -> memref<1x64xf32, #tpu.memory_space<vmem>>
    %dma_wait3A_564 = arith.constant 0 : i32
    %dma_wait3A_565 = tpu.memref_slice %arg2[%squeeze3A_208, %dma_wait3A_564] : memref<100000x64xf32, #tpu.memory_space<hbm>> -> memref<1x64xf32, #tpu.memory_space<hbm>>
    tpu.wait_dma2 semaphore(%arg10 : memref<!tpu.dma_semaphore, #tpu.memory_space<semaphore_mem>>) src(%dma_wait3A_565 : memref<1x64xf32, #tpu.memory_space<hbm>>) dst(%dma_wait3A_563 : memref<1x64xf32, #tpu.memory_space<vmem>>)
    %dma_wait3A_566 = arith.constant 18 : i32
    %dma_wait3A_567 = arith.constant 0 : i32
    %dma_wait3A_568 = tpu.memref_slice %arg7[%dma_wait3A_566, %dma_wait3A_567] : memref<32x64xf32, #tpu.memory_space<vmem>> -> memref<1x64xf32, #tpu.memory_space<vmem>>
    %dma_wait3A_569 = arith.constant 0 : i32
    %dma_wait3A_570 = tpu.memref_slice %arg2[%squeeze3A_220, %dma_wait3A_569] : memref<100000x64xf32, #tpu.memory_space<hbm>> -> memref<1x64xf32, #tpu.memory_space<hbm>>
    %dma_wait3A_571 = arith.constant 18 : i32
    %dma_wait3A_572 = arith.constant 0 : i32
    %dma_wait3A_573 = tpu.memref_slice %arg7[%dma_wait3A_571, %dma_wait3A_572] : memref<32x64xf32, #tpu.memory_space<vmem>> -> memref<1x64xf32, #tpu.memory_space<vmem>>
    %dma_wait3A_574 = arith.constant 0 : i32
    %dma_wait3A_575 = tpu.memref_slice %arg2[%squeeze3A_220, %dma_wait3A_574] : memref<100000x64xf32, #tpu.memory_space<hbm>> -> memref<1x64xf32, #tpu.memory_space<hbm>>
    tpu.wait_dma2 semaphore(%arg10 : memref<!tpu.dma_semaphore, #tpu.memory_space<semaphore_mem>>) src(%dma_wait3A_575 : memref<1x64xf32, #tpu.memory_space<hbm>>) dst(%dma_wait3A_573 : memref<1x64xf32, #tpu.memory_space<vmem>>)
    %dma_wait3A_576 = arith.constant 19 : i32
    %dma_wait3A_577 = arith.constant 0 : i32
    %dma_wait3A_578 = tpu.memref_slice %arg7[%dma_wait3A_576, %dma_wait3A_577] : memref<32x64xf32, #tpu.memory_space<vmem>> -> memref<1x64xf32, #tpu.memory_space<vmem>>
    %dma_wait3A_579 = arith.constant 0 : i32
    %dma_wait3A_580 = tpu.memref_slice %arg2[%squeeze3A_232, %dma_wait3A_579] : memref<100000x64xf32, #tpu.memory_space<hbm>> -> memref<1x64xf32, #tpu.memory_space<hbm>>
    %dma_wait3A_581 = arith.constant 19 : i32
    %dma_wait3A_582 = arith.constant 0 : i32
    %dma_wait3A_583 = tpu.memref_slice %arg7[%dma_wait3A_581, %dma_wait3A_582] : memref<32x64xf32, #tpu.memory_space<vmem>> -> memref<1x64xf32, #tpu.memory_space<vmem>>
    %dma_wait3A_584 = arith.constant 0 : i32
    %dma_wait3A_585 = tpu.memref_slice %arg2[%squeeze3A_232, %dma_wait3A_584] : memref<100000x64xf32, #tpu.memory_space<hbm>> -> memref<1x64xf32, #tpu.memory_space<hbm>>
    tpu.wait_dma2 semaphore(%arg10 : memref<!tpu.dma_semaphore, #tpu.memory_space<semaphore_mem>>) src(%dma_wait3A_585 : memref<1x64xf32, #tpu.memory_space<hbm>>) dst(%dma_wait3A_583 : memref<1x64xf32, #tpu.memory_space<vmem>>)
    %dma_wait3A_586 = arith.constant 20 : i32
    %dma_wait3A_587 = arith.constant 0 : i32
    %dma_wait3A_588 = tpu.memref_slice %arg7[%dma_wait3A_586, %dma_wait3A_587] : memref<32x64xf32, #tpu.memory_space<vmem>> -> memref<1x64xf32, #tpu.memory_space<vmem>>
    %dma_wait3A_589 = arith.constant 0 : i32
    %dma_wait3A_590 = tpu.memref_slice %arg2[%squeeze3A_244, %dma_wait3A_589] : memref<100000x64xf32, #tpu.memory_space<hbm>> -> memref<1x64xf32, #tpu.memory_space<hbm>>
    %dma_wait3A_591 = arith.constant 20 : i32
    %dma_wait3A_592 = arith.constant 0 : i32
    %dma_wait3A_593 = tpu.memref_slice %arg7[%dma_wait3A_591, %dma_wait3A_592] : memref<32x64xf32, #tpu.memory_space<vmem>> -> memref<1x64xf32, #tpu.memory_space<vmem>>
    %dma_wait3A_594 = arith.constant 0 : i32
    %dma_wait3A_595 = tpu.memref_slice %arg2[%squeeze3A_244, %dma_wait3A_594] : memref<100000x64xf32, #tpu.memory_space<hbm>> -> memref<1x64xf32, #tpu.memory_space<hbm>>
    tpu.wait_dma2 semaphore(%arg10 : memref<!tpu.dma_semaphore, #tpu.memory_space<semaphore_mem>>) src(%dma_wait3A_595 : memref<1x64xf32, #tpu.memory_space<hbm>>) dst(%dma_wait3A_593 : memref<1x64xf32, #tpu.memory_space<vmem>>)
    %dma_wait3A_596 = arith.constant 21 : i32
    %dma_wait3A_597 = arith.constant 0 : i32
    %dma_wait3A_598 = tpu.memref_slice %arg7[%dma_wait3A_596, %dma_wait3A_597] : memref<32x64xf32, #tpu.memory_space<vmem>> -> memref<1x64xf32, #tpu.memory_space<vmem>>
    %dma_wait3A_599 = arith.constant 0 : i32
    %dma_wait3A_600 = tpu.memref_slice %arg2[%squeeze3A_256, %dma_wait3A_599] : memref<100000x64xf32, #tpu.memory_space<hbm>> -> memref<1x64xf32, #tpu.memory_space<hbm>>
    %dma_wait3A_601 = arith.constant 21 : i32
    %dma_wait3A_602 = arith.constant 0 : i32
    %dma_wait3A_603 = tpu.memref_slice %arg7[%dma_wait3A_601, %dma_wait3A_602] : memref<32x64xf32, #tpu.memory_space<vmem>> -> memref<1x64xf32, #tpu.memory_space<vmem>>
    %dma_wait3A_604 = arith.constant 0 : i32
    %dma_wait3A_605 = tpu.memref_slice %arg2[%squeeze3A_256, %dma_wait3A_604] : memref<100000x64xf32, #tpu.memory_space<hbm>> -> memref<1x64xf32, #tpu.memory_space<hbm>>
    tpu.wait_dma2 semaphore(%arg10 : memref<!tpu.dma_semaphore, #tpu.memory_space<semaphore_mem>>) src(%dma_wait3A_605 : memref<1x64xf32, #tpu.memory_space<hbm>>) dst(%dma_wait3A_603 : memref<1x64xf32, #tpu.memory_space<vmem>>)
    %dma_wait3A_606 = arith.constant 22 : i32
    %dma_wait3A_607 = arith.constant 0 : i32
    %dma_wait3A_608 = tpu.memref_slice %arg7[%dma_wait3A_606, %dma_wait3A_607] : memref<32x64xf32, #tpu.memory_space<vmem>> -> memref<1x64xf32, #tpu.memory_space<vmem>>
    %dma_wait3A_609 = arith.constant 0 : i32
    %dma_wait3A_610 = tpu.memref_slice %arg2[%squeeze3A_268, %dma_wait3A_609] : memref<100000x64xf32, #tpu.memory_space<hbm>> -> memref<1x64xf32, #tpu.memory_space<hbm>>
    %dma_wait3A_611 = arith.constant 22 : i32
    %dma_wait3A_612 = arith.constant 0 : i32
    %dma_wait3A_613 = tpu.memref_slice %arg7[%dma_wait3A_611, %dma_wait3A_612] : memref<32x64xf32, #tpu.memory_space<vmem>> -> memref<1x64xf32, #tpu.memory_space<vmem>>
    %dma_wait3A_614 = arith.constant 0 : i32
    %dma_wait3A_615 = tpu.memref_slice %arg2[%squeeze3A_268, %dma_wait3A_614] : memref<100000x64xf32, #tpu.memory_space<hbm>> -> memref<1x64xf32, #tpu.memory_space<hbm>>
    tpu.wait_dma2 semaphore(%arg10 : memref<!tpu.dma_semaphore, #tpu.memory_space<semaphore_mem>>) src(%dma_wait3A_615 : memref<1x64xf32, #tpu.memory_space<hbm>>) dst(%dma_wait3A_613 : memref<1x64xf32, #tpu.memory_space<vmem>>)
    %dma_wait3A_616 = arith.constant 23 : i32
    %dma_wait3A_617 = arith.constant 0 : i32
    %dma_wait3A_618 = tpu.memref_slice %arg7[%dma_wait3A_616, %dma_wait3A_617] : memref<32x64xf32, #tpu.memory_space<vmem>> -> memref<1x64xf32, #tpu.memory_space<vmem>>
    %dma_wait3A_619 = arith.constant 0 : i32
    %dma_wait3A_620 = tpu.memref_slice %arg2[%squeeze3A_280, %dma_wait3A_619] : memref<100000x64xf32, #tpu.memory_space<hbm>> -> memref<1x64xf32, #tpu.memory_space<hbm>>
    %dma_wait3A_621 = arith.constant 23 : i32
    %dma_wait3A_622 = arith.constant 0 : i32
    %dma_wait3A_623 = tpu.memref_slice %arg7[%dma_wait3A_621, %dma_wait3A_622] : memref<32x64xf32, #tpu.memory_space<vmem>> -> memref<1x64xf32, #tpu.memory_space<vmem>>
    %dma_wait3A_624 = arith.constant 0 : i32
    %dma_wait3A_625 = tpu.memref_slice %arg2[%squeeze3A_280, %dma_wait3A_624] : memref<100000x64xf32, #tpu.memory_space<hbm>> -> memref<1x64xf32, #tpu.memory_space<hbm>>
    tpu.wait_dma2 semaphore(%arg10 : memref<!tpu.dma_semaphore, #tpu.memory_space<semaphore_mem>>) src(%dma_wait3A_625 : memref<1x64xf32, #tpu.memory_space<hbm>>) dst(%dma_wait3A_623 : memref<1x64xf32, #tpu.memory_space<vmem>>)
    %dma_wait3A_626 = arith.constant 24 : i32
    %dma_wait3A_627 = arith.constant 0 : i32
    %dma_wait3A_628 = tpu.memref_slice %arg7[%dma_wait3A_626, %dma_wait3A_627] : memref<32x64xf32, #tpu.memory_space<vmem>> -> memref<1x64xf32, #tpu.memory_space<vmem>>
    %dma_wait3A_629 = arith.constant 0 : i32
    %dma_wait3A_630 = tpu.memref_slice %arg2[%squeeze3A_292, %dma_wait3A_629] : memref<100000x64xf32, #tpu.memory_space<hbm>> -> memref<1x64xf32, #tpu.memory_space<hbm>>
    %dma_wait3A_631 = arith.constant 24 : i32
    %dma_wait3A_632 = arith.constant 0 : i32
    %dma_wait3A_633 = tpu.memref_slice %arg7[%dma_wait3A_631, %dma_wait3A_632] : memref<32x64xf32, #tpu.memory_space<vmem>> -> memref<1x64xf32, #tpu.memory_space<vmem>>
    %dma_wait3A_634 = arith.constant 0 : i32
    %dma_wait3A_635 = tpu.memref_slice %arg2[%squeeze3A_292, %dma_wait3A_634] : memref<100000x64xf32, #tpu.memory_space<hbm>> -> memref<1x64xf32, #tpu.memory_space<hbm>>
    tpu.wait_dma2 semaphore(%arg10 : memref<!tpu.dma_semaphore, #tpu.memory_space<semaphore_mem>>) src(%dma_wait3A_635 : memref<1x64xf32, #tpu.memory_space<hbm>>) dst(%dma_wait3A_633 : memref<1x64xf32, #tpu.memory_space<vmem>>)
    %dma_wait3A_636 = arith.constant 25 : i32
    %dma_wait3A_637 = arith.constant 0 : i32
    %dma_wait3A_638 = tpu.memref_slice %arg7[%dma_wait3A_636, %dma_wait3A_637] : memref<32x64xf32, #tpu.memory_space<vmem>> -> memref<1x64xf32, #tpu.memory_space<vmem>>
    %dma_wait3A_639 = arith.constant 0 : i32
    %dma_wait3A_640 = tpu.memref_slice %arg2[%squeeze3A_304, %dma_wait3A_639] : memref<100000x64xf32, #tpu.memory_space<hbm>> -> memref<1x64xf32, #tpu.memory_space<hbm>>
    %dma_wait3A_641 = arith.constant 25 : i32
    %dma_wait3A_642 = arith.constant 0 : i32
    %dma_wait3A_643 = tpu.memref_slice %arg7[%dma_wait3A_641, %dma_wait3A_642] : memref<32x64xf32, #tpu.memory_space<vmem>> -> memref<1x64xf32, #tpu.memory_space<vmem>>
    %dma_wait3A_644 = arith.constant 0 : i32
    %dma_wait3A_645 = tpu.memref_slice %arg2[%squeeze3A_304, %dma_wait3A_644] : memref<100000x64xf32, #tpu.memory_space<hbm>> -> memref<1x64xf32, #tpu.memory_space<hbm>>
    tpu.wait_dma2 semaphore(%arg10 : memref<!tpu.dma_semaphore, #tpu.memory_space<semaphore_mem>>) src(%dma_wait3A_645 : memref<1x64xf32, #tpu.memory_space<hbm>>) dst(%dma_wait3A_643 : memref<1x64xf32, #tpu.memory_space<vmem>>)
    %dma_wait3A_646 = arith.constant 26 : i32
    %dma_wait3A_647 = arith.constant 0 : i32
    %dma_wait3A_648 = tpu.memref_slice %arg7[%dma_wait3A_646, %dma_wait3A_647] : memref<32x64xf32, #tpu.memory_space<vmem>> -> memref<1x64xf32, #tpu.memory_space<vmem>>
    %dma_wait3A_649 = arith.constant 0 : i32
    %dma_wait3A_650 = tpu.memref_slice %arg2[%squeeze3A_316, %dma_wait3A_649] : memref<100000x64xf32, #tpu.memory_space<hbm>> -> memref<1x64xf32, #tpu.memory_space<hbm>>
    %dma_wait3A_651 = arith.constant 26 : i32
    %dma_wait3A_652 = arith.constant 0 : i32
    %dma_wait3A_653 = tpu.memref_slice %arg7[%dma_wait3A_651, %dma_wait3A_652] : memref<32x64xf32, #tpu.memory_space<vmem>> -> memref<1x64xf32, #tpu.memory_space<vmem>>
    %dma_wait3A_654 = arith.constant 0 : i32
    %dma_wait3A_655 = tpu.memref_slice %arg2[%squeeze3A_316, %dma_wait3A_654] : memref<100000x64xf32, #tpu.memory_space<hbm>> -> memref<1x64xf32, #tpu.memory_space<hbm>>
    tpu.wait_dma2 semaphore(%arg10 : memref<!tpu.dma_semaphore, #tpu.memory_space<semaphore_mem>>) src(%dma_wait3A_655 : memref<1x64xf32, #tpu.memory_space<hbm>>) dst(%dma_wait3A_653 : memref<1x64xf32, #tpu.memory_space<vmem>>)
    %dma_wait3A_656 = arith.constant 27 : i32
    %dma_wait3A_657 = arith.constant 0 : i32
    %dma_wait3A_658 = tpu.memref_slice %arg7[%dma_wait3A_656, %dma_wait3A_657] : memref<32x64xf32, #tpu.memory_space<vmem>> -> memref<1x64xf32, #tpu.memory_space<vmem>>
    %dma_wait3A_659 = arith.constant 0 : i32
    %dma_wait3A_660 = tpu.memref_slice %arg2[%squeeze3A_328, %dma_wait3A_659] : memref<100000x64xf32, #tpu.memory_space<hbm>> -> memref<1x64xf32, #tpu.memory_space<hbm>>
    %dma_wait3A_661 = arith.constant 27 : i32
    %dma_wait3A_662 = arith.constant 0 : i32
    %dma_wait3A_663 = tpu.memref_slice %arg7[%dma_wait3A_661, %dma_wait3A_662] : memref<32x64xf32, #tpu.memory_space<vmem>> -> memref<1x64xf32, #tpu.memory_space<vmem>>
    %dma_wait3A_664 = arith.constant 0 : i32
    %dma_wait3A_665 = tpu.memref_slice %arg2[%squeeze3A_328, %dma_wait3A_664] : memref<100000x64xf32, #tpu.memory_space<hbm>> -> memref<1x64xf32, #tpu.memory_space<hbm>>
    tpu.wait_dma2 semaphore(%arg10 : memref<!tpu.dma_semaphore, #tpu.memory_space<semaphore_mem>>) src(%dma_wait3A_665 : memref<1x64xf32, #tpu.memory_space<hbm>>) dst(%dma_wait3A_663 : memref<1x64xf32, #tpu.memory_space<vmem>>)
    %dma_wait3A_666 = arith.constant 28 : i32
    %dma_wait3A_667 = arith.constant 0 : i32
    %dma_wait3A_668 = tpu.memref_slice %arg7[%dma_wait3A_666, %dma_wait3A_667] : memref<32x64xf32, #tpu.memory_space<vmem>> -> memref<1x64xf32, #tpu.memory_space<vmem>>
    %dma_wait3A_669 = arith.constant 0 : i32
    %dma_wait3A_670 = tpu.memref_slice %arg2[%squeeze3A_340, %dma_wait3A_669] : memref<100000x64xf32, #tpu.memory_space<hbm>> -> memref<1x64xf32, #tpu.memory_space<hbm>>
    %dma_wait3A_671 = arith.constant 28 : i32
    %dma_wait3A_672 = arith.constant 0 : i32
    %dma_wait3A_673 = tpu.memref_slice %arg7[%dma_wait3A_671, %dma_wait3A_672] : memref<32x64xf32, #tpu.memory_space<vmem>> -> memref<1x64xf32, #tpu.memory_space<vmem>>
    %dma_wait3A_674 = arith.constant 0 : i32
    %dma_wait3A_675 = tpu.memref_slice %arg2[%squeeze3A_340, %dma_wait3A_674] : memref<100000x64xf32, #tpu.memory_space<hbm>> -> memref<1x64xf32, #tpu.memory_space<hbm>>
    tpu.wait_dma2 semaphore(%arg10 : memref<!tpu.dma_semaphore, #tpu.memory_space<semaphore_mem>>) src(%dma_wait3A_675 : memref<1x64xf32, #tpu.memory_space<hbm>>) dst(%dma_wait3A_673 : memref<1x64xf32, #tpu.memory_space<vmem>>)
    %dma_wait3A_676 = arith.constant 29 : i32
    %dma_wait3A_677 = arith.constant 0 : i32
    %dma_wait3A_678 = tpu.memref_slice %arg7[%dma_wait3A_676, %dma_wait3A_677] : memref<32x64xf32, #tpu.memory_space<vmem>> -> memref<1x64xf32, #tpu.memory_space<vmem>>
    %dma_wait3A_679 = arith.constant 0 : i32
    %dma_wait3A_680 = tpu.memref_slice %arg2[%squeeze3A_352, %dma_wait3A_679] : memref<100000x64xf32, #tpu.memory_space<hbm>> -> memref<1x64xf32, #tpu.memory_space<hbm>>
    %dma_wait3A_681 = arith.constant 29 : i32
    %dma_wait3A_682 = arith.constant 0 : i32
    %dma_wait3A_683 = tpu.memref_slice %arg7[%dma_wait3A_681, %dma_wait3A_682] : memref<32x64xf32, #tpu.memory_space<vmem>> -> memref<1x64xf32, #tpu.memory_space<vmem>>
    %dma_wait3A_684 = arith.constant 0 : i32
    %dma_wait3A_685 = tpu.memref_slice %arg2[%squeeze3A_352, %dma_wait3A_684] : memref<100000x64xf32, #tpu.memory_space<hbm>> -> memref<1x64xf32, #tpu.memory_space<hbm>>
    tpu.wait_dma2 semaphore(%arg10 : memref<!tpu.dma_semaphore, #tpu.memory_space<semaphore_mem>>) src(%dma_wait3A_685 : memref<1x64xf32, #tpu.memory_space<hbm>>) dst(%dma_wait3A_683 : memref<1x64xf32, #tpu.memory_space<vmem>>)
    %dma_wait3A_686 = arith.constant 30 : i32
    %dma_wait3A_687 = arith.constant 0 : i32
    %dma_wait3A_688 = tpu.memref_slice %arg7[%dma_wait3A_686, %dma_wait3A_687] : memref<32x64xf32, #tpu.memory_space<vmem>> -> memref<1x64xf32, #tpu.memory_space<vmem>>
    %dma_wait3A_689 = arith.constant 0 : i32
    %dma_wait3A_690 = tpu.memref_slice %arg2[%squeeze3A_364, %dma_wait3A_689] : memref<100000x64xf32, #tpu.memory_space<hbm>> -> memref<1x64xf32, #tpu.memory_space<hbm>>
    %dma_wait3A_691 = arith.constant 30 : i32
    %dma_wait3A_692 = arith.constant 0 : i32
    %dma_wait3A_693 = tpu.memref_slice %arg7[%dma_wait3A_691, %dma_wait3A_692] : memref<32x64xf32, #tpu.memory_space<vmem>> -> memref<1x64xf32, #tpu.memory_space<vmem>>
    %dma_wait3A_694 = arith.constant 0 : i32
    %dma_wait3A_695 = tpu.memref_slice %arg2[%squeeze3A_364, %dma_wait3A_694] : memref<100000x64xf32, #tpu.memory_space<hbm>> -> memref<1x64xf32, #tpu.memory_space<hbm>>
    tpu.wait_dma2 semaphore(%arg10 : memref<!tpu.dma_semaphore, #tpu.memory_space<semaphore_mem>>) src(%dma_wait3A_695 : memref<1x64xf32, #tpu.memory_space<hbm>>) dst(%dma_wait3A_693 : memref<1x64xf32, #tpu.memory_space<vmem>>)
    %dma_wait3A_696 = arith.constant 31 : i32
    %dma_wait3A_697 = arith.constant 0 : i32
    %dma_wait3A_698 = tpu.memref_slice %arg7[%dma_wait3A_696, %dma_wait3A_697] : memref<32x64xf32, #tpu.memory_space<vmem>> -> memref<1x64xf32, #tpu.memory_space<vmem>>
    %dma_wait3A_699 = arith.constant 0 : i32
    %dma_wait3A_700 = tpu.memref_slice %arg2[%squeeze3A_376, %dma_wait3A_699] : memref<100000x64xf32, #tpu.memory_space<hbm>> -> memref<1x64xf32, #tpu.memory_space<hbm>>
    %dma_wait3A_701 = arith.constant 31 : i32
    %dma_wait3A_702 = arith.constant 0 : i32
    %dma_wait3A_703 = tpu.memref_slice %arg7[%dma_wait3A_701, %dma_wait3A_702] : memref<32x64xf32, #tpu.memory_space<vmem>> -> memref<1x64xf32, #tpu.memory_space<vmem>>
    %dma_wait3A_704 = arith.constant 0 : i32
    %dma_wait3A_705 = tpu.memref_slice %arg2[%squeeze3A_376, %dma_wait3A_704] : memref<100000x64xf32, #tpu.memory_space<hbm>> -> memref<1x64xf32, #tpu.memory_space<hbm>>
    tpu.wait_dma2 semaphore(%arg10 : memref<!tpu.dma_semaphore, #tpu.memory_space<semaphore_mem>>) src(%dma_wait3A_705 : memref<1x64xf32, #tpu.memory_space<hbm>>) dst(%dma_wait3A_703 : memref<1x64xf32, #tpu.memory_space<vmem>>)
    %broadcast_in_dim3A = arith.constant 0.000000e+00 : f32
    %broadcast_in_dim3A_706 = vector.broadcast %broadcast_in_dim3A : f32 to vector<16xf32>
    %iota3A = tpu.iota {dimensions = array<i32: 0>} : vector<16xi32>
    %add3A_707 = arith.constant 0 : i32
    %add3A_708 = vector.broadcast %add3A_707 : i32 to vector<16xi32>
    %add3A_709 = arith.addi %iota3A, %add3A_708 : vector<16xi32>
    %broadcast_in_dim3A_710 = arith.constant 0.000000e+00 : f32
    %broadcast_in_dim3A_711 = vector.broadcast %broadcast_in_dim3A_710 : f32 to vector<16xf32>
    %broadcast_in_dim3A_712 = arith.constant 0.000000e+00 : f32
    %broadcast_in_dim3A_713 = vector.broadcast %broadcast_in_dim3A_712 : f32 to vector<16xf32>
    %broadcast_in_dim3A_714 = arith.constant 0 : i32
    %broadcast_in_dim3A_715 = vector.broadcast %broadcast_in_dim3A_714 : i32 to vector<16xi32>
    %gather3A = tpu.vector_load_idx %arg8[%add3A_709, %broadcast_in_dim3A_715] : memref<32x64xf32, #tpu.memory_space<vmem>>[vector<16xi32>, vector<16xi32>], vector<16xf32>,
    %gather3A_716 = tpu.vector_load_idx %arg7[%add3A_709, %broadcast_in_dim3A_715] : memref<32x64xf32, #tpu.memory_space<vmem>>[vector<16xi32>, vector<16xi32>], vector<16xf32>,
    %mul3A_717 = arith.mulf %gather3A, %gather3A : vector<16xf32>
    %add3A_718 = arith.addf %broadcast_in_dim3A_711, %mul3A_717 : vector<16xf32>
    %mul3A_719 = arith.mulf %gather3A, %gather3A_716 : vector<16xf32>
    %add3A_720 = arith.addf %broadcast_in_dim3A_713, %mul3A_719 : vector<16xf32>
    %broadcast_in_dim3A_721 = arith.constant 1 : i32
    %broadcast_in_dim3A_722 = vector.broadcast %broadcast_in_dim3A_721 : i32 to vector<16xi32>
    %gather3A_723 = tpu.vector_load_idx %arg8[%add3A_709, %broadcast_in_dim3A_722] : memref<32x64xf32, #tpu.memory_space<vmem>>[vector<16xi32>, vector<16xi32>], vector<16xf32>,
    %gather3A_724 = tpu.vector_load_idx %arg7[%add3A_709, %broadcast_in_dim3A_722] : memref<32x64xf32, #tpu.memory_space<vmem>>[vector<16xi32>, vector<16xi32>], vector<16xf32>,
    %mul3A_725 = arith.mulf %gather3A_723, %gather3A_723 : vector<16xf32>
    %add3A_726 = arith.addf %add3A_718, %mul3A_725 : vector<16xf32>
    %mul3A_727 = arith.mulf %gather3A_723, %gather3A_724 : vector<16xf32>
    %add3A_728 = arith.addf %add3A_720, %mul3A_727 : vector<16xf32>
    %broadcast_in_dim3A_729 = arith.constant 2 : i32
    %broadcast_in_dim3A_730 = vector.broadcast %broadcast_in_dim3A_729 : i32 to vector<16xi32>
    %gather3A_731 = tpu.vector_load_idx %arg8[%add3A_709, %broadcast_in_dim3A_730] : memref<32x64xf32, #tpu.memory_space<vmem>>[vector<16xi32>, vector<16xi32>], vector<16xf32>,
    %gather3A_732 = tpu.vector_load_idx %arg7[%add3A_709, %broadcast_in_dim3A_730] : memref<32x64xf32, #tpu.memory_space<vmem>>[vector<16xi32>, vector<16xi32>], vector<16xf32>,
    %mul3A_733 = arith.mulf %gather3A_731, %gather3A_731 : vector<16xf32>
    %add3A_734 = arith.addf %add3A_726, %mul3A_733 : vector<16xf32>
    %mul3A_735 = arith.mulf %gather3A_731, %gather3A_732 : vector<16xf32>
    %add3A_736 = arith.addf %add3A_728, %mul3A_735 : vector<16xf32>
    %broadcast_in_dim3A_737 = arith.constant 3 : i32
    %broadcast_in_dim3A_738 = vector.broadcast %broadcast_in_dim3A_737 : i32 to vector<16xi32>
    %gather3A_739 = tpu.vector_load_idx %arg8[%add3A_709, %broadcast_in_dim3A_738] : memref<32x64xf32, #tpu.memory_space<vmem>>[vector<16xi32>, vector<16xi32>], vector<16xf32>,
    %gather3A_740 = tpu.vector_load_idx %arg7[%add3A_709, %broadcast_in_dim3A_738] : memref<32x64xf32, #tpu.memory_space<vmem>>[vector<16xi32>, vector<16xi32>], vector<16xf32>,
    %mul3A_741 = arith.mulf %gather3A_739, %gather3A_739 : vector<16xf32>
    %add3A_742 = arith.addf %add3A_734, %mul3A_741 : vector<16xf32>
    %mul3A_743 = arith.mulf %gather3A_739, %gather3A_740 : vector<16xf32>
    %add3A_744 = arith.addf %add3A_736, %mul3A_743 : vector<16xf32>
    %broadcast_in_dim3A_745 = arith.constant 4 : i32
    %broadcast_in_dim3A_746 = vector.broadcast %broadcast_in_dim3A_745 : i32 to vector<16xi32>
    %gather3A_747 = tpu.vector_load_idx %arg8[%add3A_709, %broadcast_in_dim3A_746] : memref<32x64xf32, #tpu.memory_space<vmem>>[vector<16xi32>, vector<16xi32>], vector<16xf32>,
    %gather3A_748 = tpu.vector_load_idx %arg7[%add3A_709, %broadcast_in_dim3A_746] : memref<32x64xf32, #tpu.memory_space<vmem>>[vector<16xi32>, vector<16xi32>], vector<16xf32>,
    %mul3A_749 = arith.mulf %gather3A_747, %gather3A_747 : vector<16xf32>
    %add3A_750 = arith.addf %add3A_742, %mul3A_749 : vector<16xf32>
    %mul3A_751 = arith.mulf %gather3A_747, %gather3A_748 : vector<16xf32>
    %add3A_752 = arith.addf %add3A_744, %mul3A_751 : vector<16xf32>
    %broadcast_in_dim3A_753 = arith.constant 5 : i32
    %broadcast_in_dim3A_754 = vector.broadcast %broadcast_in_dim3A_753 : i32 to vector<16xi32>
    %gather3A_755 = tpu.vector_load_idx %arg8[%add3A_709, %broadcast_in_dim3A_754] : memref<32x64xf32, #tpu.memory_space<vmem>>[vector<16xi32>, vector<16xi32>], vector<16xf32>,
    %gather3A_756 = tpu.vector_load_idx %arg7[%add3A_709, %broadcast_in_dim3A_754] : memref<32x64xf32, #tpu.memory_space<vmem>>[vector<16xi32>, vector<16xi32>], vector<16xf32>,
    %mul3A_757 = arith.mulf %gather3A_755, %gather3A_755 : vector<16xf32>
    %add3A_758 = arith.addf %add3A_750, %mul3A_757 : vector<16xf32>
    %mul3A_759 = arith.mulf %gather3A_755, %gather3A_756 : vector<16xf32>
    %add3A_760 = arith.addf %add3A_752, %mul3A_759 : vector<16xf32>
    %broadcast_in_dim3A_761 = arith.constant 6 : i32
    %broadcast_in_dim3A_762 = vector.broadcast %broadcast_in_dim3A_761 : i32 to vector<16xi32>
    %gather3A_763 = tpu.vector_load_idx %arg8[%add3A_709, %broadcast_in_dim3A_762] : memref<32x64xf32, #tpu.memory_space<vmem>>[vector<16xi32>, vector<16xi32>], vector<16xf32>,
    %gather3A_764 = tpu.vector_load_idx %arg7[%add3A_709, %broadcast_in_dim3A_762] : memref<32x64xf32, #tpu.memory_space<vmem>>[vector<16xi32>, vector<16xi32>], vector<16xf32>,
    %mul3A_765 = arith.mulf %gather3A_763, %gather3A_763 : vector<16xf32>
    %add3A_766 = arith.addf %add3A_758, %mul3A_765 : vector<16xf32>
    %mul3A_767 = arith.mulf %gather3A_763, %gather3A_764 : vector<16xf32>
    %add3A_768 = arith.addf %add3A_760, %mul3A_767 : vector<16xf32>
    %broadcast_in_dim3A_769 = arith.constant 7 : i32
    %broadcast_in_dim3A_770 = vector.broadcast %broadcast_in_dim3A_769 : i32 to vector<16xi32>
    %gather3A_771 = tpu.vector_load_idx %arg8[%add3A_709, %broadcast_in_dim3A_770] : memref<32x64xf32, #tpu.memory_space<vmem>>[vector<16xi32>, vector<16xi32>], vector<16xf32>,
    %gather3A_772 = tpu.vector_load_idx %arg7[%add3A_709, %broadcast_in_dim3A_770] : memref<32x64xf32, #tpu.memory_space<vmem>>[vector<16xi32>, vector<16xi32>], vector<16xf32>,
    %mul3A_773 = arith.mulf %gather3A_771, %gather3A_771 : vector<16xf32>
    %add3A_774 = arith.addf %add3A_766, %mul3A_773 : vector<16xf32>
    %mul3A_775 = arith.mulf %gather3A_771, %gather3A_772 : vector<16xf32>
    %add3A_776 = arith.addf %add3A_768, %mul3A_775 : vector<16xf32>
    %broadcast_in_dim3A_777 = arith.constant 8 : i32
    %broadcast_in_dim3A_778 = vector.broadcast %broadcast_in_dim3A_777 : i32 to vector<16xi32>
    %gather3A_779 = tpu.vector_load_idx %arg8[%add3A_709, %broadcast_in_dim3A_778] : memref<32x64xf32, #tpu.memory_space<vmem>>[vector<16xi32>, vector<16xi32>], vector<16xf32>,
    %gather3A_780 = tpu.vector_load_idx %arg7[%add3A_709, %broadcast_in_dim3A_778] : memref<32x64xf32, #tpu.memory_space<vmem>>[vector<16xi32>, vector<16xi32>], vector<16xf32>,
    %mul3A_781 = arith.mulf %gather3A_779, %gather3A_779 : vector<16xf32>
    %add3A_782 = arith.addf %add3A_774, %mul3A_781 : vector<16xf32>
    %mul3A_783 = arith.mulf %gather3A_779, %gather3A_780 : vector<16xf32>
    %add3A_784 = arith.addf %add3A_776, %mul3A_783 : vector<16xf32>
    %broadcast_in_dim3A_785 = arith.constant 9 : i32
    %broadcast_in_dim3A_786 = vector.broadcast %broadcast_in_dim3A_785 : i32 to vector<16xi32>
    %gather3A_787 = tpu.vector_load_idx %arg8[%add3A_709, %broadcast_in_dim3A_786] : memref<32x64xf32, #tpu.memory_space<vmem>>[vector<16xi32>, vector<16xi32>], vector<16xf32>,
    %gather3A_788 = tpu.vector_load_idx %arg7[%add3A_709, %broadcast_in_dim3A_786] : memref<32x64xf32, #tpu.memory_space<vmem>>[vector<16xi32>, vector<16xi32>], vector<16xf32>,
    %mul3A_789 = arith.mulf %gather3A_787, %gather3A_787 : vector<16xf32>
    %add3A_790 = arith.addf %add3A_782, %mul3A_789 : vector<16xf32>
    %mul3A_791 = arith.mulf %gather3A_787, %gather3A_788 : vector<16xf32>
    %add3A_792 = arith.addf %add3A_784, %mul3A_791 : vector<16xf32>
    %broadcast_in_dim3A_793 = arith.constant 10 : i32
    %broadcast_in_dim3A_794 = vector.broadcast %broadcast_in_dim3A_793 : i32 to vector<16xi32>
    %gather3A_795 = tpu.vector_load_idx %arg8[%add3A_709, %broadcast_in_dim3A_794] : memref<32x64xf32, #tpu.memory_space<vmem>>[vector<16xi32>, vector<16xi32>], vector<16xf32>,
    %gather3A_796 = tpu.vector_load_idx %arg7[%add3A_709, %broadcast_in_dim3A_794] : memref<32x64xf32, #tpu.memory_space<vmem>>[vector<16xi32>, vector<16xi32>], vector<16xf32>,
    %mul3A_797 = arith.mulf %gather3A_795, %gather3A_795 : vector<16xf32>
    %add3A_798 = arith.addf %add3A_790, %mul3A_797 : vector<16xf32>
    %mul3A_799 = arith.mulf %gather3A_795, %gather3A_796 : vector<16xf32>
    %add3A_800 = arith.addf %add3A_792, %mul3A_799 : vector<16xf32>
    %broadcast_in_dim3A_801 = arith.constant 11 : i32
    %broadcast_in_dim3A_802 = vector.broadcast %broadcast_in_dim3A_801 : i32 to vector<16xi32>
    %gather3A_803 = tpu.vector_load_idx %arg8[%add3A_709, %broadcast_in_dim3A_802] : memref<32x64xf32, #tpu.memory_space<vmem>>[vector<16xi32>, vector<16xi32>], vector<16xf32>,
    %gather3A_804 = tpu.vector_load_idx %arg7[%add3A_709, %broadcast_in_dim3A_802] : memref<32x64xf32, #tpu.memory_space<vmem>>[vector<16xi32>, vector<16xi32>], vector<16xf32>,
    %mul3A_805 = arith.mulf %gather3A_803, %gather3A_803 : vector<16xf32>
    %add3A_806 = arith.addf %add3A_798, %mul3A_805 : vector<16xf32>
    %mul3A_807 = arith.mulf %gather3A_803, %gather3A_804 : vector<16xf32>
    %add3A_808 = arith.addf %add3A_800, %mul3A_807 : vector<16xf32>
    %broadcast_in_dim3A_809 = arith.constant 12 : i32
    %broadcast_in_dim3A_810 = vector.broadcast %broadcast_in_dim3A_809 : i32 to vector<16xi32>
    %gather3A_811 = tpu.vector_load_idx %arg8[%add3A_709, %broadcast_in_dim3A_810] : memref<32x64xf32, #tpu.memory_space<vmem>>[vector<16xi32>, vector<16xi32>], vector<16xf32>,
    %gather3A_812 = tpu.vector_load_idx %arg7[%add3A_709, %broadcast_in_dim3A_810] : memref<32x64xf32, #tpu.memory_space<vmem>>[vector<16xi32>, vector<16xi32>], vector<16xf32>,
    %mul3A_813 = arith.mulf %gather3A_811, %gather3A_811 : vector<16xf32>
    %add3A_814 = arith.addf %add3A_806, %mul3A_813 : vector<16xf32>
    %mul3A_815 = arith.mulf %gather3A_811, %gather3A_812 : vector<16xf32>
    %add3A_816 = arith.addf %add3A_808, %mul3A_815 : vector<16xf32>
    %broadcast_in_dim3A_817 = arith.constant 13 : i32
    %broadcast_in_dim3A_818 = vector.broadcast %broadcast_in_dim3A_817 : i32 to vector<16xi32>
    %gather3A_819 = tpu.vector_load_idx %arg8[%add3A_709, %broadcast_in_dim3A_818] : memref<32x64xf32, #tpu.memory_space<vmem>>[vector<16xi32>, vector<16xi32>], vector<16xf32>,
    %gather3A_820 = tpu.vector_load_idx %arg7[%add3A_709, %broadcast_in_dim3A_818] : memref<32x64xf32, #tpu.memory_space<vmem>>[vector<16xi32>, vector<16xi32>], vector<16xf32>,
    %mul3A_821 = arith.mulf %gather3A_819, %gather3A_819 : vector<16xf32>
    %add3A_822 = arith.addf %add3A_814, %mul3A_821 : vector<16xf32>
    %mul3A_823 = arith.mulf %gather3A_819, %gather3A_820 : vector<16xf32>
    %add3A_824 = arith.addf %add3A_816, %mul3A_823 : vector<16xf32>
    %broadcast_in_dim3A_825 = arith.constant 14 : i32
    %broadcast_in_dim3A_826 = vector.broadcast %broadcast_in_dim3A_825 : i32 to vector<16xi32>
    %gather3A_827 = tpu.vector_load_idx %arg8[%add3A_709, %broadcast_in_dim3A_826] : memref<32x64xf32, #tpu.memory_space<vmem>>[vector<16xi32>, vector<16xi32>], vector<16xf32>,
    %gather3A_828 = tpu.vector_load_idx %arg7[%add3A_709, %broadcast_in_dim3A_826] : memref<32x64xf32, #tpu.memory_space<vmem>>[vector<16xi32>, vector<16xi32>], vector<16xf32>,
    %mul3A_829 = arith.mulf %gather3A_827, %gather3A_827 : vector<16xf32>
    %add3A_830 = arith.addf %add3A_822, %mul3A_829 : vector<16xf32>
    %mul3A_831 = arith.mulf %gather3A_827, %gather3A_828 : vector<16xf32>
    %add3A_832 = arith.addf %add3A_824, %mul3A_831 : vector<16xf32>
    %broadcast_in_dim3A_833 = arith.constant 15 : i32
    %broadcast_in_dim3A_834 = vector.broadcast %broadcast_in_dim3A_833 : i32 to vector<16xi32>
    %gather3A_835 = tpu.vector_load_idx %arg8[%add3A_709, %broadcast_in_dim3A_834] : memref<32x64xf32, #tpu.memory_space<vmem>>[vector<16xi32>, vector<16xi32>], vector<16xf32>,
    %gather3A_836 = tpu.vector_load_idx %arg7[%add3A_709, %broadcast_in_dim3A_834] : memref<32x64xf32, #tpu.memory_space<vmem>>[vector<16xi32>, vector<16xi32>], vector<16xf32>,
    %mul3A_837 = arith.mulf %gather3A_835, %gather3A_835 : vector<16xf32>
    %add3A_838 = arith.addf %add3A_830, %mul3A_837 : vector<16xf32>
    %mul3A_839 = arith.mulf %gather3A_835, %gather3A_836 : vector<16xf32>
    %add3A_840 = arith.addf %add3A_832, %mul3A_839 : vector<16xf32>
    %broadcast_in_dim3A_841 = arith.constant 16 : i32
    %broadcast_in_dim3A_842 = vector.broadcast %broadcast_in_dim3A_841 : i32 to vector<16xi32>
    %gather3A_843 = tpu.vector_load_idx %arg8[%add3A_709, %broadcast_in_dim3A_842] : memref<32x64xf32, #tpu.memory_space<vmem>>[vector<16xi32>, vector<16xi32>], vector<16xf32>,
    %gather3A_844 = tpu.vector_load_idx %arg7[%add3A_709, %broadcast_in_dim3A_842] : memref<32x64xf32, #tpu.memory_space<vmem>>[vector<16xi32>, vector<16xi32>], vector<16xf32>,
    %mul3A_845 = arith.mulf %gather3A_843, %gather3A_843 : vector<16xf32>
    %add3A_846 = arith.addf %add3A_838, %mul3A_845 : vector<16xf32>
    %mul3A_847 = arith.mulf %gather3A_843, %gather3A_844 : vector<16xf32>
    %add3A_848 = arith.addf %add3A_840, %mul3A_847 : vector<16xf32>
    %broadcast_in_dim3A_849 = arith.constant 17 : i32
    %broadcast_in_dim3A_850 = vector.broadcast %broadcast_in_dim3A_849 : i32 to vector<16xi32>
    %gather3A_851 = tpu.vector_load_idx %arg8[%add3A_709, %broadcast_in_dim3A_850] : memref<32x64xf32, #tpu.memory_space<vmem>>[vector<16xi32>, vector<16xi32>], vector<16xf32>,
    %gather3A_852 = tpu.vector_load_idx %arg7[%add3A_709, %broadcast_in_dim3A_850] : memref<32x64xf32, #tpu.memory_space<vmem>>[vector<16xi32>, vector<16xi32>], vector<16xf32>,
    %mul3A_853 = arith.mulf %gather3A_851, %gather3A_851 : vector<16xf32>
    %add3A_854 = arith.addf %add3A_846, %mul3A_853 : vector<16xf32>
    %mul3A_855 = arith.mulf %gather3A_851, %gather3A_852 : vector<16xf32>
    %add3A_856 = arith.addf %add3A_848, %mul3A_855 : vector<16xf32>
    %broadcast_in_dim3A_857 = arith.constant 18 : i32
    %broadcast_in_dim3A_858 = vector.broadcast %broadcast_in_dim3A_857 : i32 to vector<16xi32>
    %gather3A_859 = tpu.vector_load_idx %arg8[%add3A_709, %broadcast_in_dim3A_858] : memref<32x64xf32, #tpu.memory_space<vmem>>[vector<16xi32>, vector<16xi32>], vector<16xf32>,
    %gather3A_860 = tpu.vector_load_idx %arg7[%add3A_709, %broadcast_in_dim3A_858] : memref<32x64xf32, #tpu.memory_space<vmem>>[vector<16xi32>, vector<16xi32>], vector<16xf32>,
    %mul3A_861 = arith.mulf %gather3A_859, %gather3A_859 : vector<16xf32>
    %add3A_862 = arith.addf %add3A_854, %mul3A_861 : vector<16xf32>
    %mul3A_863 = arith.mulf %gather3A_859, %gather3A_860 : vector<16xf32>
    %add3A_864 = arith.addf %add3A_856, %mul3A_863 : vector<16xf32>
    %broadcast_in_dim3A_865 = arith.constant 19 : i32
    %broadcast_in_dim3A_866 = vector.broadcast %broadcast_in_dim3A_865 : i32 to vector<16xi32>
    %gather3A_867 = tpu.vector_load_idx %arg8[%add3A_709, %broadcast_in_dim3A_866] : memref<32x64xf32, #tpu.memory_space<vmem>>[vector<16xi32>, vector<16xi32>], vector<16xf32>,
    %gather3A_868 = tpu.vector_load_idx %arg7[%add3A_709, %broadcast_in_dim3A_866] : memref<32x64xf32, #tpu.memory_space<vmem>>[vector<16xi32>, vector<16xi32>], vector<16xf32>,
    %mul3A_869 = arith.mulf %gather3A_867, %gather3A_867 : vector<16xf32>
    %add3A_870 = arith.addf %add3A_862, %mul3A_869 : vector<16xf32>
    %mul3A_871 = arith.mulf %gather3A_867, %gather3A_868 : vector<16xf32>
    %add3A_872 = arith.addf %add3A_864, %mul3A_871 : vector<16xf32>
    %broadcast_in_dim3A_873 = arith.constant 20 : i32
    %broadcast_in_dim3A_874 = vector.broadcast %broadcast_in_dim3A_873 : i32 to vector<16xi32>
    %gather3A_875 = tpu.vector_load_idx %arg8[%add3A_709, %broadcast_in_dim3A_874] : memref<32x64xf32, #tpu.memory_space<vmem>>[vector<16xi32>, vector<16xi32>], vector<16xf32>,
    %gather3A_876 = tpu.vector_load_idx %arg7[%add3A_709, %broadcast_in_dim3A_874] : memref<32x64xf32, #tpu.memory_space<vmem>>[vector<16xi32>, vector<16xi32>], vector<16xf32>,
    %mul3A_877 = arith.mulf %gather3A_875, %gather3A_875 : vector<16xf32>
    %add3A_878 = arith.addf %add3A_870, %mul3A_877 : vector<16xf32>
    %mul3A_879 = arith.mulf %gather3A_875, %gather3A_876 : vector<16xf32>
    %add3A_880 = arith.addf %add3A_872, %mul3A_879 : vector<16xf32>
    %broadcast_in_dim3A_881 = arith.constant 21 : i32
    %broadcast_in_dim3A_882 = vector.broadcast %broadcast_in_dim3A_881 : i32 to vector<16xi32>
    %gather3A_883 = tpu.vector_load_idx %arg8[%add3A_709, %broadcast_in_dim3A_882] : memref<32x64xf32, #tpu.memory_space<vmem>>[vector<16xi32>, vector<16xi32>], vector<16xf32>,
    %gather3A_884 = tpu.vector_load_idx %arg7[%add3A_709, %broadcast_in_dim3A_882] : memref<32x64xf32, #tpu.memory_space<vmem>>[vector<16xi32>, vector<16xi32>], vector<16xf32>,
    %mul3A_885 = arith.mulf %gather3A_883, %gather3A_883 : vector<16xf32>
    %add3A_886 = arith.addf %add3A_878, %mul3A_885 : vector<16xf32>
    %mul3A_887 = arith.mulf %gather3A_883, %gather3A_884 : vector<16xf32>
    %add3A_888 = arith.addf %add3A_880, %mul3A_887 : vector<16xf32>
    %broadcast_in_dim3A_889 = arith.constant 22 : i32
    %broadcast_in_dim3A_890 = vector.broadcast %broadcast_in_dim3A_889 : i32 to vector<16xi32>
    %gather3A_891 = tpu.vector_load_idx %arg8[%add3A_709, %broadcast_in_dim3A_890] : memref<32x64xf32, #tpu.memory_space<vmem>>[vector<16xi32>, vector<16xi32>], vector<16xf32>,
    %gather3A_892 = tpu.vector_load_idx %arg7[%add3A_709, %broadcast_in_dim3A_890] : memref<32x64xf32, #tpu.memory_space<vmem>>[vector<16xi32>, vector<16xi32>], vector<16xf32>,
    %mul3A_893 = arith.mulf %gather3A_891, %gather3A_891 : vector<16xf32>
    %add3A_894 = arith.addf %add3A_886, %mul3A_893 : vector<16xf32>
    %mul3A_895 = arith.mulf %gather3A_891, %gather3A_892 : vector<16xf32>
    %add3A_896 = arith.addf %add3A_888, %mul3A_895 : vector<16xf32>
    %broadcast_in_dim3A_897 = arith.constant 23 : i32
    %broadcast_in_dim3A_898 = vector.broadcast %broadcast_in_dim3A_897 : i32 to vector<16xi32>
    %gather3A_899 = tpu.vector_load_idx %arg8[%add3A_709, %broadcast_in_dim3A_898] : memref<32x64xf32, #tpu.memory_space<vmem>>[vector<16xi32>, vector<16xi32>], vector<16xf32>,
    %gather3A_900 = tpu.vector_load_idx %arg7[%add3A_709, %broadcast_in_dim3A_898] : memref<32x64xf32, #tpu.memory_space<vmem>>[vector<16xi32>, vector<16xi32>], vector<16xf32>,
    %mul3A_901 = arith.mulf %gather3A_899, %gather3A_899 : vector<16xf32>
    %add3A_902 = arith.addf %add3A_894, %mul3A_901 : vector<16xf32>
    %mul3A_903 = arith.mulf %gather3A_899, %gather3A_900 : vector<16xf32>
    %add3A_904 = arith.addf %add3A_896, %mul3A_903 : vector<16xf32>
    %broadcast_in_dim3A_905 = arith.constant 24 : i32
    %broadcast_in_dim3A_906 = vector.broadcast %broadcast_in_dim3A_905 : i32 to vector<16xi32>
    %gather3A_907 = tpu.vector_load_idx %arg8[%add3A_709, %broadcast_in_dim3A_906] : memref<32x64xf32, #tpu.memory_space<vmem>>[vector<16xi32>, vector<16xi32>], vector<16xf32>,
    %gather3A_908 = tpu.vector_load_idx %arg7[%add3A_709, %broadcast_in_dim3A_906] : memref<32x64xf32, #tpu.memory_space<vmem>>[vector<16xi32>, vector<16xi32>], vector<16xf32>,
    %mul3A_909 = arith.mulf %gather3A_907, %gather3A_907 : vector<16xf32>
    %add3A_910 = arith.addf %add3A_902, %mul3A_909 : vector<16xf32>
    %mul3A_911 = arith.mulf %gather3A_907, %gather3A_908 : vector<16xf32>
    %add3A_912 = arith.addf %add3A_904, %mul3A_911 : vector<16xf32>
    %broadcast_in_dim3A_913 = arith.constant 25 : i32
    %broadcast_in_dim3A_914 = vector.broadcast %broadcast_in_dim3A_913 : i32 to vector<16xi32>
    %gather3A_915 = tpu.vector_load_idx %arg8[%add3A_709, %broadcast_in_dim3A_914] : memref<32x64xf32, #tpu.memory_space<vmem>>[vector<16xi32>, vector<16xi32>], vector<16xf32>,
    %gather3A_916 = tpu.vector_load_idx %arg7[%add3A_709, %broadcast_in_dim3A_914] : memref<32x64xf32, #tpu.memory_space<vmem>>[vector<16xi32>, vector<16xi32>], vector<16xf32>,
    %mul3A_917 = arith.mulf %gather3A_915, %gather3A_915 : vector<16xf32>
    %add3A_918 = arith.addf %add3A_910, %mul3A_917 : vector<16xf32>
    %mul3A_919 = arith.mulf %gather3A_915, %gather3A_916 : vector<16xf32>
    %add3A_920 = arith.addf %add3A_912, %mul3A_919 : vector<16xf32>
    %broadcast_in_dim3A_921 = arith.constant 26 : i32
    %broadcast_in_dim3A_922 = vector.broadcast %broadcast_in_dim3A_921 : i32 to vector<16xi32>
    %gather3A_923 = tpu.vector_load_idx %arg8[%add3A_709, %broadcast_in_dim3A_922] : memref<32x64xf32, #tpu.memory_space<vmem>>[vector<16xi32>, vector<16xi32>], vector<16xf32>,
    %gather3A_924 = tpu.vector_load_idx %arg7[%add3A_709, %broadcast_in_dim3A_922] : memref<32x64xf32, #tpu.memory_space<vmem>>[vector<16xi32>, vector<16xi32>], vector<16xf32>,
    %mul3A_925 = arith.mulf %gather3A_923, %gather3A_923 : vector<16xf32>
    %add3A_926 = arith.addf %add3A_918, %mul3A_925 : vector<16xf32>
    %mul3A_927 = arith.mulf %gather3A_923, %gather3A_924 : vector<16xf32>
    %add3A_928 = arith.addf %add3A_920, %mul3A_927 : vector<16xf32>
    %broadcast_in_dim3A_929 = arith.constant 27 : i32
    %broadcast_in_dim3A_930 = vector.broadcast %broadcast_in_dim3A_929 : i32 to vector<16xi32>
    %gather3A_931 = tpu.vector_load_idx %arg8[%add3A_709, %broadcast_in_dim3A_930] : memref<32x64xf32, #tpu.memory_space<vmem>>[vector<16xi32>, vector<16xi32>], vector<16xf32>,
    %gather3A_932 = tpu.vector_load_idx %arg7[%add3A_709, %broadcast_in_dim3A_930] : memref<32x64xf32, #tpu.memory_space<vmem>>[vector<16xi32>, vector<16xi32>], vector<16xf32>,
    %mul3A_933 = arith.mulf %gather3A_931, %gather3A_931 : vector<16xf32>
    %add3A_934 = arith.addf %add3A_926, %mul3A_933 : vector<16xf32>
    %mul3A_935 = arith.mulf %gather3A_931, %gather3A_932 : vector<16xf32>
    %add3A_936 = arith.addf %add3A_928, %mul3A_935 : vector<16xf32>
    %broadcast_in_dim3A_937 = arith.constant 28 : i32
    %broadcast_in_dim3A_938 = vector.broadcast %broadcast_in_dim3A_937 : i32 to vector<16xi32>
    %gather3A_939 = tpu.vector_load_idx %arg8[%add3A_709, %broadcast_in_dim3A_938] : memref<32x64xf32, #tpu.memory_space<vmem>>[vector<16xi32>, vector<16xi32>], vector<16xf32>,
    %gather3A_940 = tpu.vector_load_idx %arg7[%add3A_709, %broadcast_in_dim3A_938] : memref<32x64xf32, #tpu.memory_space<vmem>>[vector<16xi32>, vector<16xi32>], vector<16xf32>,
    %mul3A_941 = arith.mulf %gather3A_939, %gather3A_939 : vector<16xf32>
    %add3A_942 = arith.addf %add3A_934, %mul3A_941 : vector<16xf32>
    %mul3A_943 = arith.mulf %gather3A_939, %gather3A_940 : vector<16xf32>
    %add3A_944 = arith.addf %add3A_936, %mul3A_943 : vector<16xf32>
    %broadcast_in_dim3A_945 = arith.constant 29 : i32
    %broadcast_in_dim3A_946 = vector.broadcast %broadcast_in_dim3A_945 : i32 to vector<16xi32>
    %gather3A_947 = tpu.vector_load_idx %arg8[%add3A_709, %broadcast_in_dim3A_946] : memref<32x64xf32, #tpu.memory_space<vmem>>[vector<16xi32>, vector<16xi32>], vector<16xf32>,
    %gather3A_948 = tpu.vector_load_idx %arg7[%add3A_709, %broadcast_in_dim3A_946] : memref<32x64xf32, #tpu.memory_space<vmem>>[vector<16xi32>, vector<16xi32>], vector<16xf32>,
    %mul3A_949 = arith.mulf %gather3A_947, %gather3A_947 : vector<16xf32>
    %add3A_950 = arith.addf %add3A_942, %mul3A_949 : vector<16xf32>
    %mul3A_951 = arith.mulf %gather3A_947, %gather3A_948 : vector<16xf32>
    %add3A_952 = arith.addf %add3A_944, %mul3A_951 : vector<16xf32>
    %broadcast_in_dim3A_953 = arith.constant 30 : i32
    %broadcast_in_dim3A_954 = vector.broadcast %broadcast_in_dim3A_953 : i32 to vector<16xi32>
    %gather3A_955 = tpu.vector_load_idx %arg8[%add3A_709, %broadcast_in_dim3A_954] : memref<32x64xf32, #tpu.memory_space<vmem>>[vector<16xi32>, vector<16xi32>], vector<16xf32>,
    %gather3A_956 = tpu.vector_load_idx %arg7[%add3A_709, %broadcast_in_dim3A_954] : memref<32x64xf32, #tpu.memory_space<vmem>>[vector<16xi32>, vector<16xi32>], vector<16xf32>,
    %mul3A_957 = arith.mulf %gather3A_955, %gather3A_955 : vector<16xf32>
    %add3A_958 = arith.addf %add3A_950, %mul3A_957 : vector<16xf32>
    %mul3A_959 = arith.mulf %gather3A_955, %gather3A_956 : vector<16xf32>
    %add3A_960 = arith.addf %add3A_952, %mul3A_959 : vector<16xf32>
    %broadcast_in_dim3A_961 = arith.constant 31 : i32
    %broadcast_in_dim3A_962 = vector.broadcast %broadcast_in_dim3A_961 : i32 to vector<16xi32>
    %gather3A_963 = tpu.vector_load_idx %arg8[%add3A_709, %broadcast_in_dim3A_962] : memref<32x64xf32, #tpu.memory_space<vmem>>[vector<16xi32>, vector<16xi32>], vector<16xf32>,
    %gather3A_964 = tpu.vector_load_idx %arg7[%add3A_709, %broadcast_in_dim3A_962] : memref<32x64xf32, #tpu.memory_space<vmem>>[vector<16xi32>, vector<16xi32>], vector<16xf32>,
    %mul3A_965 = arith.mulf %gather3A_963, %gather3A_963 : vector<16xf32>
    %add3A_966 = arith.addf %add3A_958, %mul3A_965 : vector<16xf32>
    %mul3A_967 = arith.mulf %gather3A_963, %gather3A_964 : vector<16xf32>
    %add3A_968 = arith.addf %add3A_960, %mul3A_967 : vector<16xf32>
    %broadcast_in_dim3A_969 = arith.constant 32 : i32
    %broadcast_in_dim3A_970 = vector.broadcast %broadcast_in_dim3A_969 : i32 to vector<16xi32>
    %gather3A_971 = tpu.vector_load_idx %arg8[%add3A_709, %broadcast_in_dim3A_970] : memref<32x64xf32, #tpu.memory_space<vmem>>[vector<16xi32>, vector<16xi32>], vector<16xf32>,
    %gather3A_972 = tpu.vector_load_idx %arg7[%add3A_709, %broadcast_in_dim3A_970] : memref<32x64xf32, #tpu.memory_space<vmem>>[vector<16xi32>, vector<16xi32>], vector<16xf32>,
    %mul3A_973 = arith.mulf %gather3A_971, %gather3A_971 : vector<16xf32>
    %add3A_974 = arith.addf %add3A_966, %mul3A_973 : vector<16xf32>
    %mul3A_975 = arith.mulf %gather3A_971, %gather3A_972 : vector<16xf32>
    %add3A_976 = arith.addf %add3A_968, %mul3A_975 : vector<16xf32>
    %broadcast_in_dim3A_977 = arith.constant 33 : i32
    %broadcast_in_dim3A_978 = vector.broadcast %broadcast_in_dim3A_977 : i32 to vector<16xi32>
    %gather3A_979 = tpu.vector_load_idx %arg8[%add3A_709, %broadcast_in_dim3A_978] : memref<32x64xf32, #tpu.memory_space<vmem>>[vector<16xi32>, vector<16xi32>], vector<16xf32>,
    %gather3A_980 = tpu.vector_load_idx %arg7[%add3A_709, %broadcast_in_dim3A_978] : memref<32x64xf32, #tpu.memory_space<vmem>>[vector<16xi32>, vector<16xi32>], vector<16xf32>,
    %mul3A_981 = arith.mulf %gather3A_979, %gather3A_979 : vector<16xf32>
    %add3A_982 = arith.addf %add3A_974, %mul3A_981 : vector<16xf32>
    %mul3A_983 = arith.mulf %gather3A_979, %gather3A_980 : vector<16xf32>
    %add3A_984 = arith.addf %add3A_976, %mul3A_983 : vector<16xf32>
    %broadcast_in_dim3A_985 = arith.constant 34 : i32
    %broadcast_in_dim3A_986 = vector.broadcast %broadcast_in_dim3A_985 : i32 to vector<16xi32>
    %gather3A_987 = tpu.vector_load_idx %arg8[%add3A_709, %broadcast_in_dim3A_986] : memref<32x64xf32, #tpu.memory_space<vmem>>[vector<16xi32>, vector<16xi32>], vector<16xf32>,
    %gather3A_988 = tpu.vector_load_idx %arg7[%add3A_709, %broadcast_in_dim3A_986] : memref<32x64xf32, #tpu.memory_space<vmem>>[vector<16xi32>, vector<16xi32>], vector<16xf32>,
    %mul3A_989 = arith.mulf %gather3A_987, %gather3A_987 : vector<16xf32>
    %add3A_990 = arith.addf %add3A_982, %mul3A_989 : vector<16xf32>
    %mul3A_991 = arith.mulf %gather3A_987, %gather3A_988 : vector<16xf32>
    %add3A_992 = arith.addf %add3A_984, %mul3A_991 : vector<16xf32>
    %broadcast_in_dim3A_993 = arith.constant 35 : i32
    %broadcast_in_dim3A_994 = vector.broadcast %broadcast_in_dim3A_993 : i32 to vector<16xi32>
    %gather3A_995 = tpu.vector_load_idx %arg8[%add3A_709, %broadcast_in_dim3A_994] : memref<32x64xf32, #tpu.memory_space<vmem>>[vector<16xi32>, vector<16xi32>], vector<16xf32>,
    %gather3A_996 = tpu.vector_load_idx %arg7[%add3A_709, %broadcast_in_dim3A_994] : memref<32x64xf32, #tpu.memory_space<vmem>>[vector<16xi32>, vector<16xi32>], vector<16xf32>,
    %mul3A_997 = arith.mulf %gather3A_995, %gather3A_995 : vector<16xf32>
    %add3A_998 = arith.addf %add3A_990, %mul3A_997 : vector<16xf32>
    %mul3A_999 = arith.mulf %gather3A_995, %gather3A_996 : vector<16xf32>
    %add3A_1000 = arith.addf %add3A_992, %mul3A_999 : vector<16xf32>
    %broadcast_in_dim3A_1001 = arith.constant 36 : i32
    %broadcast_in_dim3A_1002 = vector.broadcast %broadcast_in_dim3A_1001 : i32 to vector<16xi32>
    %gather3A_1003 = tpu.vector_load_idx %arg8[%add3A_709, %broadcast_in_dim3A_1002] : memref<32x64xf32, #tpu.memory_space<vmem>>[vector<16xi32>, vector<16xi32>], vector<16xf32>,
    %gather3A_1004 = tpu.vector_load_idx %arg7[%add3A_709, %broadcast_in_dim3A_1002] : memref<32x64xf32, #tpu.memory_space<vmem>>[vector<16xi32>, vector<16xi32>], vector<16xf32>,
    %mul3A_1005 = arith.mulf %gather3A_1003, %gather3A_1003 : vector<16xf32>
    %add3A_1006 = arith.addf %add3A_998, %mul3A_1005 : vector<16xf32>
    %mul3A_1007 = arith.mulf %gather3A_1003, %gather3A_1004 : vector<16xf32>
    %add3A_1008 = arith.addf %add3A_1000, %mul3A_1007 : vector<16xf32>
    %broadcast_in_dim3A_1009 = arith.constant 37 : i32
    %broadcast_in_dim3A_1010 = vector.broadcast %broadcast_in_dim3A_1009 : i32 to vector<16xi32>
    %gather3A_1011 = tpu.vector_load_idx %arg8[%add3A_709, %broadcast_in_dim3A_1010] : memref<32x64xf32, #tpu.memory_space<vmem>>[vector<16xi32>, vector<16xi32>], vector<16xf32>,
    %gather3A_1012 = tpu.vector_load_idx %arg7[%add3A_709, %broadcast_in_dim3A_1010] : memref<32x64xf32, #tpu.memory_space<vmem>>[vector<16xi32>, vector<16xi32>], vector<16xf32>,
    %mul3A_1013 = arith.mulf %gather3A_1011, %gather3A_1011 : vector<16xf32>
    %add3A_1014 = arith.addf %add3A_1006, %mul3A_1013 : vector<16xf32>
    %mul3A_1015 = arith.mulf %gather3A_1011, %gather3A_1012 : vector<16xf32>
    %add3A_1016 = arith.addf %add3A_1008, %mul3A_1015 : vector<16xf32>
    %broadcast_in_dim3A_1017 = arith.constant 38 : i32
    %broadcast_in_dim3A_1018 = vector.broadcast %broadcast_in_dim3A_1017 : i32 to vector<16xi32>
    %gather3A_1019 = tpu.vector_load_idx %arg8[%add3A_709, %broadcast_in_dim3A_1018] : memref<32x64xf32, #tpu.memory_space<vmem>>[vector<16xi32>, vector<16xi32>], vector<16xf32>,
    %gather3A_1020 = tpu.vector_load_idx %arg7[%add3A_709, %broadcast_in_dim3A_1018] : memref<32x64xf32, #tpu.memory_space<vmem>>[vector<16xi32>, vector<16xi32>], vector<16xf32>,
    %mul3A_1021 = arith.mulf %gather3A_1019, %gather3A_1019 : vector<16xf32>
    %add3A_1022 = arith.addf %add3A_1014, %mul3A_1021 : vector<16xf32>
    %mul3A_1023 = arith.mulf %gather3A_1019, %gather3A_1020 : vector<16xf32>
    %add3A_1024 = arith.addf %add3A_1016, %mul3A_1023 : vector<16xf32>
    %broadcast_in_dim3A_1025 = arith.constant 39 : i32
    %broadcast_in_dim3A_1026 = vector.broadcast %broadcast_in_dim3A_1025 : i32 to vector<16xi32>
    %gather3A_1027 = tpu.vector_load_idx %arg8[%add3A_709, %broadcast_in_dim3A_1026] : memref<32x64xf32, #tpu.memory_space<vmem>>[vector<16xi32>, vector<16xi32>], vector<16xf32>,
    %gather3A_1028 = tpu.vector_load_idx %arg7[%add3A_709, %broadcast_in_dim3A_1026] : memref<32x64xf32, #tpu.memory_space<vmem>>[vector<16xi32>, vector<16xi32>], vector<16xf32>,
    %mul3A_1029 = arith.mulf %gather3A_1027, %gather3A_1027 : vector<16xf32>
    %add3A_1030 = arith.addf %add3A_1022, %mul3A_1029 : vector<16xf32>
    %mul3A_1031 = arith.mulf %gather3A_1027, %gather3A_1028 : vector<16xf32>
    %add3A_1032 = arith.addf %add3A_1024, %mul3A_1031 : vector<16xf32>
    %broadcast_in_dim3A_1033 = arith.constant 40 : i32
    %broadcast_in_dim3A_1034 = vector.broadcast %broadcast_in_dim3A_1033 : i32 to vector<16xi32>
    %gather3A_1035 = tpu.vector_load_idx %arg8[%add3A_709, %broadcast_in_dim3A_1034] : memref<32x64xf32, #tpu.memory_space<vmem>>[vector<16xi32>, vector<16xi32>], vector<16xf32>,
    %gather3A_1036 = tpu.vector_load_idx %arg7[%add3A_709, %broadcast_in_dim3A_1034] : memref<32x64xf32, #tpu.memory_space<vmem>>[vector<16xi32>, vector<16xi32>], vector<16xf32>,
    %mul3A_1037 = arith.mulf %gather3A_1035, %gather3A_1035 : vector<16xf32>
    %add3A_1038 = arith.addf %add3A_1030, %mul3A_1037 : vector<16xf32>
    %mul3A_1039 = arith.mulf %gather3A_1035, %gather3A_1036 : vector<16xf32>
    %add3A_1040 = arith.addf %add3A_1032, %mul3A_1039 : vector<16xf32>
    %broadcast_in_dim3A_1041 = arith.constant 41 : i32
    %broadcast_in_dim3A_1042 = vector.broadcast %broadcast_in_dim3A_1041 : i32 to vector<16xi32>
    %gather3A_1043 = tpu.vector_load_idx %arg8[%add3A_709, %broadcast_in_dim3A_1042] : memref<32x64xf32, #tpu.memory_space<vmem>>[vector<16xi32>, vector<16xi32>], vector<16xf32>,
    %gather3A_1044 = tpu.vector_load_idx %arg7[%add3A_709, %broadcast_in_dim3A_1042] : memref<32x64xf32, #tpu.memory_space<vmem>>[vector<16xi32>, vector<16xi32>], vector<16xf32>,
    %mul3A_1045 = arith.mulf %gather3A_1043, %gather3A_1043 : vector<16xf32>
    %add3A_1046 = arith.addf %add3A_1038, %mul3A_1045 : vector<16xf32>
    %mul3A_1047 = arith.mulf %gather3A_1043, %gather3A_1044 : vector<16xf32>
    %add3A_1048 = arith.addf %add3A_1040, %mul3A_1047 : vector<16xf32>
    %broadcast_in_dim3A_1049 = arith.constant 42 : i32
    %broadcast_in_dim3A_1050 = vector.broadcast %broadcast_in_dim3A_1049 : i32 to vector<16xi32>
    %gather3A_1051 = tpu.vector_load_idx %arg8[%add3A_709, %broadcast_in_dim3A_1050] : memref<32x64xf32, #tpu.memory_space<vmem>>[vector<16xi32>, vector<16xi32>], vector<16xf32>,
    %gather3A_1052 = tpu.vector_load_idx %arg7[%add3A_709, %broadcast_in_dim3A_1050] : memref<32x64xf32, #tpu.memory_space<vmem>>[vector<16xi32>, vector<16xi32>], vector<16xf32>,
    %mul3A_1053 = arith.mulf %gather3A_1051, %gather3A_1051 : vector<16xf32>
    %add3A_1054 = arith.addf %add3A_1046, %mul3A_1053 : vector<16xf32>
    %mul3A_1055 = arith.mulf %gather3A_1051, %gather3A_1052 : vector<16xf32>
    %add3A_1056 = arith.addf %add3A_1048, %mul3A_1055 : vector<16xf32>
    %broadcast_in_dim3A_1057 = arith.constant 43 : i32
    %broadcast_in_dim3A_1058 = vector.broadcast %broadcast_in_dim3A_1057 : i32 to vector<16xi32>
    %gather3A_1059 = tpu.vector_load_idx %arg8[%add3A_709, %broadcast_in_dim3A_1058] : memref<32x64xf32, #tpu.memory_space<vmem>>[vector<16xi32>, vector<16xi32>], vector<16xf32>,
    %gather3A_1060 = tpu.vector_load_idx %arg7[%add3A_709, %broadcast_in_dim3A_1058] : memref<32x64xf32, #tpu.memory_space<vmem>>[vector<16xi32>, vector<16xi32>], vector<16xf32>,
    %mul3A_1061 = arith.mulf %gather3A_1059, %gather3A_1059 : vector<16xf32>
    %add3A_1062 = arith.addf %add3A_1054, %mul3A_1061 : vector<16xf32>
    %mul3A_1063 = arith.mulf %gather3A_1059, %gather3A_1060 : vector<16xf32>
    %add3A_1064 = arith.addf %add3A_1056, %mul3A_1063 : vector<16xf32>
    %broadcast_in_dim3A_1065 = arith.constant 44 : i32
    %broadcast_in_dim3A_1066 = vector.broadcast %broadcast_in_dim3A_1065 : i32 to vector<16xi32>
    %gather3A_1067 = tpu.vector_load_idx %arg8[%add3A_709, %broadcast_in_dim3A_1066] : memref<32x64xf32, #tpu.memory_space<vmem>>[vector<16xi32>, vector<16xi32>], vector<16xf32>,
    %gather3A_1068 = tpu.vector_load_idx %arg7[%add3A_709, %broadcast_in_dim3A_1066] : memref<32x64xf32, #tpu.memory_space<vmem>>[vector<16xi32>, vector<16xi32>], vector<16xf32>,
    %mul3A_1069 = arith.mulf %gather3A_1067, %gather3A_1067 : vector<16xf32>
    %add3A_1070 = arith.addf %add3A_1062, %mul3A_1069 : vector<16xf32>
    %mul3A_1071 = arith.mulf %gather3A_1067, %gather3A_1068 : vector<16xf32>
    %add3A_1072 = arith.addf %add3A_1064, %mul3A_1071 : vector<16xf32>
    %broadcast_in_dim3A_1073 = arith.constant 45 : i32
    %broadcast_in_dim3A_1074 = vector.broadcast %broadcast_in_dim3A_1073 : i32 to vector<16xi32>
    %gather3A_1075 = tpu.vector_load_idx %arg8[%add3A_709, %broadcast_in_dim3A_1074] : memref<32x64xf32, #tpu.memory_space<vmem>>[vector<16xi32>, vector<16xi32>], vector<16xf32>,
    %gather3A_1076 = tpu.vector_load_idx %arg7[%add3A_709, %broadcast_in_dim3A_1074] : memref<32x64xf32, #tpu.memory_space<vmem>>[vector<16xi32>, vector<16xi32>], vector<16xf32>,
    %mul3A_1077 = arith.mulf %gather3A_1075, %gather3A_1075 : vector<16xf32>
    %add3A_1078 = arith.addf %add3A_1070, %mul3A_1077 : vector<16xf32>
    %mul3A_1079 = arith.mulf %gather3A_1075, %gather3A_1076 : vector<16xf32>
    %add3A_1080 = arith.addf %add3A_1072, %mul3A_1079 : vector<16xf32>
    %broadcast_in_dim3A_1081 = arith.constant 46 : i32
    %broadcast_in_dim3A_1082 = vector.broadcast %broadcast_in_dim3A_1081 : i32 to vector<16xi32>
    %gather3A_1083 = tpu.vector_load_idx %arg8[%add3A_709, %broadcast_in_dim3A_1082] : memref<32x64xf32, #tpu.memory_space<vmem>>[vector<16xi32>, vector<16xi32>], vector<16xf32>,
    %gather3A_1084 = tpu.vector_load_idx %arg7[%add3A_709, %broadcast_in_dim3A_1082] : memref<32x64xf32, #tpu.memory_space<vmem>>[vector<16xi32>, vector<16xi32>], vector<16xf32>,
    %mul3A_1085 = arith.mulf %gather3A_1083, %gather3A_1083 : vector<16xf32>
    %add3A_1086 = arith.addf %add3A_1078, %mul3A_1085 : vector<16xf32>
    %mul3A_1087 = arith.mulf %gather3A_1083, %gather3A_1084 : vector<16xf32>
    %add3A_1088 = arith.addf %add3A_1080, %mul3A_1087 : vector<16xf32>
    %broadcast_in_dim3A_1089 = arith.constant 47 : i32
    %broadcast_in_dim3A_1090 = vector.broadcast %broadcast_in_dim3A_1089 : i32 to vector<16xi32>
    %gather3A_1091 = tpu.vector_load_idx %arg8[%add3A_709, %broadcast_in_dim3A_1090] : memref<32x64xf32, #tpu.memory_space<vmem>>[vector<16xi32>, vector<16xi32>], vector<16xf32>,
    %gather3A_1092 = tpu.vector_load_idx %arg7[%add3A_709, %broadcast_in_dim3A_1090] : memref<32x64xf32, #tpu.memory_space<vmem>>[vector<16xi32>, vector<16xi32>], vector<16xf32>,
    %mul3A_1093 = arith.mulf %gather3A_1091, %gather3A_1091 : vector<16xf32>
    %add3A_1094 = arith.addf %add3A_1086, %mul3A_1093 : vector<16xf32>
    %mul3A_1095 = arith.mulf %gather3A_1091, %gather3A_1092 : vector<16xf32>
    %add3A_1096 = arith.addf %add3A_1088, %mul3A_1095 : vector<16xf32>
    %broadcast_in_dim3A_1097 = arith.constant 48 : i32
    %broadcast_in_dim3A_1098 = vector.broadcast %broadcast_in_dim3A_1097 : i32 to vector<16xi32>
    %gather3A_1099 = tpu.vector_load_idx %arg8[%add3A_709, %broadcast_in_dim3A_1098] : memref<32x64xf32, #tpu.memory_space<vmem>>[vector<16xi32>, vector<16xi32>], vector<16xf32>,
    %gather3A_1100 = tpu.vector_load_idx %arg7[%add3A_709, %broadcast_in_dim3A_1098] : memref<32x64xf32, #tpu.memory_space<vmem>>[vector<16xi32>, vector<16xi32>], vector<16xf32>,
    %mul3A_1101 = arith.mulf %gather3A_1099, %gather3A_1099 : vector<16xf32>
    %add3A_1102 = arith.addf %add3A_1094, %mul3A_1101 : vector<16xf32>
    %mul3A_1103 = arith.mulf %gather3A_1099, %gather3A_1100 : vector<16xf32>
    %add3A_1104 = arith.addf %add3A_1096, %mul3A_1103 : vector<16xf32>
    %broadcast_in_dim3A_1105 = arith.constant 49 : i32
    %broadcast_in_dim3A_1106 = vector.broadcast %broadcast_in_dim3A_1105 : i32 to vector<16xi32>
    %gather3A_1107 = tpu.vector_load_idx %arg8[%add3A_709, %broadcast_in_dim3A_1106] : memref<32x64xf32, #tpu.memory_space<vmem>>[vector<16xi32>, vector<16xi32>], vector<16xf32>,
    %gather3A_1108 = tpu.vector_load_idx %arg7[%add3A_709, %broadcast_in_dim3A_1106] : memref<32x64xf32, #tpu.memory_space<vmem>>[vector<16xi32>, vector<16xi32>], vector<16xf32>,
    %mul3A_1109 = arith.mulf %gather3A_1107, %gather3A_1107 : vector<16xf32>
    %add3A_1110 = arith.addf %add3A_1102, %mul3A_1109 : vector<16xf32>
    %mul3A_1111 = arith.mulf %gather3A_1107, %gather3A_1108 : vector<16xf32>
    %add3A_1112 = arith.addf %add3A_1104, %mul3A_1111 : vector<16xf32>
    %broadcast_in_dim3A_1113 = arith.constant 50 : i32
    %broadcast_in_dim3A_1114 = vector.broadcast %broadcast_in_dim3A_1113 : i32 to vector<16xi32>
    %gather3A_1115 = tpu.vector_load_idx %arg8[%add3A_709, %broadcast_in_dim3A_1114] : memref<32x64xf32, #tpu.memory_space<vmem>>[vector<16xi32>, vector<16xi32>], vector<16xf32>,
    %gather3A_1116 = tpu.vector_load_idx %arg7[%add3A_709, %broadcast_in_dim3A_1114] : memref<32x64xf32, #tpu.memory_space<vmem>>[vector<16xi32>, vector<16xi32>], vector<16xf32>,
    %mul3A_1117 = arith.mulf %gather3A_1115, %gather3A_1115 : vector<16xf32>
    %add3A_1118 = arith.addf %add3A_1110, %mul3A_1117 : vector<16xf32>
    %mul3A_1119 = arith.mulf %gather3A_1115, %gather3A_1116 : vector<16xf32>
    %add3A_1120 = arith.addf %add3A_1112, %mul3A_1119 : vector<16xf32>
    %broadcast_in_dim3A_1121 = arith.constant 51 : i32
    %broadcast_in_dim3A_1122 = vector.broadcast %broadcast_in_dim3A_1121 : i32 to vector<16xi32>
    %gather3A_1123 = tpu.vector_load_idx %arg8[%add3A_709, %broadcast_in_dim3A_1122] : memref<32x64xf32, #tpu.memory_space<vmem>>[vector<16xi32>, vector<16xi32>], vector<16xf32>,
    %gather3A_1124 = tpu.vector_load_idx %arg7[%add3A_709, %broadcast_in_dim3A_1122] : memref<32x64xf32, #tpu.memory_space<vmem>>[vector<16xi32>, vector<16xi32>], vector<16xf32>,
    %mul3A_1125 = arith.mulf %gather3A_1123, %gather3A_1123 : vector<16xf32>
    %add3A_1126 = arith.addf %add3A_1118, %mul3A_1125 : vector<16xf32>
    %mul3A_1127 = arith.mulf %gather3A_1123, %gather3A_1124 : vector<16xf32>
    %add3A_1128 = arith.addf %add3A_1120, %mul3A_1127 : vector<16xf32>
    %broadcast_in_dim3A_1129 = arith.constant 52 : i32
    %broadcast_in_dim3A_1130 = vector.broadcast %broadcast_in_dim3A_1129 : i32 to vector<16xi32>
    %gather3A_1131 = tpu.vector_load_idx %arg8[%add3A_709, %broadcast_in_dim3A_1130] : memref<32x64xf32, #tpu.memory_space<vmem>>[vector<16xi32>, vector<16xi32>], vector<16xf32>,
    %gather3A_1132 = tpu.vector_load_idx %arg7[%add3A_709, %broadcast_in_dim3A_1130] : memref<32x64xf32, #tpu.memory_space<vmem>>[vector<16xi32>, vector<16xi32>], vector<16xf32>,
    %mul3A_1133 = arith.mulf %gather3A_1131, %gather3A_1131 : vector<16xf32>
    %add3A_1134 = arith.addf %add3A_1126, %mul3A_1133 : vector<16xf32>
    %mul3A_1135 = arith.mulf %gather3A_1131, %gather3A_1132 : vector<16xf32>
    %add3A_1136 = arith.addf %add3A_1128, %mul3A_1135 : vector<16xf32>
    %broadcast_in_dim3A_1137 = arith.constant 53 : i32
    %broadcast_in_dim3A_1138 = vector.broadcast %broadcast_in_dim3A_1137 : i32 to vector<16xi32>
    %gather3A_1139 = tpu.vector_load_idx %arg8[%add3A_709, %broadcast_in_dim3A_1138] : memref<32x64xf32, #tpu.memory_space<vmem>>[vector<16xi32>, vector<16xi32>], vector<16xf32>,
    %gather3A_1140 = tpu.vector_load_idx %arg7[%add3A_709, %broadcast_in_dim3A_1138] : memref<32x64xf32, #tpu.memory_space<vmem>>[vector<16xi32>, vector<16xi32>], vector<16xf32>,
    %mul3A_1141 = arith.mulf %gather3A_1139, %gather3A_1139 : vector<16xf32>
    %add3A_1142 = arith.addf %add3A_1134, %mul3A_1141 : vector<16xf32>
    %mul3A_1143 = arith.mulf %gather3A_1139, %gather3A_1140 : vector<16xf32>
    %add3A_1144 = arith.addf %add3A_1136, %mul3A_1143 : vector<16xf32>
    %broadcast_in_dim3A_1145 = arith.constant 54 : i32
    %broadcast_in_dim3A_1146 = vector.broadcast %broadcast_in_dim3A_1145 : i32 to vector<16xi32>
    %gather3A_1147 = tpu.vector_load_idx %arg8[%add3A_709, %broadcast_in_dim3A_1146] : memref<32x64xf32, #tpu.memory_space<vmem>>[vector<16xi32>, vector<16xi32>], vector<16xf32>,
    %gather3A_1148 = tpu.vector_load_idx %arg7[%add3A_709, %broadcast_in_dim3A_1146] : memref<32x64xf32, #tpu.memory_space<vmem>>[vector<16xi32>, vector<16xi32>], vector<16xf32>,
    %mul3A_1149 = arith.mulf %gather3A_1147, %gather3A_1147 : vector<16xf32>
    %add3A_1150 = arith.addf %add3A_1142, %mul3A_1149 : vector<16xf32>
    %mul3A_1151 = arith.mulf %gather3A_1147, %gather3A_1148 : vector<16xf32>
    %add3A_1152 = arith.addf %add3A_1144, %mul3A_1151 : vector<16xf32>
    %broadcast_in_dim3A_1153 = arith.constant 55 : i32
    %broadcast_in_dim3A_1154 = vector.broadcast %broadcast_in_dim3A_1153 : i32 to vector<16xi32>
    %gather3A_1155 = tpu.vector_load_idx %arg8[%add3A_709, %broadcast_in_dim3A_1154] : memref<32x64xf32, #tpu.memory_space<vmem>>[vector<16xi32>, vector<16xi32>], vector<16xf32>,
    %gather3A_1156 = tpu.vector_load_idx %arg7[%add3A_709, %broadcast_in_dim3A_1154] : memref<32x64xf32, #tpu.memory_space<vmem>>[vector<16xi32>, vector<16xi32>], vector<16xf32>,
    %mul3A_1157 = arith.mulf %gather3A_1155, %gather3A_1155 : vector<16xf32>
    %add3A_1158 = arith.addf %add3A_1150, %mul3A_1157 : vector<16xf32>
    %mul3A_1159 = arith.mulf %gather3A_1155, %gather3A_1156 : vector<16xf32>
    %add3A_1160 = arith.addf %add3A_1152, %mul3A_1159 : vector<16xf32>
    %broadcast_in_dim3A_1161 = arith.constant 56 : i32
    %broadcast_in_dim3A_1162 = vector.broadcast %broadcast_in_dim3A_1161 : i32 to vector<16xi32>
    %gather3A_1163 = tpu.vector_load_idx %arg8[%add3A_709, %broadcast_in_dim3A_1162] : memref<32x64xf32, #tpu.memory_space<vmem>>[vector<16xi32>, vector<16xi32>], vector<16xf32>,
    %gather3A_1164 = tpu.vector_load_idx %arg7[%add3A_709, %broadcast_in_dim3A_1162] : memref<32x64xf32, #tpu.memory_space<vmem>>[vector<16xi32>, vector<16xi32>], vector<16xf32>,
    %mul3A_1165 = arith.mulf %gather3A_1163, %gather3A_1163 : vector<16xf32>
    %add3A_1166 = arith.addf %add3A_1158, %mul3A_1165 : vector<16xf32>
    %mul3A_1167 = arith.mulf %gather3A_1163, %gather3A_1164 : vector<16xf32>
    %add3A_1168 = arith.addf %add3A_1160, %mul3A_1167 : vector<16xf32>
    %broadcast_in_dim3A_1169 = arith.constant 57 : i32
    %broadcast_in_dim3A_1170 = vector.broadcast %broadcast_in_dim3A_1169 : i32 to vector<16xi32>
    %gather3A_1171 = tpu.vector_load_idx %arg8[%add3A_709, %broadcast_in_dim3A_1170] : memref<32x64xf32, #tpu.memory_space<vmem>>[vector<16xi32>, vector<16xi32>], vector<16xf32>,
    %gather3A_1172 = tpu.vector_load_idx %arg7[%add3A_709, %broadcast_in_dim3A_1170] : memref<32x64xf32, #tpu.memory_space<vmem>>[vector<16xi32>, vector<16xi32>], vector<16xf32>,
    %mul3A_1173 = arith.mulf %gather3A_1171, %gather3A_1171 : vector<16xf32>
    %add3A_1174 = arith.addf %add3A_1166, %mul3A_1173 : vector<16xf32>
    %mul3A_1175 = arith.mulf %gather3A_1171, %gather3A_1172 : vector<16xf32>
    %add3A_1176 = arith.addf %add3A_1168, %mul3A_1175 : vector<16xf32>
    %broadcast_in_dim3A_1177 = arith.constant 58 : i32
    %broadcast_in_dim3A_1178 = vector.broadcast %broadcast_in_dim3A_1177 : i32 to vector<16xi32>
    %gather3A_1179 = tpu.vector_load_idx %arg8[%add3A_709, %broadcast_in_dim3A_1178] : memref<32x64xf32, #tpu.memory_space<vmem>>[vector<16xi32>, vector<16xi32>], vector<16xf32>,
    %gather3A_1180 = tpu.vector_load_idx %arg7[%add3A_709, %broadcast_in_dim3A_1178] : memref<32x64xf32, #tpu.memory_space<vmem>>[vector<16xi32>, vector<16xi32>], vector<16xf32>,
    %mul3A_1181 = arith.mulf %gather3A_1179, %gather3A_1179 : vector<16xf32>
    %add3A_1182 = arith.addf %add3A_1174, %mul3A_1181 : vector<16xf32>
    %mul3A_1183 = arith.mulf %gather3A_1179, %gather3A_1180 : vector<16xf32>
    %add3A_1184 = arith.addf %add3A_1176, %mul3A_1183 : vector<16xf32>
    %broadcast_in_dim3A_1185 = arith.constant 59 : i32
    %broadcast_in_dim3A_1186 = vector.broadcast %broadcast_in_dim3A_1185 : i32 to vector<16xi32>
    %gather3A_1187 = tpu.vector_load_idx %arg8[%add3A_709, %broadcast_in_dim3A_1186] : memref<32x64xf32, #tpu.memory_space<vmem>>[vector<16xi32>, vector<16xi32>], vector<16xf32>,
    %gather3A_1188 = tpu.vector_load_idx %arg7[%add3A_709, %broadcast_in_dim3A_1186] : memref<32x64xf32, #tpu.memory_space<vmem>>[vector<16xi32>, vector<16xi32>], vector<16xf32>,
    %mul3A_1189 = arith.mulf %gather3A_1187, %gather3A_1187 : vector<16xf32>
    %add3A_1190 = arith.addf %add3A_1182, %mul3A_1189 : vector<16xf32>
    %mul3A_1191 = arith.mulf %gather3A_1187, %gather3A_1188 : vector<16xf32>
    %add3A_1192 = arith.addf %add3A_1184, %mul3A_1191 : vector<16xf32>
    %broadcast_in_dim3A_1193 = arith.constant 60 : i32
    %broadcast_in_dim3A_1194 = vector.broadcast %broadcast_in_dim3A_1193 : i32 to vector<16xi32>
    %gather3A_1195 = tpu.vector_load_idx %arg8[%add3A_709, %broadcast_in_dim3A_1194] : memref<32x64xf32, #tpu.memory_space<vmem>>[vector<16xi32>, vector<16xi32>], vector<16xf32>,
    %gather3A_1196 = tpu.vector_load_idx %arg7[%add3A_709, %broadcast_in_dim3A_1194] : memref<32x64xf32, #tpu.memory_space<vmem>>[vector<16xi32>, vector<16xi32>], vector<16xf32>,
    %mul3A_1197 = arith.mulf %gather3A_1195, %gather3A_1195 : vector<16xf32>
    %add3A_1198 = arith.addf %add3A_1190, %mul3A_1197 : vector<16xf32>
    %mul3A_1199 = arith.mulf %gather3A_1195, %gather3A_1196 : vector<16xf32>
    %add3A_1200 = arith.addf %add3A_1192, %mul3A_1199 : vector<16xf32>
    %broadcast_in_dim3A_1201 = arith.constant 61 : i32
    %broadcast_in_dim3A_1202 = vector.broadcast %broadcast_in_dim3A_1201 : i32 to vector<16xi32>
    %gather3A_1203 = tpu.vector_load_idx %arg8[%add3A_709, %broadcast_in_dim3A_1202] : memref<32x64xf32, #tpu.memory_space<vmem>>[vector<16xi32>, vector<16xi32>], vector<16xf32>,
    %gather3A_1204 = tpu.vector_load_idx %arg7[%add3A_709, %broadcast_in_dim3A_1202] : memref<32x64xf32, #tpu.memory_space<vmem>>[vector<16xi32>, vector<16xi32>], vector<16xf32>,
    %mul3A_1205 = arith.mulf %gather3A_1203, %gather3A_1203 : vector<16xf32>
    %add3A_1206 = arith.addf %add3A_1198, %mul3A_1205 : vector<16xf32>
    %mul3A_1207 = arith.mulf %gather3A_1203, %gather3A_1204 : vector<16xf32>
    %add3A_1208 = arith.addf %add3A_1200, %mul3A_1207 : vector<16xf32>
    %broadcast_in_dim3A_1209 = arith.constant 62 : i32
    %broadcast_in_dim3A_1210 = vector.broadcast %broadcast_in_dim3A_1209 : i32 to vector<16xi32>
    %gather3A_1211 = tpu.vector_load_idx %arg8[%add3A_709, %broadcast_in_dim3A_1210] : memref<32x64xf32, #tpu.memory_space<vmem>>[vector<16xi32>, vector<16xi32>], vector<16xf32>,
    %gather3A_1212 = tpu.vector_load_idx %arg7[%add3A_709, %broadcast_in_dim3A_1210] : memref<32x64xf32, #tpu.memory_space<vmem>>[vector<16xi32>, vector<16xi32>], vector<16xf32>,
    %mul3A_1213 = arith.mulf %gather3A_1211, %gather3A_1211 : vector<16xf32>
    %add3A_1214 = arith.addf %add3A_1206, %mul3A_1213 : vector<16xf32>
    %mul3A_1215 = arith.mulf %gather3A_1211, %gather3A_1212 : vector<16xf32>
    %add3A_1216 = arith.addf %add3A_1208, %mul3A_1215 : vector<16xf32>
    %broadcast_in_dim3A_1217 = arith.constant 63 : i32
    %broadcast_in_dim3A_1218 = vector.broadcast %broadcast_in_dim3A_1217 : i32 to vector<16xi32>
    %gather3A_1219 = tpu.vector_load_idx %arg8[%add3A_709, %broadcast_in_dim3A_1218] : memref<32x64xf32, #tpu.memory_space<vmem>>[vector<16xi32>, vector<16xi32>], vector<16xf32>,
    %gather3A_1220 = tpu.vector_load_idx %arg7[%add3A_709, %broadcast_in_dim3A_1218] : memref<32x64xf32, #tpu.memory_space<vmem>>[vector<16xi32>, vector<16xi32>], vector<16xf32>,
    %mul3A_1221 = arith.mulf %gather3A_1219, %gather3A_1219 : vector<16xf32>
    %add3A_1222 = arith.addf %add3A_1214, %mul3A_1221 : vector<16xf32>
    %mul3A_1223 = arith.mulf %gather3A_1219, %gather3A_1220 : vector<16xf32>
    %add3A_1224 = arith.addf %add3A_1216, %mul3A_1223 : vector<16xf32>
    %max3A = arith.constant 1.000000e-24 : f32
    %max3A_1225 = vector.broadcast %max3A : f32 to vector<16xf32>
    %max3A_1226 = arith.maximumf %add3A_1222, %max3A_1225 : vector<16xf32>
    %bitcast3A = vector.bitcast %max3A_1226 : vector<16xf32> to vector<16xi32>
    %shift_right_arithmetic3A = arith.constant 1 : i32
    %shift_right_arithmetic3A_1227 = vector.broadcast %shift_right_arithmetic3A : i32 to vector<16xi32>
    %shift_right_arithmetic3A_1228 = arith.shrsi %bitcast3A, %shift_right_arithmetic3A_1227 : vector<16xi32>
    %sub3A = arith.constant 1597463007 : i32
    %sub3A_1229 = vector.broadcast %sub3A : i32 to vector<16xi32>
    %sub3A_1230 = arith.subi %sub3A_1229, %shift_right_arithmetic3A_1228 : vector<16xi32>
    %bitcast3A_1231 = vector.bitcast %sub3A_1230 : vector<16xi32> to vector<16xf32>
    %mul3A_1232 = arith.constant 5.000000e-01 : f32
    %mul3A_1233 = vector.broadcast %mul3A_1232 : f32 to vector<16xf32>
    %mul3A_1234 = arith.mulf %mul3A_1233, %max3A_1226 : vector<16xf32>
    %mul3A_1235 = arith.mulf %mul3A_1234, %bitcast3A_1231 : vector<16xf32>
    %mul3A_1236 = arith.mulf %mul3A_1235, %bitcast3A_1231 : vector<16xf32>
    %sub3A_1237 = arith.constant 1.500000e+00 : f32
    %sub3A_1238 = vector.broadcast %sub3A_1237 : f32 to vector<16xf32>
    %sub3A_1239 = arith.subf %sub3A_1238, %mul3A_1236 : vector<16xf32>
    %mul3A_1240 = arith.mulf %bitcast3A_1231, %sub3A_1239 : vector<16xf32>
    %mul3A_1241 = arith.constant 5.000000e-01 : f32
    %mul3A_1242 = vector.broadcast %mul3A_1241 : f32 to vector<16xf32>
    %mul3A_1243 = arith.mulf %mul3A_1242, %max3A_1226 : vector<16xf32>
    %mul3A_1244 = arith.mulf %mul3A_1243, %mul3A_1240 : vector<16xf32>
    %mul3A_1245 = arith.mulf %mul3A_1244, %mul3A_1240 : vector<16xf32>
    %sub3A_1246 = arith.constant 1.500000e+00 : f32
    %sub3A_1247 = vector.broadcast %sub3A_1246 : f32 to vector<16xf32>
    %sub3A_1248 = arith.subf %sub3A_1247, %mul3A_1245 : vector<16xf32>
    %mul3A_1249 = arith.mulf %mul3A_1240, %sub3A_1248 : vector<16xf32>
    %mul3A_1250 = arith.constant 5.000000e-01 : f32
    %mul3A_1251 = vector.broadcast %mul3A_1250 : f32 to vector<16xf32>
    %mul3A_1252 = arith.mulf %mul3A_1251, %max3A_1226 : vector<16xf32>
    %mul3A_1253 = arith.mulf %mul3A_1252, %mul3A_1249 : vector<16xf32>
    %mul3A_1254 = arith.mulf %mul3A_1253, %mul3A_1249 : vector<16xf32>
    %sub3A_1255 = arith.constant 1.500000e+00 : f32
    %sub3A_1256 = vector.broadcast %sub3A_1255 : f32 to vector<16xf32>
    %sub3A_1257 = arith.subf %sub3A_1256, %mul3A_1254 : vector<16xf32>
    %mul3A_1258 = arith.mulf %mul3A_1249, %sub3A_1257 : vector<16xf32>
    %mul3A_1259 = arith.mulf %add3A_1224, %mul3A_1258 : vector<16xf32>
    %mul3A_1260 = arith.constant 2.000000e+01 : f32
    %mul3A_1261 = vector.broadcast %mul3A_1260 : f32 to vector<16xf32>
    %mul3A_1262 = arith.mulf %mul3A_1259, %mul3A_1261 : vector<16xf32>
    %add3A_1263 = arith.addf %broadcast_in_dim3A_706, %mul3A_1262 : vector<16xf32>
    %iota3A_1264 = tpu.iota {dimensions = array<i32: 0>} : vector<16xi32>
    %add3A_1265 = arith.constant 16 : i32
    %add3A_1266 = vector.broadcast %add3A_1265 : i32 to vector<16xi32>
    %add3A_1267 = arith.addi %iota3A_1264, %add3A_1266 : vector<16xi32>
    %broadcast_in_dim3A_1268 = arith.constant 0.000000e+00 : f32
    %broadcast_in_dim3A_1269 = vector.broadcast %broadcast_in_dim3A_1268 : f32 to vector<16xf32>
    %broadcast_in_dim3A_1270 = arith.constant 0.000000e+00 : f32
    %broadcast_in_dim3A_1271 = vector.broadcast %broadcast_in_dim3A_1270 : f32 to vector<16xf32>
    %broadcast_in_dim3A_1272 = arith.constant 0 : i32
    %broadcast_in_dim3A_1273 = vector.broadcast %broadcast_in_dim3A_1272 : i32 to vector<16xi32>
    %gather3A_1274 = tpu.vector_load_idx %arg8[%add3A_1267, %broadcast_in_dim3A_1273] : memref<32x64xf32, #tpu.memory_space<vmem>>[vector<16xi32>, vector<16xi32>], vector<16xf32>,
    %gather3A_1275 = tpu.vector_load_idx %arg7[%add3A_1267, %broadcast_in_dim3A_1273] : memref<32x64xf32, #tpu.memory_space<vmem>>[vector<16xi32>, vector<16xi32>], vector<16xf32>,
    %mul3A_1276 = arith.mulf %gather3A_1274, %gather3A_1274 : vector<16xf32>
    %add3A_1277 = arith.addf %broadcast_in_dim3A_1269, %mul3A_1276 : vector<16xf32>
    %mul3A_1278 = arith.mulf %gather3A_1274, %gather3A_1275 : vector<16xf32>
    %add3A_1279 = arith.addf %broadcast_in_dim3A_1271, %mul3A_1278 : vector<16xf32>
    %broadcast_in_dim3A_1280 = arith.constant 1 : i32
    %broadcast_in_dim3A_1281 = vector.broadcast %broadcast_in_dim3A_1280 : i32 to vector<16xi32>
    %gather3A_1282 = tpu.vector_load_idx %arg8[%add3A_1267, %broadcast_in_dim3A_1281] : memref<32x64xf32, #tpu.memory_space<vmem>>[vector<16xi32>, vector<16xi32>], vector<16xf32>,
    %gather3A_1283 = tpu.vector_load_idx %arg7[%add3A_1267, %broadcast_in_dim3A_1281] : memref<32x64xf32, #tpu.memory_space<vmem>>[vector<16xi32>, vector<16xi32>], vector<16xf32>,
    %mul3A_1284 = arith.mulf %gather3A_1282, %gather3A_1282 : vector<16xf32>
    %add3A_1285 = arith.addf %add3A_1277, %mul3A_1284 : vector<16xf32>
    %mul3A_1286 = arith.mulf %gather3A_1282, %gather3A_1283 : vector<16xf32>
    %add3A_1287 = arith.addf %add3A_1279, %mul3A_1286 : vector<16xf32>
    %broadcast_in_dim3A_1288 = arith.constant 2 : i32
    %broadcast_in_dim3A_1289 = vector.broadcast %broadcast_in_dim3A_1288 : i32 to vector<16xi32>
    %gather3A_1290 = tpu.vector_load_idx %arg8[%add3A_1267, %broadcast_in_dim3A_1289] : memref<32x64xf32, #tpu.memory_space<vmem>>[vector<16xi32>, vector<16xi32>], vector<16xf32>,
    %gather3A_1291 = tpu.vector_load_idx %arg7[%add3A_1267, %broadcast_in_dim3A_1289] : memref<32x64xf32, #tpu.memory_space<vmem>>[vector<16xi32>, vector<16xi32>], vector<16xf32>,
    %mul3A_1292 = arith.mulf %gather3A_1290, %gather3A_1290 : vector<16xf32>
    %add3A_1293 = arith.addf %add3A_1285, %mul3A_1292 : vector<16xf32>
    %mul3A_1294 = arith.mulf %gather3A_1290, %gather3A_1291 : vector<16xf32>
    %add3A_1295 = arith.addf %add3A_1287, %mul3A_1294 : vector<16xf32>
    %broadcast_in_dim3A_1296 = arith.constant 3 : i32
    %broadcast_in_dim3A_1297 = vector.broadcast %broadcast_in_dim3A_1296 : i32 to vector<16xi32>
    %gather3A_1298 = tpu.vector_load_idx %arg8[%add3A_1267, %broadcast_in_dim3A_1297] : memref<32x64xf32, #tpu.memory_space<vmem>>[vector<16xi32>, vector<16xi32>], vector<16xf32>,
    %gather3A_1299 = tpu.vector_load_idx %arg7[%add3A_1267, %broadcast_in_dim3A_1297] : memref<32x64xf32, #tpu.memory_space<vmem>>[vector<16xi32>, vector<16xi32>], vector<16xf32>,
    %mul3A_1300 = arith.mulf %gather3A_1298, %gather3A_1298 : vector<16xf32>
    %add3A_1301 = arith.addf %add3A_1293, %mul3A_1300 : vector<16xf32>
    %mul3A_1302 = arith.mulf %gather3A_1298, %gather3A_1299 : vector<16xf32>
    %add3A_1303 = arith.addf %add3A_1295, %mul3A_1302 : vector<16xf32>
    %broadcast_in_dim3A_1304 = arith.constant 4 : i32
    %broadcast_in_dim3A_1305 = vector.broadcast %broadcast_in_dim3A_1304 : i32 to vector<16xi32>
    %gather3A_1306 = tpu.vector_load_idx %arg8[%add3A_1267, %broadcast_in_dim3A_1305] : memref<32x64xf32, #tpu.memory_space<vmem>>[vector<16xi32>, vector<16xi32>], vector<16xf32>,
    %gather3A_1307 = tpu.vector_load_idx %arg7[%add3A_1267, %broadcast_in_dim3A_1305] : memref<32x64xf32, #tpu.memory_space<vmem>>[vector<16xi32>, vector<16xi32>], vector<16xf32>,
    %mul3A_1308 = arith.mulf %gather3A_1306, %gather3A_1306 : vector<16xf32>
    %add3A_1309 = arith.addf %add3A_1301, %mul3A_1308 : vector<16xf32>
    %mul3A_1310 = arith.mulf %gather3A_1306, %gather3A_1307 : vector<16xf32>
    %add3A_1311 = arith.addf %add3A_1303, %mul3A_1310 : vector<16xf32>
    %broadcast_in_dim3A_1312 = arith.constant 5 : i32
    %broadcast_in_dim3A_1313 = vector.broadcast %broadcast_in_dim3A_1312 : i32 to vector<16xi32>
    %gather3A_1314 = tpu.vector_load_idx %arg8[%add3A_1267, %broadcast_in_dim3A_1313] : memref<32x64xf32, #tpu.memory_space<vmem>>[vector<16xi32>, vector<16xi32>], vector<16xf32>,
    %gather3A_1315 = tpu.vector_load_idx %arg7[%add3A_1267, %broadcast_in_dim3A_1313] : memref<32x64xf32, #tpu.memory_space<vmem>>[vector<16xi32>, vector<16xi32>], vector<16xf32>,
    %mul3A_1316 = arith.mulf %gather3A_1314, %gather3A_1314 : vector<16xf32>
    %add3A_1317 = arith.addf %add3A_1309, %mul3A_1316 : vector<16xf32>
    %mul3A_1318 = arith.mulf %gather3A_1314, %gather3A_1315 : vector<16xf32>
    %add3A_1319 = arith.addf %add3A_1311, %mul3A_1318 : vector<16xf32>
    %broadcast_in_dim3A_1320 = arith.constant 6 : i32
    %broadcast_in_dim3A_1321 = vector.broadcast %broadcast_in_dim3A_1320 : i32 to vector<16xi32>
    %gather3A_1322 = tpu.vector_load_idx %arg8[%add3A_1267, %broadcast_in_dim3A_1321] : memref<32x64xf32, #tpu.memory_space<vmem>>[vector<16xi32>, vector<16xi32>], vector<16xf32>,
    %gather3A_1323 = tpu.vector_load_idx %arg7[%add3A_1267, %broadcast_in_dim3A_1321] : memref<32x64xf32, #tpu.memory_space<vmem>>[vector<16xi32>, vector<16xi32>], vector<16xf32>,
    %mul3A_1324 = arith.mulf %gather3A_1322, %gather3A_1322 : vector<16xf32>
    %add3A_1325 = arith.addf %add3A_1317, %mul3A_1324 : vector<16xf32>
    %mul3A_1326 = arith.mulf %gather3A_1322, %gather3A_1323 : vector<16xf32>
    %add3A_1327 = arith.addf %add3A_1319, %mul3A_1326 : vector<16xf32>
    %broadcast_in_dim3A_1328 = arith.constant 7 : i32
    %broadcast_in_dim3A_1329 = vector.broadcast %broadcast_in_dim3A_1328 : i32 to vector<16xi32>
    %gather3A_1330 = tpu.vector_load_idx %arg8[%add3A_1267, %broadcast_in_dim3A_1329] : memref<32x64xf32, #tpu.memory_space<vmem>>[vector<16xi32>, vector<16xi32>], vector<16xf32>,
    %gather3A_1331 = tpu.vector_load_idx %arg7[%add3A_1267, %broadcast_in_dim3A_1329] : memref<32x64xf32, #tpu.memory_space<vmem>>[vector<16xi32>, vector<16xi32>], vector<16xf32>,
    %mul3A_1332 = arith.mulf %gather3A_1330, %gather3A_1330 : vector<16xf32>
    %add3A_1333 = arith.addf %add3A_1325, %mul3A_1332 : vector<16xf32>
    %mul3A_1334 = arith.mulf %gather3A_1330, %gather3A_1331 : vector<16xf32>
    %add3A_1335 = arith.addf %add3A_1327, %mul3A_1334 : vector<16xf32>
    %broadcast_in_dim3A_1336 = arith.constant 8 : i32
    %broadcast_in_dim3A_1337 = vector.broadcast %broadcast_in_dim3A_1336 : i32 to vector<16xi32>
    %gather3A_1338 = tpu.vector_load_idx %arg8[%add3A_1267, %broadcast_in_dim3A_1337] : memref<32x64xf32, #tpu.memory_space<vmem>>[vector<16xi32>, vector<16xi32>], vector<16xf32>,
    %gather3A_1339 = tpu.vector_load_idx %arg7[%add3A_1267, %broadcast_in_dim3A_1337] : memref<32x64xf32, #tpu.memory_space<vmem>>[vector<16xi32>, vector<16xi32>], vector<16xf32>,
    %mul3A_1340 = arith.mulf %gather3A_1338, %gather3A_1338 : vector<16xf32>
    %add3A_1341 = arith.addf %add3A_1333, %mul3A_1340 : vector<16xf32>
    %mul3A_1342 = arith.mulf %gather3A_1338, %gather3A_1339 : vector<16xf32>
    %add3A_1343 = arith.addf %add3A_1335, %mul3A_1342 : vector<16xf32>
    %broadcast_in_dim3A_1344 = arith.constant 9 : i32
    %broadcast_in_dim3A_1345 = vector.broadcast %broadcast_in_dim3A_1344 : i32 to vector<16xi32>
    %gather3A_1346 = tpu.vector_load_idx %arg8[%add3A_1267, %broadcast_in_dim3A_1345] : memref<32x64xf32, #tpu.memory_space<vmem>>[vector<16xi32>, vector<16xi32>], vector<16xf32>,
    %gather3A_1347 = tpu.vector_load_idx %arg7[%add3A_1267, %broadcast_in_dim3A_1345] : memref<32x64xf32, #tpu.memory_space<vmem>>[vector<16xi32>, vector<16xi32>], vector<16xf32>,
    %mul3A_1348 = arith.mulf %gather3A_1346, %gather3A_1346 : vector<16xf32>
    %add3A_1349 = arith.addf %add3A_1341, %mul3A_1348 : vector<16xf32>
    %mul3A_1350 = arith.mulf %gather3A_1346, %gather3A_1347 : vector<16xf32>
    %add3A_1351 = arith.addf %add3A_1343, %mul3A_1350 : vector<16xf32>
    %broadcast_in_dim3A_1352 = arith.constant 10 : i32
    %broadcast_in_dim3A_1353 = vector.broadcast %broadcast_in_dim3A_1352 : i32 to vector<16xi32>
    %gather3A_1354 = tpu.vector_load_idx %arg8[%add3A_1267, %broadcast_in_dim3A_1353] : memref<32x64xf32, #tpu.memory_space<vmem>>[vector<16xi32>, vector<16xi32>], vector<16xf32>,
    %gather3A_1355 = tpu.vector_load_idx %arg7[%add3A_1267, %broadcast_in_dim3A_1353] : memref<32x64xf32, #tpu.memory_space<vmem>>[vector<16xi32>, vector<16xi32>], vector<16xf32>,
    %mul3A_1356 = arith.mulf %gather3A_1354, %gather3A_1354 : vector<16xf32>
    %add3A_1357 = arith.addf %add3A_1349, %mul3A_1356 : vector<16xf32>
    %mul3A_1358 = arith.mulf %gather3A_1354, %gather3A_1355 : vector<16xf32>
    %add3A_1359 = arith.addf %add3A_1351, %mul3A_1358 : vector<16xf32>
    %broadcast_in_dim3A_1360 = arith.constant 11 : i32
    %broadcast_in_dim3A_1361 = vector.broadcast %broadcast_in_dim3A_1360 : i32 to vector<16xi32>
    %gather3A_1362 = tpu.vector_load_idx %arg8[%add3A_1267, %broadcast_in_dim3A_1361] : memref<32x64xf32, #tpu.memory_space<vmem>>[vector<16xi32>, vector<16xi32>], vector<16xf32>,
    %gather3A_1363 = tpu.vector_load_idx %arg7[%add3A_1267, %broadcast_in_dim3A_1361] : memref<32x64xf32, #tpu.memory_space<vmem>>[vector<16xi32>, vector<16xi32>], vector<16xf32>,
    %mul3A_1364 = arith.mulf %gather3A_1362, %gather3A_1362 : vector<16xf32>
    %add3A_1365 = arith.addf %add3A_1357, %mul3A_1364 : vector<16xf32>
    %mul3A_1366 = arith.mulf %gather3A_1362, %gather3A_1363 : vector<16xf32>
    %add3A_1367 = arith.addf %add3A_1359, %mul3A_1366 : vector<16xf32>
    %broadcast_in_dim3A_1368 = arith.constant 12 : i32
    %broadcast_in_dim3A_1369 = vector.broadcast %broadcast_in_dim3A_1368 : i32 to vector<16xi32>
    %gather3A_1370 = tpu.vector_load_idx %arg8[%add3A_1267, %broadcast_in_dim3A_1369] : memref<32x64xf32, #tpu.memory_space<vmem>>[vector<16xi32>, vector<16xi32>], vector<16xf32>,
    %gather3A_1371 = tpu.vector_load_idx %arg7[%add3A_1267, %broadcast_in_dim3A_1369] : memref<32x64xf32, #tpu.memory_space<vmem>>[vector<16xi32>, vector<16xi32>], vector<16xf32>,
    %mul3A_1372 = arith.mulf %gather3A_1370, %gather3A_1370 : vector<16xf32>
    %add3A_1373 = arith.addf %add3A_1365, %mul3A_1372 : vector<16xf32>
    %mul3A_1374 = arith.mulf %gather3A_1370, %gather3A_1371 : vector<16xf32>
    %add3A_1375 = arith.addf %add3A_1367, %mul3A_1374 : vector<16xf32>
    %broadcast_in_dim3A_1376 = arith.constant 13 : i32
    %broadcast_in_dim3A_1377 = vector.broadcast %broadcast_in_dim3A_1376 : i32 to vector<16xi32>
    %gather3A_1378 = tpu.vector_load_idx %arg8[%add3A_1267, %broadcast_in_dim3A_1377] : memref<32x64xf32, #tpu.memory_space<vmem>>[vector<16xi32>, vector<16xi32>], vector<16xf32>,
    %gather3A_1379 = tpu.vector_load_idx %arg7[%add3A_1267, %broadcast_in_dim3A_1377] : memref<32x64xf32, #tpu.memory_space<vmem>>[vector<16xi32>, vector<16xi32>], vector<16xf32>,
    %mul3A_1380 = arith.mulf %gather3A_1378, %gather3A_1378 : vector<16xf32>
    %add3A_1381 = arith.addf %add3A_1373, %mul3A_1380 : vector<16xf32>
    %mul3A_1382 = arith.mulf %gather3A_1378, %gather3A_1379 : vector<16xf32>
    %add3A_1383 = arith.addf %add3A_1375, %mul3A_1382 : vector<16xf32>
    %broadcast_in_dim3A_1384 = arith.constant 14 : i32
    %broadcast_in_dim3A_1385 = vector.broadcast %broadcast_in_dim3A_1384 : i32 to vector<16xi32>
    %gather3A_1386 = tpu.vector_load_idx %arg8[%add3A_1267, %broadcast_in_dim3A_1385] : memref<32x64xf32, #tpu.memory_space<vmem>>[vector<16xi32>, vector<16xi32>], vector<16xf32>,
    %gather3A_1387 = tpu.vector_load_idx %arg7[%add3A_1267, %broadcast_in_dim3A_1385] : memref<32x64xf32, #tpu.memory_space<vmem>>[vector<16xi32>, vector<16xi32>], vector<16xf32>,
    %mul3A_1388 = arith.mulf %gather3A_1386, %gather3A_1386 : vector<16xf32>
    %add3A_1389 = arith.addf %add3A_1381, %mul3A_1388 : vector<16xf32>
    %mul3A_1390 = arith.mulf %gather3A_1386, %gather3A_1387 : vector<16xf32>
    %add3A_1391 = arith.addf %add3A_1383, %mul3A_1390 : vector<16xf32>
    %broadcast_in_dim3A_1392 = arith.constant 15 : i32
    %broadcast_in_dim3A_1393 = vector.broadcast %broadcast_in_dim3A_1392 : i32 to vector<16xi32>
    %gather3A_1394 = tpu.vector_load_idx %arg8[%add3A_1267, %broadcast_in_dim3A_1393] : memref<32x64xf32, #tpu.memory_space<vmem>>[vector<16xi32>, vector<16xi32>], vector<16xf32>,
    %gather3A_1395 = tpu.vector_load_idx %arg7[%add3A_1267, %broadcast_in_dim3A_1393] : memref<32x64xf32, #tpu.memory_space<vmem>>[vector<16xi32>, vector<16xi32>], vector<16xf32>,
    %mul3A_1396 = arith.mulf %gather3A_1394, %gather3A_1394 : vector<16xf32>
    %add3A_1397 = arith.addf %add3A_1389, %mul3A_1396 : vector<16xf32>
    %mul3A_1398 = arith.mulf %gather3A_1394, %gather3A_1395 : vector<16xf32>
    %add3A_1399 = arith.addf %add3A_1391, %mul3A_1398 : vector<16xf32>
    %broadcast_in_dim3A_1400 = arith.constant 16 : i32
    %broadcast_in_dim3A_1401 = vector.broadcast %broadcast_in_dim3A_1400 : i32 to vector<16xi32>
    %gather3A_1402 = tpu.vector_load_idx %arg8[%add3A_1267, %broadcast_in_dim3A_1401] : memref<32x64xf32, #tpu.memory_space<vmem>>[vector<16xi32>, vector<16xi32>], vector<16xf32>,
    %gather3A_1403 = tpu.vector_load_idx %arg7[%add3A_1267, %broadcast_in_dim3A_1401] : memref<32x64xf32, #tpu.memory_space<vmem>>[vector<16xi32>, vector<16xi32>], vector<16xf32>,
    %mul3A_1404 = arith.mulf %gather3A_1402, %gather3A_1402 : vector<16xf32>
    %add3A_1405 = arith.addf %add3A_1397, %mul3A_1404 : vector<16xf32>
    %mul3A_1406 = arith.mulf %gather3A_1402, %gather3A_1403 : vector<16xf32>
    %add3A_1407 = arith.addf %add3A_1399, %mul3A_1406 : vector<16xf32>
    %broadcast_in_dim3A_1408 = arith.constant 17 : i32
    %broadcast_in_dim3A_1409 = vector.broadcast %broadcast_in_dim3A_1408 : i32 to vector<16xi32>
    %gather3A_1410 = tpu.vector_load_idx %arg8[%add3A_1267, %broadcast_in_dim3A_1409] : memref<32x64xf32, #tpu.memory_space<vmem>>[vector<16xi32>, vector<16xi32>], vector<16xf32>,
    %gather3A_1411 = tpu.vector_load_idx %arg7[%add3A_1267, %broadcast_in_dim3A_1409] : memref<32x64xf32, #tpu.memory_space<vmem>>[vector<16xi32>, vector<16xi32>], vector<16xf32>,
    %mul3A_1412 = arith.mulf %gather3A_1410, %gather3A_1410 : vector<16xf32>
    %add3A_1413 = arith.addf %add3A_1405, %mul3A_1412 : vector<16xf32>
    %mul3A_1414 = arith.mulf %gather3A_1410, %gather3A_1411 : vector<16xf32>
    %add3A_1415 = arith.addf %add3A_1407, %mul3A_1414 : vector<16xf32>
    %broadcast_in_dim3A_1416 = arith.constant 18 : i32
    %broadcast_in_dim3A_1417 = vector.broadcast %broadcast_in_dim3A_1416 : i32 to vector<16xi32>
    %gather3A_1418 = tpu.vector_load_idx %arg8[%add3A_1267, %broadcast_in_dim3A_1417] : memref<32x64xf32, #tpu.memory_space<vmem>>[vector<16xi32>, vector<16xi32>], vector<16xf32>,
    %gather3A_1419 = tpu.vector_load_idx %arg7[%add3A_1267, %broadcast_in_dim3A_1417] : memref<32x64xf32, #tpu.memory_space<vmem>>[vector<16xi32>, vector<16xi32>], vector<16xf32>,
    %mul3A_1420 = arith.mulf %gather3A_1418, %gather3A_1418 : vector<16xf32>
    %add3A_1421 = arith.addf %add3A_1413, %mul3A_1420 : vector<16xf32>
    %mul3A_1422 = arith.mulf %gather3A_1418, %gather3A_1419 : vector<16xf32>
    %add3A_1423 = arith.addf %add3A_1415, %mul3A_1422 : vector<16xf32>
    %broadcast_in_dim3A_1424 = arith.constant 19 : i32
    %broadcast_in_dim3A_1425 = vector.broadcast %broadcast_in_dim3A_1424 : i32 to vector<16xi32>
    %gather3A_1426 = tpu.vector_load_idx %arg8[%add3A_1267, %broadcast_in_dim3A_1425] : memref<32x64xf32, #tpu.memory_space<vmem>>[vector<16xi32>, vector<16xi32>], vector<16xf32>,
    %gather3A_1427 = tpu.vector_load_idx %arg7[%add3A_1267, %broadcast_in_dim3A_1425] : memref<32x64xf32, #tpu.memory_space<vmem>>[vector<16xi32>, vector<16xi32>], vector<16xf32>,
    %mul3A_1428 = arith.mulf %gather3A_1426, %gather3A_1426 : vector<16xf32>
    %add3A_1429 = arith.addf %add3A_1421, %mul3A_1428 : vector<16xf32>
    %mul3A_1430 = arith.mulf %gather3A_1426, %gather3A_1427 : vector<16xf32>
    %add3A_1431 = arith.addf %add3A_1423, %mul3A_1430 : vector<16xf32>
    %broadcast_in_dim3A_1432 = arith.constant 20 : i32
    %broadcast_in_dim3A_1433 = vector.broadcast %broadcast_in_dim3A_1432 : i32 to vector<16xi32>
    %gather3A_1434 = tpu.vector_load_idx %arg8[%add3A_1267, %broadcast_in_dim3A_1433] : memref<32x64xf32, #tpu.memory_space<vmem>>[vector<16xi32>, vector<16xi32>], vector<16xf32>,
    %gather3A_1435 = tpu.vector_load_idx %arg7[%add3A_1267, %broadcast_in_dim3A_1433] : memref<32x64xf32, #tpu.memory_space<vmem>>[vector<16xi32>, vector<16xi32>], vector<16xf32>,
    %mul3A_1436 = arith.mulf %gather3A_1434, %gather3A_1434 : vector<16xf32>
    %add3A_1437 = arith.addf %add3A_1429, %mul3A_1436 : vector<16xf32>
    %mul3A_1438 = arith.mulf %gather3A_1434, %gather3A_1435 : vector<16xf32>
    %add3A_1439 = arith.addf %add3A_1431, %mul3A_1438 : vector<16xf32>
    %broadcast_in_dim3A_1440 = arith.constant 21 : i32
    %broadcast_in_dim3A_1441 = vector.broadcast %broadcast_in_dim3A_1440 : i32 to vector<16xi32>
    %gather3A_1442 = tpu.vector_load_idx %arg8[%add3A_1267, %broadcast_in_dim3A_1441] : memref<32x64xf32, #tpu.memory_space<vmem>>[vector<16xi32>, vector<16xi32>], vector<16xf32>,
    %gather3A_1443 = tpu.vector_load_idx %arg7[%add3A_1267, %broadcast_in_dim3A_1441] : memref<32x64xf32, #tpu.memory_space<vmem>>[vector<16xi32>, vector<16xi32>], vector<16xf32>,
    %mul3A_1444 = arith.mulf %gather3A_1442, %gather3A_1442 : vector<16xf32>
    %add3A_1445 = arith.addf %add3A_1437, %mul3A_1444 : vector<16xf32>
    %mul3A_1446 = arith.mulf %gather3A_1442, %gather3A_1443 : vector<16xf32>
    %add3A_1447 = arith.addf %add3A_1439, %mul3A_1446 : vector<16xf32>
    %broadcast_in_dim3A_1448 = arith.constant 22 : i32
    %broadcast_in_dim3A_1449 = vector.broadcast %broadcast_in_dim3A_1448 : i32 to vector<16xi32>
    %gather3A_1450 = tpu.vector_load_idx %arg8[%add3A_1267, %broadcast_in_dim3A_1449] : memref<32x64xf32, #tpu.memory_space<vmem>>[vector<16xi32>, vector<16xi32>], vector<16xf32>,
    %gather3A_1451 = tpu.vector_load_idx %arg7[%add3A_1267, %broadcast_in_dim3A_1449] : memref<32x64xf32, #tpu.memory_space<vmem>>[vector<16xi32>, vector<16xi32>], vector<16xf32>,
    %mul3A_1452 = arith.mulf %gather3A_1450, %gather3A_1450 : vector<16xf32>
    %add3A_1453 = arith.addf %add3A_1445, %mul3A_1452 : vector<16xf32>
    %mul3A_1454 = arith.mulf %gather3A_1450, %gather3A_1451 : vector<16xf32>
    %add3A_1455 = arith.addf %add3A_1447, %mul3A_1454 : vector<16xf32>
    %broadcast_in_dim3A_1456 = arith.constant 23 : i32
    %broadcast_in_dim3A_1457 = vector.broadcast %broadcast_in_dim3A_1456 : i32 to vector<16xi32>
    %gather3A_1458 = tpu.vector_load_idx %arg8[%add3A_1267, %broadcast_in_dim3A_1457] : memref<32x64xf32, #tpu.memory_space<vmem>>[vector<16xi32>, vector<16xi32>], vector<16xf32>,
    %gather3A_1459 = tpu.vector_load_idx %arg7[%add3A_1267, %broadcast_in_dim3A_1457] : memref<32x64xf32, #tpu.memory_space<vmem>>[vector<16xi32>, vector<16xi32>], vector<16xf32>,
    %mul3A_1460 = arith.mulf %gather3A_1458, %gather3A_1458 : vector<16xf32>
    %add3A_1461 = arith.addf %add3A_1453, %mul3A_1460 : vector<16xf32>
    %mul3A_1462 = arith.mulf %gather3A_1458, %gather3A_1459 : vector<16xf32>
    %add3A_1463 = arith.addf %add3A_1455, %mul3A_1462 : vector<16xf32>
    %broadcast_in_dim3A_1464 = arith.constant 24 : i32
    %broadcast_in_dim3A_1465 = vector.broadcast %broadcast_in_dim3A_1464 : i32 to vector<16xi32>
    %gather3A_1466 = tpu.vector_load_idx %arg8[%add3A_1267, %broadcast_in_dim3A_1465] : memref<32x64xf32, #tpu.memory_space<vmem>>[vector<16xi32>, vector<16xi32>], vector<16xf32>,
    %gather3A_1467 = tpu.vector_load_idx %arg7[%add3A_1267, %broadcast_in_dim3A_1465] : memref<32x64xf32, #tpu.memory_space<vmem>>[vector<16xi32>, vector<16xi32>], vector<16xf32>,
    %mul3A_1468 = arith.mulf %gather3A_1466, %gather3A_1466 : vector<16xf32>
    %add3A_1469 = arith.addf %add3A_1461, %mul3A_1468 : vector<16xf32>
    %mul3A_1470 = arith.mulf %gather3A_1466, %gather3A_1467 : vector<16xf32>
    %add3A_1471 = arith.addf %add3A_1463, %mul3A_1470 : vector<16xf32>
    %broadcast_in_dim3A_1472 = arith.constant 25 : i32
    %broadcast_in_dim3A_1473 = vector.broadcast %broadcast_in_dim3A_1472 : i32 to vector<16xi32>
    %gather3A_1474 = tpu.vector_load_idx %arg8[%add3A_1267, %broadcast_in_dim3A_1473] : memref<32x64xf32, #tpu.memory_space<vmem>>[vector<16xi32>, vector<16xi32>], vector<16xf32>,
    %gather3A_1475 = tpu.vector_load_idx %arg7[%add3A_1267, %broadcast_in_dim3A_1473] : memref<32x64xf32, #tpu.memory_space<vmem>>[vector<16xi32>, vector<16xi32>], vector<16xf32>,
    %mul3A_1476 = arith.mulf %gather3A_1474, %gather3A_1474 : vector<16xf32>
    %add3A_1477 = arith.addf %add3A_1469, %mul3A_1476 : vector<16xf32>
    %mul3A_1478 = arith.mulf %gather3A_1474, %gather3A_1475 : vector<16xf32>
    %add3A_1479 = arith.addf %add3A_1471, %mul3A_1478 : vector<16xf32>
    %broadcast_in_dim3A_1480 = arith.constant 26 : i32
    %broadcast_in_dim3A_1481 = vector.broadcast %broadcast_in_dim3A_1480 : i32 to vector<16xi32>
    %gather3A_1482 = tpu.vector_load_idx %arg8[%add3A_1267, %broadcast_in_dim3A_1481] : memref<32x64xf32, #tpu.memory_space<vmem>>[vector<16xi32>, vector<16xi32>], vector<16xf32>,
    %gather3A_1483 = tpu.vector_load_idx %arg7[%add3A_1267, %broadcast_in_dim3A_1481] : memref<32x64xf32, #tpu.memory_space<vmem>>[vector<16xi32>, vector<16xi32>], vector<16xf32>,
    %mul3A_1484 = arith.mulf %gather3A_1482, %gather3A_1482 : vector<16xf32>
    %add3A_1485 = arith.addf %add3A_1477, %mul3A_1484 : vector<16xf32>
    %mul3A_1486 = arith.mulf %gather3A_1482, %gather3A_1483 : vector<16xf32>
    %add3A_1487 = arith.addf %add3A_1479, %mul3A_1486 : vector<16xf32>
    %broadcast_in_dim3A_1488 = arith.constant 27 : i32
    %broadcast_in_dim3A_1489 = vector.broadcast %broadcast_in_dim3A_1488 : i32 to vector<16xi32>
    %gather3A_1490 = tpu.vector_load_idx %arg8[%add3A_1267, %broadcast_in_dim3A_1489] : memref<32x64xf32, #tpu.memory_space<vmem>>[vector<16xi32>, vector<16xi32>], vector<16xf32>,
    %gather3A_1491 = tpu.vector_load_idx %arg7[%add3A_1267, %broadcast_in_dim3A_1489] : memref<32x64xf32, #tpu.memory_space<vmem>>[vector<16xi32>, vector<16xi32>], vector<16xf32>,
    %mul3A_1492 = arith.mulf %gather3A_1490, %gather3A_1490 : vector<16xf32>
    %add3A_1493 = arith.addf %add3A_1485, %mul3A_1492 : vector<16xf32>
    %mul3A_1494 = arith.mulf %gather3A_1490, %gather3A_1491 : vector<16xf32>
    %add3A_1495 = arith.addf %add3A_1487, %mul3A_1494 : vector<16xf32>
    %broadcast_in_dim3A_1496 = arith.constant 28 : i32
    %broadcast_in_dim3A_1497 = vector.broadcast %broadcast_in_dim3A_1496 : i32 to vector<16xi32>
    %gather3A_1498 = tpu.vector_load_idx %arg8[%add3A_1267, %broadcast_in_dim3A_1497] : memref<32x64xf32, #tpu.memory_space<vmem>>[vector<16xi32>, vector<16xi32>], vector<16xf32>,
    %gather3A_1499 = tpu.vector_load_idx %arg7[%add3A_1267, %broadcast_in_dim3A_1497] : memref<32x64xf32, #tpu.memory_space<vmem>>[vector<16xi32>, vector<16xi32>], vector<16xf32>,
    %mul3A_1500 = arith.mulf %gather3A_1498, %gather3A_1498 : vector<16xf32>
    %add3A_1501 = arith.addf %add3A_1493, %mul3A_1500 : vector<16xf32>
    %mul3A_1502 = arith.mulf %gather3A_1498, %gather3A_1499 : vector<16xf32>
    %add3A_1503 = arith.addf %add3A_1495, %mul3A_1502 : vector<16xf32>
    %broadcast_in_dim3A_1504 = arith.constant 29 : i32
    %broadcast_in_dim3A_1505 = vector.broadcast %broadcast_in_dim3A_1504 : i32 to vector<16xi32>
    %gather3A_1506 = tpu.vector_load_idx %arg8[%add3A_1267, %broadcast_in_dim3A_1505] : memref<32x64xf32, #tpu.memory_space<vmem>>[vector<16xi32>, vector<16xi32>], vector<16xf32>,
    %gather3A_1507 = tpu.vector_load_idx %arg7[%add3A_1267, %broadcast_in_dim3A_1505] : memref<32x64xf32, #tpu.memory_space<vmem>>[vector<16xi32>, vector<16xi32>], vector<16xf32>,
    %mul3A_1508 = arith.mulf %gather3A_1506, %gather3A_1506 : vector<16xf32>
    %add3A_1509 = arith.addf %add3A_1501, %mul3A_1508 : vector<16xf32>
    %mul3A_1510 = arith.mulf %gather3A_1506, %gather3A_1507 : vector<16xf32>
    %add3A_1511 = arith.addf %add3A_1503, %mul3A_1510 : vector<16xf32>
    %broadcast_in_dim3A_1512 = arith.constant 30 : i32
    %broadcast_in_dim3A_1513 = vector.broadcast %broadcast_in_dim3A_1512 : i32 to vector<16xi32>
    %gather3A_1514 = tpu.vector_load_idx %arg8[%add3A_1267, %broadcast_in_dim3A_1513] : memref<32x64xf32, #tpu.memory_space<vmem>>[vector<16xi32>, vector<16xi32>], vector<16xf32>,
    %gather3A_1515 = tpu.vector_load_idx %arg7[%add3A_1267, %broadcast_in_dim3A_1513] : memref<32x64xf32, #tpu.memory_space<vmem>>[vector<16xi32>, vector<16xi32>], vector<16xf32>,
    %mul3A_1516 = arith.mulf %gather3A_1514, %gather3A_1514 : vector<16xf32>
    %add3A_1517 = arith.addf %add3A_1509, %mul3A_1516 : vector<16xf32>
    %mul3A_1518 = arith.mulf %gather3A_1514, %gather3A_1515 : vector<16xf32>
    %add3A_1519 = arith.addf %add3A_1511, %mul3A_1518 : vector<16xf32>
    %broadcast_in_dim3A_1520 = arith.constant 31 : i32
    %broadcast_in_dim3A_1521 = vector.broadcast %broadcast_in_dim3A_1520 : i32 to vector<16xi32>
    %gather3A_1522 = tpu.vector_load_idx %arg8[%add3A_1267, %broadcast_in_dim3A_1521] : memref<32x64xf32, #tpu.memory_space<vmem>>[vector<16xi32>, vector<16xi32>], vector<16xf32>,
    %gather3A_1523 = tpu.vector_load_idx %arg7[%add3A_1267, %broadcast_in_dim3A_1521] : memref<32x64xf32, #tpu.memory_space<vmem>>[vector<16xi32>, vector<16xi32>], vector<16xf32>,
    %mul3A_1524 = arith.mulf %gather3A_1522, %gather3A_1522 : vector<16xf32>
    %add3A_1525 = arith.addf %add3A_1517, %mul3A_1524 : vector<16xf32>
    %mul3A_1526 = arith.mulf %gather3A_1522, %gather3A_1523 : vector<16xf32>
    %add3A_1527 = arith.addf %add3A_1519, %mul3A_1526 : vector<16xf32>
    %broadcast_in_dim3A_1528 = arith.constant 32 : i32
    %broadcast_in_dim3A_1529 = vector.broadcast %broadcast_in_dim3A_1528 : i32 to vector<16xi32>
    %gather3A_1530 = tpu.vector_load_idx %arg8[%add3A_1267, %broadcast_in_dim3A_1529] : memref<32x64xf32, #tpu.memory_space<vmem>>[vector<16xi32>, vector<16xi32>], vector<16xf32>,
    %gather3A_1531 = tpu.vector_load_idx %arg7[%add3A_1267, %broadcast_in_dim3A_1529] : memref<32x64xf32, #tpu.memory_space<vmem>>[vector<16xi32>, vector<16xi32>], vector<16xf32>,
    %mul3A_1532 = arith.mulf %gather3A_1530, %gather3A_1530 : vector<16xf32>
    %add3A_1533 = arith.addf %add3A_1525, %mul3A_1532 : vector<16xf32>
    %mul3A_1534 = arith.mulf %gather3A_1530, %gather3A_1531 : vector<16xf32>
    %add3A_1535 = arith.addf %add3A_1527, %mul3A_1534 : vector<16xf32>
    %broadcast_in_dim3A_1536 = arith.constant 33 : i32
    %broadcast_in_dim3A_1537 = vector.broadcast %broadcast_in_dim3A_1536 : i32 to vector<16xi32>
    %gather3A_1538 = tpu.vector_load_idx %arg8[%add3A_1267, %broadcast_in_dim3A_1537] : memref<32x64xf32, #tpu.memory_space<vmem>>[vector<16xi32>, vector<16xi32>], vector<16xf32>,
    %gather3A_1539 = tpu.vector_load_idx %arg7[%add3A_1267, %broadcast_in_dim3A_1537] : memref<32x64xf32, #tpu.memory_space<vmem>>[vector<16xi32>, vector<16xi32>], vector<16xf32>,
    %mul3A_1540 = arith.mulf %gather3A_1538, %gather3A_1538 : vector<16xf32>
    %add3A_1541 = arith.addf %add3A_1533, %mul3A_1540 : vector<16xf32>
    %mul3A_1542 = arith.mulf %gather3A_1538, %gather3A_1539 : vector<16xf32>
    %add3A_1543 = arith.addf %add3A_1535, %mul3A_1542 : vector<16xf32>
    %broadcast_in_dim3A_1544 = arith.constant 34 : i32
    %broadcast_in_dim3A_1545 = vector.broadcast %broadcast_in_dim3A_1544 : i32 to vector<16xi32>
    %gather3A_1546 = tpu.vector_load_idx %arg8[%add3A_1267, %broadcast_in_dim3A_1545] : memref<32x64xf32, #tpu.memory_space<vmem>>[vector<16xi32>, vector<16xi32>], vector<16xf32>,
    %gather3A_1547 = tpu.vector_load_idx %arg7[%add3A_1267, %broadcast_in_dim3A_1545] : memref<32x64xf32, #tpu.memory_space<vmem>>[vector<16xi32>, vector<16xi32>], vector<16xf32>,
    %mul3A_1548 = arith.mulf %gather3A_1546, %gather3A_1546 : vector<16xf32>
    %add3A_1549 = arith.addf %add3A_1541, %mul3A_1548 : vector<16xf32>
    %mul3A_1550 = arith.mulf %gather3A_1546, %gather3A_1547 : vector<16xf32>
    %add3A_1551 = arith.addf %add3A_1543, %mul3A_1550 : vector<16xf32>
    %broadcast_in_dim3A_1552 = arith.constant 35 : i32
    %broadcast_in_dim3A_1553 = vector.broadcast %broadcast_in_dim3A_1552 : i32 to vector<16xi32>
    %gather3A_1554 = tpu.vector_load_idx %arg8[%add3A_1267, %broadcast_in_dim3A_1553] : memref<32x64xf32, #tpu.memory_space<vmem>>[vector<16xi32>, vector<16xi32>], vector<16xf32>,
    %gather3A_1555 = tpu.vector_load_idx %arg7[%add3A_1267, %broadcast_in_dim3A_1553] : memref<32x64xf32, #tpu.memory_space<vmem>>[vector<16xi32>, vector<16xi32>], vector<16xf32>,
    %mul3A_1556 = arith.mulf %gather3A_1554, %gather3A_1554 : vector<16xf32>
    %add3A_1557 = arith.addf %add3A_1549, %mul3A_1556 : vector<16xf32>
    %mul3A_1558 = arith.mulf %gather3A_1554, %gather3A_1555 : vector<16xf32>
    %add3A_1559 = arith.addf %add3A_1551, %mul3A_1558 : vector<16xf32>
    %broadcast_in_dim3A_1560 = arith.constant 36 : i32
    %broadcast_in_dim3A_1561 = vector.broadcast %broadcast_in_dim3A_1560 : i32 to vector<16xi32>
    %gather3A_1562 = tpu.vector_load_idx %arg8[%add3A_1267, %broadcast_in_dim3A_1561] : memref<32x64xf32, #tpu.memory_space<vmem>>[vector<16xi32>, vector<16xi32>], vector<16xf32>,
    %gather3A_1563 = tpu.vector_load_idx %arg7[%add3A_1267, %broadcast_in_dim3A_1561] : memref<32x64xf32, #tpu.memory_space<vmem>>[vector<16xi32>, vector<16xi32>], vector<16xf32>,
    %mul3A_1564 = arith.mulf %gather3A_1562, %gather3A_1562 : vector<16xf32>
    %add3A_1565 = arith.addf %add3A_1557, %mul3A_1564 : vector<16xf32>
    %mul3A_1566 = arith.mulf %gather3A_1562, %gather3A_1563 : vector<16xf32>
    %add3A_1567 = arith.addf %add3A_1559, %mul3A_1566 : vector<16xf32>
    %broadcast_in_dim3A_1568 = arith.constant 37 : i32
    %broadcast_in_dim3A_1569 = vector.broadcast %broadcast_in_dim3A_1568 : i32 to vector<16xi32>
    %gather3A_1570 = tpu.vector_load_idx %arg8[%add3A_1267, %broadcast_in_dim3A_1569] : memref<32x64xf32, #tpu.memory_space<vmem>>[vector<16xi32>, vector<16xi32>], vector<16xf32>,
    %gather3A_1571 = tpu.vector_load_idx %arg7[%add3A_1267, %broadcast_in_dim3A_1569] : memref<32x64xf32, #tpu.memory_space<vmem>>[vector<16xi32>, vector<16xi32>], vector<16xf32>,
    %mul3A_1572 = arith.mulf %gather3A_1570, %gather3A_1570 : vector<16xf32>
    %add3A_1573 = arith.addf %add3A_1565, %mul3A_1572 : vector<16xf32>
    %mul3A_1574 = arith.mulf %gather3A_1570, %gather3A_1571 : vector<16xf32>
    %add3A_1575 = arith.addf %add3A_1567, %mul3A_1574 : vector<16xf32>
    %broadcast_in_dim3A_1576 = arith.constant 38 : i32
    %broadcast_in_dim3A_1577 = vector.broadcast %broadcast_in_dim3A_1576 : i32 to vector<16xi32>
    %gather3A_1578 = tpu.vector_load_idx %arg8[%add3A_1267, %broadcast_in_dim3A_1577] : memref<32x64xf32, #tpu.memory_space<vmem>>[vector<16xi32>, vector<16xi32>], vector<16xf32>,
    %gather3A_1579 = tpu.vector_load_idx %arg7[%add3A_1267, %broadcast_in_dim3A_1577] : memref<32x64xf32, #tpu.memory_space<vmem>>[vector<16xi32>, vector<16xi32>], vector<16xf32>,
    %mul3A_1580 = arith.mulf %gather3A_1578, %gather3A_1578 : vector<16xf32>
    %add3A_1581 = arith.addf %add3A_1573, %mul3A_1580 : vector<16xf32>
    %mul3A_1582 = arith.mulf %gather3A_1578, %gather3A_1579 : vector<16xf32>
    %add3A_1583 = arith.addf %add3A_1575, %mul3A_1582 : vector<16xf32>
    %broadcast_in_dim3A_1584 = arith.constant 39 : i32
    %broadcast_in_dim3A_1585 = vector.broadcast %broadcast_in_dim3A_1584 : i32 to vector<16xi32>
    %gather3A_1586 = tpu.vector_load_idx %arg8[%add3A_1267, %broadcast_in_dim3A_1585] : memref<32x64xf32, #tpu.memory_space<vmem>>[vector<16xi32>, vector<16xi32>], vector<16xf32>,
    %gather3A_1587 = tpu.vector_load_idx %arg7[%add3A_1267, %broadcast_in_dim3A_1585] : memref<32x64xf32, #tpu.memory_space<vmem>>[vector<16xi32>, vector<16xi32>], vector<16xf32>,
    %mul3A_1588 = arith.mulf %gather3A_1586, %gather3A_1586 : vector<16xf32>
    %add3A_1589 = arith.addf %add3A_1581, %mul3A_1588 : vector<16xf32>
    %mul3A_1590 = arith.mulf %gather3A_1586, %gather3A_1587 : vector<16xf32>
    %add3A_1591 = arith.addf %add3A_1583, %mul3A_1590 : vector<16xf32>
    %broadcast_in_dim3A_1592 = arith.constant 40 : i32
    %broadcast_in_dim3A_1593 = vector.broadcast %broadcast_in_dim3A_1592 : i32 to vector<16xi32>
    %gather3A_1594 = tpu.vector_load_idx %arg8[%add3A_1267, %broadcast_in_dim3A_1593] : memref<32x64xf32, #tpu.memory_space<vmem>>[vector<16xi32>, vector<16xi32>], vector<16xf32>,
    %gather3A_1595 = tpu.vector_load_idx %arg7[%add3A_1267, %broadcast_in_dim3A_1593] : memref<32x64xf32, #tpu.memory_space<vmem>>[vector<16xi32>, vector<16xi32>], vector<16xf32>,
    %mul3A_1596 = arith.mulf %gather3A_1594, %gather3A_1594 : vector<16xf32>
    %add3A_1597 = arith.addf %add3A_1589, %mul3A_1596 : vector<16xf32>
    %mul3A_1598 = arith.mulf %gather3A_1594, %gather3A_1595 : vector<16xf32>
    %add3A_1599 = arith.addf %add3A_1591, %mul3A_1598 : vector<16xf32>
    %broadcast_in_dim3A_1600 = arith.constant 41 : i32
    %broadcast_in_dim3A_1601 = vector.broadcast %broadcast_in_dim3A_1600 : i32 to vector<16xi32>
    %gather3A_1602 = tpu.vector_load_idx %arg8[%add3A_1267, %broadcast_in_dim3A_1601] : memref<32x64xf32, #tpu.memory_space<vmem>>[vector<16xi32>, vector<16xi32>], vector<16xf32>,
    %gather3A_1603 = tpu.vector_load_idx %arg7[%add3A_1267, %broadcast_in_dim3A_1601] : memref<32x64xf32, #tpu.memory_space<vmem>>[vector<16xi32>, vector<16xi32>], vector<16xf32>,
    %mul3A_1604 = arith.mulf %gather3A_1602, %gather3A_1602 : vector<16xf32>
    %add3A_1605 = arith.addf %add3A_1597, %mul3A_1604 : vector<16xf32>
    %mul3A_1606 = arith.mulf %gather3A_1602, %gather3A_1603 : vector<16xf32>
    %add3A_1607 = arith.addf %add3A_1599, %mul3A_1606 : vector<16xf32>
    %broadcast_in_dim3A_1608 = arith.constant 42 : i32
    %broadcast_in_dim3A_1609 = vector.broadcast %broadcast_in_dim3A_1608 : i32 to vector<16xi32>
    %gather3A_1610 = tpu.vector_load_idx %arg8[%add3A_1267, %broadcast_in_dim3A_1609] : memref<32x64xf32, #tpu.memory_space<vmem>>[vector<16xi32>, vector<16xi32>], vector<16xf32>,
    %gather3A_1611 = tpu.vector_load_idx %arg7[%add3A_1267, %broadcast_in_dim3A_1609] : memref<32x64xf32, #tpu.memory_space<vmem>>[vector<16xi32>, vector<16xi32>], vector<16xf32>,
    %mul3A_1612 = arith.mulf %gather3A_1610, %gather3A_1610 : vector<16xf32>
    %add3A_1613 = arith.addf %add3A_1605, %mul3A_1612 : vector<16xf32>
    %mul3A_1614 = arith.mulf %gather3A_1610, %gather3A_1611 : vector<16xf32>
    %add3A_1615 = arith.addf %add3A_1607, %mul3A_1614 : vector<16xf32>
    %broadcast_in_dim3A_1616 = arith.constant 43 : i32
    %broadcast_in_dim3A_1617 = vector.broadcast %broadcast_in_dim3A_1616 : i32 to vector<16xi32>
    %gather3A_1618 = tpu.vector_load_idx %arg8[%add3A_1267, %broadcast_in_dim3A_1617] : memref<32x64xf32, #tpu.memory_space<vmem>>[vector<16xi32>, vector<16xi32>], vector<16xf32>,
    %gather3A_1619 = tpu.vector_load_idx %arg7[%add3A_1267, %broadcast_in_dim3A_1617] : memref<32x64xf32, #tpu.memory_space<vmem>>[vector<16xi32>, vector<16xi32>], vector<16xf32>,
    %mul3A_1620 = arith.mulf %gather3A_1618, %gather3A_1618 : vector<16xf32>
    %add3A_1621 = arith.addf %add3A_1613, %mul3A_1620 : vector<16xf32>
    %mul3A_1622 = arith.mulf %gather3A_1618, %gather3A_1619 : vector<16xf32>
    %add3A_1623 = arith.addf %add3A_1615, %mul3A_1622 : vector<16xf32>
    %broadcast_in_dim3A_1624 = arith.constant 44 : i32
    %broadcast_in_dim3A_1625 = vector.broadcast %broadcast_in_dim3A_1624 : i32 to vector<16xi32>
    %gather3A_1626 = tpu.vector_load_idx %arg8[%add3A_1267, %broadcast_in_dim3A_1625] : memref<32x64xf32, #tpu.memory_space<vmem>>[vector<16xi32>, vector<16xi32>], vector<16xf32>,
    %gather3A_1627 = tpu.vector_load_idx %arg7[%add3A_1267, %broadcast_in_dim3A_1625] : memref<32x64xf32, #tpu.memory_space<vmem>>[vector<16xi32>, vector<16xi32>], vector<16xf32>,
    %mul3A_1628 = arith.mulf %gather3A_1626, %gather3A_1626 : vector<16xf32>
    %add3A_1629 = arith.addf %add3A_1621, %mul3A_1628 : vector<16xf32>
    %mul3A_1630 = arith.mulf %gather3A_1626, %gather3A_1627 : vector<16xf32>
    %add3A_1631 = arith.addf %add3A_1623, %mul3A_1630 : vector<16xf32>
    %broadcast_in_dim3A_1632 = arith.constant 45 : i32
    %broadcast_in_dim3A_1633 = vector.broadcast %broadcast_in_dim3A_1632 : i32 to vector<16xi32>
    %gather3A_1634 = tpu.vector_load_idx %arg8[%add3A_1267, %broadcast_in_dim3A_1633] : memref<32x64xf32, #tpu.memory_space<vmem>>[vector<16xi32>, vector<16xi32>], vector<16xf32>,
    %gather3A_1635 = tpu.vector_load_idx %arg7[%add3A_1267, %broadcast_in_dim3A_1633] : memref<32x64xf32, #tpu.memory_space<vmem>>[vector<16xi32>, vector<16xi32>], vector<16xf32>,
    %mul3A_1636 = arith.mulf %gather3A_1634, %gather3A_1634 : vector<16xf32>
    %add3A_1637 = arith.addf %add3A_1629, %mul3A_1636 : vector<16xf32>
    %mul3A_1638 = arith.mulf %gather3A_1634, %gather3A_1635 : vector<16xf32>
    %add3A_1639 = arith.addf %add3A_1631, %mul3A_1638 : vector<16xf32>
    %broadcast_in_dim3A_1640 = arith.constant 46 : i32
    %broadcast_in_dim3A_1641 = vector.broadcast %broadcast_in_dim3A_1640 : i32 to vector<16xi32>
    %gather3A_1642 = tpu.vector_load_idx %arg8[%add3A_1267, %broadcast_in_dim3A_1641] : memref<32x64xf32, #tpu.memory_space<vmem>>[vector<16xi32>, vector<16xi32>], vector<16xf32>,
    %gather3A_1643 = tpu.vector_load_idx %arg7[%add3A_1267, %broadcast_in_dim3A_1641] : memref<32x64xf32, #tpu.memory_space<vmem>>[vector<16xi32>, vector<16xi32>], vector<16xf32>,
    %mul3A_1644 = arith.mulf %gather3A_1642, %gather3A_1642 : vector<16xf32>
    %add3A_1645 = arith.addf %add3A_1637, %mul3A_1644 : vector<16xf32>
    %mul3A_1646 = arith.mulf %gather3A_1642, %gather3A_1643 : vector<16xf32>
    %add3A_1647 = arith.addf %add3A_1639, %mul3A_1646 : vector<16xf32>
    %broadcast_in_dim3A_1648 = arith.constant 47 : i32
    %broadcast_in_dim3A_1649 = vector.broadcast %broadcast_in_dim3A_1648 : i32 to vector<16xi32>
    %gather3A_1650 = tpu.vector_load_idx %arg8[%add3A_1267, %broadcast_in_dim3A_1649] : memref<32x64xf32, #tpu.memory_space<vmem>>[vector<16xi32>, vector<16xi32>], vector<16xf32>,
    %gather3A_1651 = tpu.vector_load_idx %arg7[%add3A_1267, %broadcast_in_dim3A_1649] : memref<32x64xf32, #tpu.memory_space<vmem>>[vector<16xi32>, vector<16xi32>], vector<16xf32>,
    %mul3A_1652 = arith.mulf %gather3A_1650, %gather3A_1650 : vector<16xf32>
    %add3A_1653 = arith.addf %add3A_1645, %mul3A_1652 : vector<16xf32>
    %mul3A_1654 = arith.mulf %gather3A_1650, %gather3A_1651 : vector<16xf32>
    %add3A_1655 = arith.addf %add3A_1647, %mul3A_1654 : vector<16xf32>
    %broadcast_in_dim3A_1656 = arith.constant 48 : i32
    %broadcast_in_dim3A_1657 = vector.broadcast %broadcast_in_dim3A_1656 : i32 to vector<16xi32>
    %gather3A_1658 = tpu.vector_load_idx %arg8[%add3A_1267, %broadcast_in_dim3A_1657] : memref<32x64xf32, #tpu.memory_space<vmem>>[vector<16xi32>, vector<16xi32>], vector<16xf32>,
    %gather3A_1659 = tpu.vector_load_idx %arg7[%add3A_1267, %broadcast_in_dim3A_1657] : memref<32x64xf32, #tpu.memory_space<vmem>>[vector<16xi32>, vector<16xi32>], vector<16xf32>,
    %mul3A_1660 = arith.mulf %gather3A_1658, %gather3A_1658 : vector<16xf32>
    %add3A_1661 = arith.addf %add3A_1653, %mul3A_1660 : vector<16xf32>
    %mul3A_1662 = arith.mulf %gather3A_1658, %gather3A_1659 : vector<16xf32>
    %add3A_1663 = arith.addf %add3A_1655, %mul3A_1662 : vector<16xf32>
    %broadcast_in_dim3A_1664 = arith.constant 49 : i32
    %broadcast_in_dim3A_1665 = vector.broadcast %broadcast_in_dim3A_1664 : i32 to vector<16xi32>
    %gather3A_1666 = tpu.vector_load_idx %arg8[%add3A_1267, %broadcast_in_dim3A_1665] : memref<32x64xf32, #tpu.memory_space<vmem>>[vector<16xi32>, vector<16xi32>], vector<16xf32>,
    %gather3A_1667 = tpu.vector_load_idx %arg7[%add3A_1267, %broadcast_in_dim3A_1665] : memref<32x64xf32, #tpu.memory_space<vmem>>[vector<16xi32>, vector<16xi32>], vector<16xf32>,
    %mul3A_1668 = arith.mulf %gather3A_1666, %gather3A_1666 : vector<16xf32>
    %add3A_1669 = arith.addf %add3A_1661, %mul3A_1668 : vector<16xf32>
    %mul3A_1670 = arith.mulf %gather3A_1666, %gather3A_1667 : vector<16xf32>
    %add3A_1671 = arith.addf %add3A_1663, %mul3A_1670 : vector<16xf32>
    %broadcast_in_dim3A_1672 = arith.constant 50 : i32
    %broadcast_in_dim3A_1673 = vector.broadcast %broadcast_in_dim3A_1672 : i32 to vector<16xi32>
    %gather3A_1674 = tpu.vector_load_idx %arg8[%add3A_1267, %broadcast_in_dim3A_1673] : memref<32x64xf32, #tpu.memory_space<vmem>>[vector<16xi32>, vector<16xi32>], vector<16xf32>,
    %gather3A_1675 = tpu.vector_load_idx %arg7[%add3A_1267, %broadcast_in_dim3A_1673] : memref<32x64xf32, #tpu.memory_space<vmem>>[vector<16xi32>, vector<16xi32>], vector<16xf32>,
    %mul3A_1676 = arith.mulf %gather3A_1674, %gather3A_1674 : vector<16xf32>
    %add3A_1677 = arith.addf %add3A_1669, %mul3A_1676 : vector<16xf32>
    %mul3A_1678 = arith.mulf %gather3A_1674, %gather3A_1675 : vector<16xf32>
    %add3A_1679 = arith.addf %add3A_1671, %mul3A_1678 : vector<16xf32>
    %broadcast_in_dim3A_1680 = arith.constant 51 : i32
    %broadcast_in_dim3A_1681 = vector.broadcast %broadcast_in_dim3A_1680 : i32 to vector<16xi32>
    %gather3A_1682 = tpu.vector_load_idx %arg8[%add3A_1267, %broadcast_in_dim3A_1681] : memref<32x64xf32, #tpu.memory_space<vmem>>[vector<16xi32>, vector<16xi32>], vector<16xf32>,
    %gather3A_1683 = tpu.vector_load_idx %arg7[%add3A_1267, %broadcast_in_dim3A_1681] : memref<32x64xf32, #tpu.memory_space<vmem>>[vector<16xi32>, vector<16xi32>], vector<16xf32>,
    %mul3A_1684 = arith.mulf %gather3A_1682, %gather3A_1682 : vector<16xf32>
    %add3A_1685 = arith.addf %add3A_1677, %mul3A_1684 : vector<16xf32>
    %mul3A_1686 = arith.mulf %gather3A_1682, %gather3A_1683 : vector<16xf32>
    %add3A_1687 = arith.addf %add3A_1679, %mul3A_1686 : vector<16xf32>
    %broadcast_in_dim3A_1688 = arith.constant 52 : i32
    %broadcast_in_dim3A_1689 = vector.broadcast %broadcast_in_dim3A_1688 : i32 to vector<16xi32>
    %gather3A_1690 = tpu.vector_load_idx %arg8[%add3A_1267, %broadcast_in_dim3A_1689] : memref<32x64xf32, #tpu.memory_space<vmem>>[vector<16xi32>, vector<16xi32>], vector<16xf32>,
    %gather3A_1691 = tpu.vector_load_idx %arg7[%add3A_1267, %broadcast_in_dim3A_1689] : memref<32x64xf32, #tpu.memory_space<vmem>>[vector<16xi32>, vector<16xi32>], vector<16xf32>,
    %mul3A_1692 = arith.mulf %gather3A_1690, %gather3A_1690 : vector<16xf32>
    %add3A_1693 = arith.addf %add3A_1685, %mul3A_1692 : vector<16xf32>
    %mul3A_1694 = arith.mulf %gather3A_1690, %gather3A_1691 : vector<16xf32>
    %add3A_1695 = arith.addf %add3A_1687, %mul3A_1694 : vector<16xf32>
    %broadcast_in_dim3A_1696 = arith.constant 53 : i32
    %broadcast_in_dim3A_1697 = vector.broadcast %broadcast_in_dim3A_1696 : i32 to vector<16xi32>
    %gather3A_1698 = tpu.vector_load_idx %arg8[%add3A_1267, %broadcast_in_dim3A_1697] : memref<32x64xf32, #tpu.memory_space<vmem>>[vector<16xi32>, vector<16xi32>], vector<16xf32>,
    %gather3A_1699 = tpu.vector_load_idx %arg7[%add3A_1267, %broadcast_in_dim3A_1697] : memref<32x64xf32, #tpu.memory_space<vmem>>[vector<16xi32>, vector<16xi32>], vector<16xf32>,
    %mul3A_1700 = arith.mulf %gather3A_1698, %gather3A_1698 : vector<16xf32>
    %add3A_1701 = arith.addf %add3A_1693, %mul3A_1700 : vector<16xf32>
    %mul3A_1702 = arith.mulf %gather3A_1698, %gather3A_1699 : vector<16xf32>
    %add3A_1703 = arith.addf %add3A_1695, %mul3A_1702 : vector<16xf32>
    %broadcast_in_dim3A_1704 = arith.constant 54 : i32
    %broadcast_in_dim3A_1705 = vector.broadcast %broadcast_in_dim3A_1704 : i32 to vector<16xi32>
    %gather3A_1706 = tpu.vector_load_idx %arg8[%add3A_1267, %broadcast_in_dim3A_1705] : memref<32x64xf32, #tpu.memory_space<vmem>>[vector<16xi32>, vector<16xi32>], vector<16xf32>,
    %gather3A_1707 = tpu.vector_load_idx %arg7[%add3A_1267, %broadcast_in_dim3A_1705] : memref<32x64xf32, #tpu.memory_space<vmem>>[vector<16xi32>, vector<16xi32>], vector<16xf32>,
    %mul3A_1708 = arith.mulf %gather3A_1706, %gather3A_1706 : vector<16xf32>
    %add3A_1709 = arith.addf %add3A_1701, %mul3A_1708 : vector<16xf32>
    %mul3A_1710 = arith.mulf %gather3A_1706, %gather3A_1707 : vector<16xf32>
    %add3A_1711 = arith.addf %add3A_1703, %mul3A_1710 : vector<16xf32>
    %broadcast_in_dim3A_1712 = arith.constant 55 : i32
    %broadcast_in_dim3A_1713 = vector.broadcast %broadcast_in_dim3A_1712 : i32 to vector<16xi32>
    %gather3A_1714 = tpu.vector_load_idx %arg8[%add3A_1267, %broadcast_in_dim3A_1713] : memref<32x64xf32, #tpu.memory_space<vmem>>[vector<16xi32>, vector<16xi32>], vector<16xf32>,
    %gather3A_1715 = tpu.vector_load_idx %arg7[%add3A_1267, %broadcast_in_dim3A_1713] : memref<32x64xf32, #tpu.memory_space<vmem>>[vector<16xi32>, vector<16xi32>], vector<16xf32>,
    %mul3A_1716 = arith.mulf %gather3A_1714, %gather3A_1714 : vector<16xf32>
    %add3A_1717 = arith.addf %add3A_1709, %mul3A_1716 : vector<16xf32>
    %mul3A_1718 = arith.mulf %gather3A_1714, %gather3A_1715 : vector<16xf32>
    %add3A_1719 = arith.addf %add3A_1711, %mul3A_1718 : vector<16xf32>
    %broadcast_in_dim3A_1720 = arith.constant 56 : i32
    %broadcast_in_dim3A_1721 = vector.broadcast %broadcast_in_dim3A_1720 : i32 to vector<16xi32>
    %gather3A_1722 = tpu.vector_load_idx %arg8[%add3A_1267, %broadcast_in_dim3A_1721] : memref<32x64xf32, #tpu.memory_space<vmem>>[vector<16xi32>, vector<16xi32>], vector<16xf32>,
    %gather3A_1723 = tpu.vector_load_idx %arg7[%add3A_1267, %broadcast_in_dim3A_1721] : memref<32x64xf32, #tpu.memory_space<vmem>>[vector<16xi32>, vector<16xi32>], vector<16xf32>,
    %mul3A_1724 = arith.mulf %gather3A_1722, %gather3A_1722 : vector<16xf32>
    %add3A_1725 = arith.addf %add3A_1717, %mul3A_1724 : vector<16xf32>
    %mul3A_1726 = arith.mulf %gather3A_1722, %gather3A_1723 : vector<16xf32>
    %add3A_1727 = arith.addf %add3A_1719, %mul3A_1726 : vector<16xf32>
    %broadcast_in_dim3A_1728 = arith.constant 57 : i32
    %broadcast_in_dim3A_1729 = vector.broadcast %broadcast_in_dim3A_1728 : i32 to vector<16xi32>
    %gather3A_1730 = tpu.vector_load_idx %arg8[%add3A_1267, %broadcast_in_dim3A_1729] : memref<32x64xf32, #tpu.memory_space<vmem>>[vector<16xi32>, vector<16xi32>], vector<16xf32>,
    %gather3A_1731 = tpu.vector_load_idx %arg7[%add3A_1267, %broadcast_in_dim3A_1729] : memref<32x64xf32, #tpu.memory_space<vmem>>[vector<16xi32>, vector<16xi32>], vector<16xf32>,
    %mul3A_1732 = arith.mulf %gather3A_1730, %gather3A_1730 : vector<16xf32>
    %add3A_1733 = arith.addf %add3A_1725, %mul3A_1732 : vector<16xf32>
    %mul3A_1734 = arith.mulf %gather3A_1730, %gather3A_1731 : vector<16xf32>
    %add3A_1735 = arith.addf %add3A_1727, %mul3A_1734 : vector<16xf32>
    %broadcast_in_dim3A_1736 = arith.constant 58 : i32
    %broadcast_in_dim3A_1737 = vector.broadcast %broadcast_in_dim3A_1736 : i32 to vector<16xi32>
    %gather3A_1738 = tpu.vector_load_idx %arg8[%add3A_1267, %broadcast_in_dim3A_1737] : memref<32x64xf32, #tpu.memory_space<vmem>>[vector<16xi32>, vector<16xi32>], vector<16xf32>,
    %gather3A_1739 = tpu.vector_load_idx %arg7[%add3A_1267, %broadcast_in_dim3A_1737] : memref<32x64xf32, #tpu.memory_space<vmem>>[vector<16xi32>, vector<16xi32>], vector<16xf32>,
    %mul3A_1740 = arith.mulf %gather3A_1738, %gather3A_1738 : vector<16xf32>
    %add3A_1741 = arith.addf %add3A_1733, %mul3A_1740 : vector<16xf32>
    %mul3A_1742 = arith.mulf %gather3A_1738, %gather3A_1739 : vector<16xf32>
    %add3A_1743 = arith.addf %add3A_1735, %mul3A_1742 : vector<16xf32>
    %broadcast_in_dim3A_1744 = arith.constant 59 : i32
    %broadcast_in_dim3A_1745 = vector.broadcast %broadcast_in_dim3A_1744 : i32 to vector<16xi32>
    %gather3A_1746 = tpu.vector_load_idx %arg8[%add3A_1267, %broadcast_in_dim3A_1745] : memref<32x64xf32, #tpu.memory_space<vmem>>[vector<16xi32>, vector<16xi32>], vector<16xf32>,
    %gather3A_1747 = tpu.vector_load_idx %arg7[%add3A_1267, %broadcast_in_dim3A_1745] : memref<32x64xf32, #tpu.memory_space<vmem>>[vector<16xi32>, vector<16xi32>], vector<16xf32>,
    %mul3A_1748 = arith.mulf %gather3A_1746, %gather3A_1746 : vector<16xf32>
    %add3A_1749 = arith.addf %add3A_1741, %mul3A_1748 : vector<16xf32>
    %mul3A_1750 = arith.mulf %gather3A_1746, %gather3A_1747 : vector<16xf32>
    %add3A_1751 = arith.addf %add3A_1743, %mul3A_1750 : vector<16xf32>
    %broadcast_in_dim3A_1752 = arith.constant 60 : i32
    %broadcast_in_dim3A_1753 = vector.broadcast %broadcast_in_dim3A_1752 : i32 to vector<16xi32>
    %gather3A_1754 = tpu.vector_load_idx %arg8[%add3A_1267, %broadcast_in_dim3A_1753] : memref<32x64xf32, #tpu.memory_space<vmem>>[vector<16xi32>, vector<16xi32>], vector<16xf32>,
    %gather3A_1755 = tpu.vector_load_idx %arg7[%add3A_1267, %broadcast_in_dim3A_1753] : memref<32x64xf32, #tpu.memory_space<vmem>>[vector<16xi32>, vector<16xi32>], vector<16xf32>,
    %mul3A_1756 = arith.mulf %gather3A_1754, %gather3A_1754 : vector<16xf32>
    %add3A_1757 = arith.addf %add3A_1749, %mul3A_1756 : vector<16xf32>
    %mul3A_1758 = arith.mulf %gather3A_1754, %gather3A_1755 : vector<16xf32>
    %add3A_1759 = arith.addf %add3A_1751, %mul3A_1758 : vector<16xf32>
    %broadcast_in_dim3A_1760 = arith.constant 61 : i32
    %broadcast_in_dim3A_1761 = vector.broadcast %broadcast_in_dim3A_1760 : i32 to vector<16xi32>
    %gather3A_1762 = tpu.vector_load_idx %arg8[%add3A_1267, %broadcast_in_dim3A_1761] : memref<32x64xf32, #tpu.memory_space<vmem>>[vector<16xi32>, vector<16xi32>], vector<16xf32>,
    %gather3A_1763 = tpu.vector_load_idx %arg7[%add3A_1267, %broadcast_in_dim3A_1761] : memref<32x64xf32, #tpu.memory_space<vmem>>[vector<16xi32>, vector<16xi32>], vector<16xf32>,
    %mul3A_1764 = arith.mulf %gather3A_1762, %gather3A_1762 : vector<16xf32>
    %add3A_1765 = arith.addf %add3A_1757, %mul3A_1764 : vector<16xf32>
    %mul3A_1766 = arith.mulf %gather3A_1762, %gather3A_1763 : vector<16xf32>
    %add3A_1767 = arith.addf %add3A_1759, %mul3A_1766 : vector<16xf32>
    %broadcast_in_dim3A_1768 = arith.constant 62 : i32
    %broadcast_in_dim3A_1769 = vector.broadcast %broadcast_in_dim3A_1768 : i32 to vector<16xi32>
    %gather3A_1770 = tpu.vector_load_idx %arg8[%add3A_1267, %broadcast_in_dim3A_1769] : memref<32x64xf32, #tpu.memory_space<vmem>>[vector<16xi32>, vector<16xi32>], vector<16xf32>,
    %gather3A_1771 = tpu.vector_load_idx %arg7[%add3A_1267, %broadcast_in_dim3A_1769] : memref<32x64xf32, #tpu.memory_space<vmem>>[vector<16xi32>, vector<16xi32>], vector<16xf32>,
    %mul3A_1772 = arith.mulf %gather3A_1770, %gather3A_1770 : vector<16xf32>
    %add3A_1773 = arith.addf %add3A_1765, %mul3A_1772 : vector<16xf32>
    %mul3A_1774 = arith.mulf %gather3A_1770, %gather3A_1771 : vector<16xf32>
    %add3A_1775 = arith.addf %add3A_1767, %mul3A_1774 : vector<16xf32>
    %broadcast_in_dim3A_1776 = arith.constant 63 : i32
    %broadcast_in_dim3A_1777 = vector.broadcast %broadcast_in_dim3A_1776 : i32 to vector<16xi32>
    %gather3A_1778 = tpu.vector_load_idx %arg8[%add3A_1267, %broadcast_in_dim3A_1777] : memref<32x64xf32, #tpu.memory_space<vmem>>[vector<16xi32>, vector<16xi32>], vector<16xf32>,
    %gather3A_1779 = tpu.vector_load_idx %arg7[%add3A_1267, %broadcast_in_dim3A_1777] : memref<32x64xf32, #tpu.memory_space<vmem>>[vector<16xi32>, vector<16xi32>], vector<16xf32>,
    %mul3A_1780 = arith.mulf %gather3A_1778, %gather3A_1778 : vector<16xf32>
    %add3A_1781 = arith.addf %add3A_1773, %mul3A_1780 : vector<16xf32>
    %mul3A_1782 = arith.mulf %gather3A_1778, %gather3A_1779 : vector<16xf32>
    %add3A_1783 = arith.addf %add3A_1775, %mul3A_1782 : vector<16xf32>
    %max3A_1784 = arith.constant 1.000000e-24 : f32
    %max3A_1785 = vector.broadcast %max3A_1784 : f32 to vector<16xf32>
    %max3A_1786 = arith.maximumf %add3A_1781, %max3A_1785 : vector<16xf32>
    %bitcast3A_1787 = vector.bitcast %max3A_1786 : vector<16xf32> to vector<16xi32>
    %shift_right_arithmetic3A_1788 = arith.constant 1 : i32
    %shift_right_arithmetic3A_1789 = vector.broadcast %shift_right_arithmetic3A_1788 : i32 to vector<16xi32>
    %shift_right_arithmetic3A_1790 = arith.shrsi %bitcast3A_1787, %shift_right_arithmetic3A_1789 : vector<16xi32>
    %sub3A_1791 = arith.constant 1597463007 : i32
    %sub3A_1792 = vector.broadcast %sub3A_1791 : i32 to vector<16xi32>
    %sub3A_1793 = arith.subi %sub3A_1792, %shift_right_arithmetic3A_1790 : vector<16xi32>
    %bitcast3A_1794 = vector.bitcast %sub3A_1793 : vector<16xi32> to vector<16xf32>
    %mul3A_1795 = arith.constant 5.000000e-01 : f32
    %mul3A_1796 = vector.broadcast %mul3A_1795 : f32 to vector<16xf32>
    %mul3A_1797 = arith.mulf %mul3A_1796, %max3A_1786 : vector<16xf32>
    %mul3A_1798 = arith.mulf %mul3A_1797, %bitcast3A_1794 : vector<16xf32>
    %mul3A_1799 = arith.mulf %mul3A_1798, %bitcast3A_1794 : vector<16xf32>
    %sub3A_1800 = arith.constant 1.500000e+00 : f32
    %sub3A_1801 = vector.broadcast %sub3A_1800 : f32 to vector<16xf32>
    %sub3A_1802 = arith.subf %sub3A_1801, %mul3A_1799 : vector<16xf32>
    %mul3A_1803 = arith.mulf %bitcast3A_1794, %sub3A_1802 : vector<16xf32>
    %mul3A_1804 = arith.constant 5.000000e-01 : f32
    %mul3A_1805 = vector.broadcast %mul3A_1804 : f32 to vector<16xf32>
    %mul3A_1806 = arith.mulf %mul3A_1805, %max3A_1786 : vector<16xf32>
    %mul3A_1807 = arith.mulf %mul3A_1806, %mul3A_1803 : vector<16xf32>
    %mul3A_1808 = arith.mulf %mul3A_1807, %mul3A_1803 : vector<16xf32>
    %sub3A_1809 = arith.constant 1.500000e+00 : f32
    %sub3A_1810 = vector.broadcast %sub3A_1809 : f32 to vector<16xf32>
    %sub3A_1811 = arith.subf %sub3A_1810, %mul3A_1808 : vector<16xf32>
    %mul3A_1812 = arith.mulf %mul3A_1803, %sub3A_1811 : vector<16xf32>
    %mul3A_1813 = arith.constant 5.000000e-01 : f32
    %mul3A_1814 = vector.broadcast %mul3A_1813 : f32 to vector<16xf32>
    %mul3A_1815 = arith.mulf %mul3A_1814, %max3A_1786 : vector<16xf32>
    %mul3A_1816 = arith.mulf %mul3A_1815, %mul3A_1812 : vector<16xf32>
    %mul3A_1817 = arith.mulf %mul3A_1816, %mul3A_1812 : vector<16xf32>
    %sub3A_1818 = arith.constant 1.500000e+00 : f32
    %sub3A_1819 = vector.broadcast %sub3A_1818 : f32 to vector<16xf32>
    %sub3A_1820 = arith.subf %sub3A_1819, %mul3A_1817 : vector<16xf32>
    %mul3A_1821 = arith.mulf %mul3A_1812, %sub3A_1820 : vector<16xf32>
    %mul3A_1822 = arith.mulf %add3A_1783, %mul3A_1821 : vector<16xf32>
    %mul3A_1823 = arith.constant 2.000000e+01 : f32
    %mul3A_1824 = vector.broadcast %mul3A_1823 : f32 to vector<16xf32>
    %mul3A_1825 = arith.mulf %mul3A_1822, %mul3A_1824 : vector<16xf32>
    %add3A_1826 = arith.addf %add3A_1263, %mul3A_1825 : vector<16xf32>
    %swap3A = arith.constant 0 : index
    %swap3A_1827 = tpu.vector_load %arg9[%swap3A] {strides = array<i32>} : memref<16xf32, #tpu.memory_space<vmem>>, vector<16xf32>,
    tpu.vector_store %arg9[%swap3A], %add3A_1826 {strides = array<i32>} : memref<16xf32, #tpu.memory_space<vmem>>, vector<16xf32>,
    "tpu.region"() ({
      %run_scoped3A = tpu.sem_alloc : memref<!tpu.dma_semaphore, #tpu.memory_space<semaphore_mem>>
      %dma_start3A_1828 = arith.constant 0 : i32
      %dma_start3A_1829 = tpu.memref_slice %arg5[%add3A, %dma_start3A_1828] : memref<32x16xf32, #tpu.memory_space<hbm>> -> memref<1x16xf32, #tpu.memory_space<hbm>>
      %dma_start3A_1830 = tpu.memref_squeeze %dma_start3A_1829 : memref<1x16xf32, #tpu.memory_space<hbm>> -> memref<16xf32, #tpu.memory_space<hbm>>
      %dma_start3A_1831 = arith.constant 0 : i32
      %dma_start3A_1832 = tpu.memref_slice %arg5[%add3A, %dma_start3A_1831] : memref<32x16xf32, #tpu.memory_space<hbm>> -> memref<1x16xf32, #tpu.memory_space<hbm>>
      %dma_start3A_1833 = tpu.memref_squeeze %dma_start3A_1832 : memref<1x16xf32, #tpu.memory_space<hbm>> -> memref<16xf32, #tpu.memory_space<hbm>>
      tpu.enqueue_dma source(%arg9 : memref<16xf32, #tpu.memory_space<vmem>>) target(%dma_start3A_1833 : memref<16xf32, #tpu.memory_space<hbm>>) target_semaphore(%run_scoped3A : memref<!tpu.dma_semaphore, #tpu.memory_space<semaphore_mem>>)
      %dma_wait3A_1834 = arith.constant 0 : i32
      %dma_wait3A_1835 = tpu.memref_slice %arg5[%add3A, %dma_wait3A_1834] : memref<32x16xf32, #tpu.memory_space<hbm>> -> memref<1x16xf32, #tpu.memory_space<hbm>>
      %dma_wait3A_1836 = tpu.memref_squeeze %dma_wait3A_1835 : memref<1x16xf32, #tpu.memory_space<hbm>> -> memref<16xf32, #tpu.memory_space<hbm>>
      %dma_wait3A_1837 = arith.constant 0 : i32
      %dma_wait3A_1838 = tpu.memref_slice %arg5[%add3A, %dma_wait3A_1837] : memref<32x16xf32, #tpu.memory_space<hbm>> -> memref<1x16xf32, #tpu.memory_space<hbm>>
      %dma_wait3A_1839 = tpu.memref_squeeze %dma_wait3A_1838 : memref<1x16xf32, #tpu.memory_space<hbm>> -> memref<16xf32, #tpu.memory_space<hbm>>
      tpu.wait_dma2 semaphore(%run_scoped3A : memref<!tpu.dma_semaphore, #tpu.memory_space<semaphore_mem>>) src(%arg9 : memref<16xf32, #tpu.memory_space<vmem>>) dst(%dma_wait3A_1839 : memref<16xf32, #tpu.memory_space<hbm>>)
      tpu.yield
    }) : () -> ()
    return
  }
}

module attributes {stable_mosaic.version = 14 : i64} {
  func.func @_tc_body(%arg0: i32, %arg1: memref<1024x64xf32, #tpu.memory_space<vmem>>, %arg2: memref<10000x64xf32, #tpu.memory_space<vmem>>, %arg3: memref<1x1xf32, #tpu.memory_space<smem>>, %arg4: memref<1024x64xbf16, #tpu.memory_space<vmem>>, %arg5: memref<1024x1xf32, #tpu.memory_space<vmem>>) attributes {dimension_semantics = [#tpu.dimension_semantics<arbitrary>], iteration_bounds = array<i64: 10>, scalar_prefetch = 0 : i64, scratch_operands = 2 : i64, tpu.core_type = #tpu.core_type<tc>, window_params = [{pipeline_mode = #tpu.pipeline_mode<synchronous>, transform_indices = @transform_0, window_bounds = array<i64: 1024, 64>}, {transform_indices = @transform_1, window_bounds = array<i64: 10000, 64>}, {transform_indices = @transform_2, window_bounds = array<i64: 1, 1>}]} {
    %eq3A = arith.constant 0 : i32
    %eq3A_0 = arith.cmpi eq, %arg0, %eq3A : i32
    %convert_element_type3A = arith.extui %eq3A_0 : i1 to i32
    %cond3A = arith.constant 0 : i32
    %cond3A_1 = arith.cmpi ne, %convert_element_type3A, %cond3A : i32
    scf.if %cond3A_1 {
      %get3A_20 = arith.constant 0 : index
      %get3A_21 = arith.constant 0 : index
      %get3A_22 = vector.load %arg1[%get3A_20, %get3A_21] : memref<1024x64xf32, #tpu.memory_space<vmem>>, vector<1024x64xf32>
      %mul3A = arith.mulf %get3A_22, %get3A_22 : vector<1024x64xf32>
      %reduce_sum3A_23 = arith.constant dense<0.000000e+00> : vector<1024xf32>
      %reduce_sum3A_24 = vector.multi_reduction <add>, %mul3A, %reduce_sum3A_23 [1] : vector<1024x64xf32> to vector<1024xf32>
      %broadcast_in_dim3A_25 = vector.shape_cast %reduce_sum3A_24 : vector<1024xf32> to vector<1024x1xf32>
      %sqrt3A = math.sqrt %broadcast_in_dim3A_25 : vector<1024x1xf32>
      %max3A = arith.constant 9.99999996E-13 : f32
      %max3A_26 = vector.broadcast %max3A : f32 to vector<1024x1xf32>
      %max3A_27 = arith.maximumf %sqrt3A, %max3A_26 : vector<1024x1xf32>
      %mul3A_28 = arith.constant 5.000000e-02 : f32
      %mul3A_29 = vector.broadcast %mul3A_28 : f32 to vector<1024x1xf32>
      %mul3A_30 = arith.mulf %max3A_27, %mul3A_29 : vector<1024x1xf32>
      %div3A = arith.constant 1.44269502 : f32
      %div3A_31 = vector.broadcast %div3A : f32 to vector<1024x1xf32>
      %div3A_32 = arith.divf %div3A_31, %mul3A_30 : vector<1024x1xf32>
      %mul3A_33 = vector.broadcast %div3A_32 : vector<1024x1xf32> to vector<1024x64xf32>
      %mul3A_34 = arith.mulf %get3A_22, %mul3A_33 : vector<1024x64xf32>
      %convert_element_type3A_35 = arith.truncf %mul3A_34 : vector<1024x64xf32> to vector<1024x64xbf16>
      %swap3A_36 = arith.constant 0 : index
      %swap3A_37 = arith.constant 0 : index
      %swap3A_38 = vector.load %arg4[%swap3A_36, %swap3A_37] : memref<1024x64xbf16, #tpu.memory_space<vmem>>, vector<1024x64xbf16>
      tpu.vector_store %arg4[%swap3A_36, %swap3A_37], %convert_element_type3A_35 {strides = array<i32>} : memref<1024x64xbf16, #tpu.memory_space<vmem>>, vector<1024x64xbf16>,
      %broadcast_in_dim3A_39 = arith.constant 0.000000e+00 : f32
      %broadcast_in_dim3A_40 = vector.broadcast %broadcast_in_dim3A_39 : f32 to vector<1024x1xf32>
      %swap3A_41 = arith.constant 0 : index
      %swap3A_42 = arith.constant 0 : index
      %swap3A_43 = vector.load %arg5[%swap3A_41, %swap3A_42] : memref<1024x1xf32, #tpu.memory_space<vmem>>, vector<1024x1xf32>
      tpu.vector_store %arg5[%swap3A_41, %swap3A_42], %broadcast_in_dim3A_40 {strides = array<i32>} : memref<1024x1xf32, #tpu.memory_space<vmem>>, vector<1024x1xf32>,
    } else {
    }
    %get3A = arith.constant 0 : index
    %get3A_2 = arith.constant 0 : index
    %get3A_3 = vector.load %arg4[%get3A, %get3A_2] : memref<1024x64xbf16, #tpu.memory_space<vmem>>, vector<1024x64xbf16>
    %get3A_4 = arith.constant 0 : index
    %get3A_5 = arith.constant 0 : index
    %get3A_6 = vector.load %arg2[%get3A_4, %get3A_5] : memref<10000x64xf32, #tpu.memory_space<vmem>>, vector<10000x64xf32>
    %convert_element_type3A_7 = arith.truncf %get3A_6 : vector<10000x64xf32> to vector<10000x64xbf16>
    %dot_general3A = arith.constant dense<0.000000e+00> : vector<1024x10000xf32>
    %dot_general3A_8 = tpu.matmul %get3A_3, %convert_element_type3A_7, %dot_general3A {dimension_numbers = #tpu.dot_dimension_numbers<[1], [1], [0], [0], [0, 0, 1, 0], [], []>, transpose_lhs_hint = false} : vector<1024x64xbf16>, vector<10000x64xbf16>, vector<1024x10000xf32> -> vector<1024x10000xf32>
    %get3A_9 = arith.constant 0 : index
    %get3A_10 = arith.constant 0 : index
    %get3A_11 = vector.load %arg5[%get3A_9, %get3A_10] : memref<1024x1xf32, #tpu.memory_space<vmem>>, vector<1024x1xf32>
    %exp23A = math.exp2 %dot_general3A_8 : vector<1024x10000xf32>
    %reduce_sum3A = arith.constant dense<0.000000e+00> : vector<1024xf32>
    %reduce_sum3A_12 = vector.multi_reduction <add>, %exp23A, %reduce_sum3A [1] : vector<1024x10000xf32> to vector<1024xf32>
    %broadcast_in_dim3A = vector.shape_cast %reduce_sum3A_12 : vector<1024xf32> to vector<1024x1xf32>
    %add3A = arith.addf %get3A_11, %broadcast_in_dim3A : vector<1024x1xf32>
    %swap3A = arith.constant 0 : index
    %swap3A_13 = arith.constant 0 : index
    %swap3A_14 = vector.load %arg5[%swap3A, %swap3A_13] : memref<1024x1xf32, #tpu.memory_space<vmem>>, vector<1024x1xf32>
    tpu.vector_store %arg5[%swap3A, %swap3A_13], %add3A {strides = array<i32>} : memref<1024x1xf32, #tpu.memory_space<vmem>>, vector<1024x1xf32>,
    %eq3A_15 = arith.constant 9 : i32
    %eq3A_16 = arith.cmpi eq, %arg0, %eq3A_15 : i32
    %convert_element_type3A_17 = arith.extui %eq3A_16 : i1 to i32
    %cond3A_18 = arith.constant 0 : i32
    %cond3A_19 = arith.cmpi ne, %convert_element_type3A_17, %cond3A_18 : i32
    scf.if %cond3A_19 {
      %get3A_20 = arith.constant 0 : index
      %get3A_21 = arith.constant 0 : index
      %get3A_22 = vector.load %arg5[%get3A_20, %get3A_21] : memref<1024x1xf32, #tpu.memory_space<vmem>>, vector<1024x1xf32>
      %log3A = math.log %get3A_22 : vector<1024x1xf32>
      %reduce_sum3A_23 = vector.shape_cast %log3A : vector<1024x1xf32> to vector<1x1024x1xf32>
      %reduce_sum3A_24 = arith.constant dense<0.000000e+00> : vector<1xf32>
      %reduce_sum3A_25 = vector.multi_reduction <add>, %reduce_sum3A_23, %reduce_sum3A_24 [1, 2] : vector<1x1024x1xf32> to vector<1xf32>
      %reduce_sum3A_26 = vector.shape_cast %reduce_sum3A_25 : vector<1xf32> to vector<1x1x1xf32>
      %reduce_sum3A_27 = vector.extract %reduce_sum3A_26[0, 0, 0] : f32 from vector<1x1x1xf32>
      %div3A = arith.constant 1.024000e+03 : f32
      %div3A_28 = arith.divf %reduce_sum3A_27, %div3A : f32
      %swap3A_29 = arith.constant 0 : index
      %swap3A_30 = arith.constant 0 : index
      %swap3A_31 = memref.load %arg3[%swap3A_29, %swap3A_30] : memref<1x1xf32, #tpu.memory_space<smem>>
      memref.store %div3A_28, %arg3[%swap3A_29, %swap3A_30] : memref<1x1xf32, #tpu.memory_space<smem>>
    } else {
    }
    return
  }
  func.func @transform_0(%arg0: i32) -> (i32, i32) {
    %c0_i32 = arith.constant 0 : i32
    %c0_i32_0 = arith.constant 0 : i32
    %c0_i32_1 = arith.constant 0 : i32
    return %c0_i32, %c0_i32_0 : i32, i32
  }
  func.func @transform_1(%arg0: i32) -> (i32, i32) {
    %c0_i32 = arith.constant 0 : i32
    %c0_i32_0 = arith.constant 0 : i32
    return %arg0, %c0_i32 : i32, i32
  }
  func.func @transform_2(%arg0: i32) -> (i32, i32) {
    %c0_i32 = arith.constant 0 : i32
    %c0_i32_0 = arith.constant 0 : i32
    %c0_i32_1 = arith.constant 0 : i32
    return %c0_i32, %c0_i32_0 : i32, i32
  }
}

</mosaic_0001>

<sc_bundles>
// kernel: kernel.4.cloned.1.call-start
scs
__scs_entry_jumppad:
0x0: {  	(pc) =	sbr.rel $0x88, $3  }
0x1: {  	(tag) =	ssettag $0x0;
	lr =	simm.s32 $0x1  }
0x2: {  	[smem:$0x3F9E] =	sst lr;
	_ =	strace $0xD0000000  }
0x3: {  	_ = 	snop  }
0x4: {  	_ = 	snop  }
0x5: {  	_ = 	snop  }
0x6: {  	_ = 	snop  }
0x7: {  	_ = 	snop  }
__scs_overlays_trampoline_lowered:
0x8: {  	[smem:$0x3FAD] =	sst s0  }
0x9: {  	[smem:$0x3FAE] =	sst s1  }
0xa: {  	[smem:$0x3FAF] =	sst s2  }
0xb: {  	[smem:$0x3FB0] =	sst s3  }
0xc: {  	[smem:$0x3FB1] =	sst s4  }
0xd: {  	[smem:$0x3FB2] =	sst s5  }
0xe: {  	[smem:$0x3FB3] =	sst s6  }
0xf: {  	[smem:$0x3FB4] =	sst s7  }
0x10: {  	[smem:$0x3FB5] =	sst s8  }
0x11: {  	[smem:$0x3FB6] =	sst s9;
	s0 =	simm.s32 @!p0 $0x0  }
0x12: {  	s1 =	sld [smem:$0x3F9C];
	s0 =	simm.s32 @p0 $0x1  }
0x13: {  	[smem:$0x3FB7] =	sst s0;
	s0 =	simm.s32 @!p1 $0x0  }
0x14: {  	s2 =	sld [smem:$0x3F9B];
	s0 =	simm.s32 @p1 $0x1  }
0x15: {  	[smem:$0x3FB8] =	sst s0;
	s0 =	simm.s32 @!p2 $0x0  }
0x16: {  	s3 =	sld [smem:$0x3FDB];
	s0 =	simm.s32 @p2 $0x1  }
0x17: {  	s4 =	simm.s32 $0x1BF5;
	[smem:$0x3FBA] =	sst s0  }
0x18: {  	s0 =	sld [smem:$0x3F9D];
	_ =	swait.ge [sflag:s4], $0x0  }
0x19: {  	s7 =	sld [smem:$0x3F9E]  }
0x1a: {  	s8 =	sadd.s32 $0xFFFFE003, lr  }
0x1b: {  	s9 =	sadd.s32 $0xFFFFFEF7, lr;
	s5 =	simm.s32 $0xFFFFFFFF;
	p2 =	slt.u32 s8, $0xFFFFF086  }
0x1c: {  	p1 =	slt.u32 s9, $0xF7A;
	s5 =	simm.s32 @!p2 $0x0  }
0x1d: {  	s5 =	simm.s32 @p1 $0x1;
	p0 =	seq.s32 s7, s2  }
0x1e: {  	s7 =	smul.u32 @!p0 $0xF7A, s2;
	p2 =	seq.s32 @!p0 s5, $0x0  }
0x1f: {  	s9 =	smul.u32 $0xF7A, s1;
	s8 =	simm.s32 @!p0 $0x1BF5;
	p2 =	por !p2, p0  }
0x20: {  	[sflag:s8] =	ssyncset.s32 @!p0 $0xFFFFF086;
	s6 =	sadd.s32 @!p0 s3, s7;
	s7 =	simm.s32 @!p0 $0x108  }
0x21: {  	s3 =	sadd.s32 s3, s9;
	s6 =	sadd.s32 @!p0 $0x88, s6;
	s7 =	simm.s32 @p2 $0x1082  }
0x22: {  	[simem:s7], [sflag:s8] =	dma.local @!p0 [hbm:s6], $0xF7A  }
0x23: {  	s9 =	sor.u32 $0xD0000000, s2;
	s6 =	simm.s32 $0x108;
	_ =	swait.ge @!p0 [sflag:s8], $0x0  }
0x24: {  	s3 =	sadd.s32 $0x88, s3;
	s6 =	simm.s32 @!p1 $0x1082;
	[sflag:s4] =	ssyncset.s32 $0xFFFFF086  }
0x25: {  	[simem:s6], [sflag:s4] =	dma.local [hbm:s3], $0xF7A  }
0x26: {  	[smem:$0x3F9E] =	sst s1;
	(tag) =	ssettag s2;
	_ =	strace s9  }
0x27: {  	s1 =	sld [smem:$0x3FAE]  }
0x28: {  	s2 =	sld [smem:$0x3FAF]  }
0x29: {  	s4 =	sld [smem:$0x3FB1]  }
0x2a: {  	p0 =	seq.s32 s5, $0x0;
	s5 =	sld [smem:$0x3FB2]  }
0x2b: {  	s6 =	sld [smem:$0x3FB3]  }
0x2c: {  	s7 =	sld [smem:$0x3FB4]  }
0x2d: {  	s3 =	simm.s32 $0x108;
	s8 =	sld [smem:$0x3FB5]  }
0x2e: {  	s3 =	simm.s32 @!p0 $0x1082;
	s9 =	sld [smem:$0x3FB6]  }
0x2f: {  	lr =	sadd.s32 s0, s3;
	s0 =	sld [smem:$0x3FAD]  }
0x30: {  	s3 =	sld [smem:$0x3FB0]  }
0x31: {  	[smem:$0x3FB9] =	sst s10  }
0x32: {  	s10 =	sld [smem:$0x3FB7];
	_ =	sdelay $0x3  }
0x33: {  	p0 =	seq.s32 s10, $0x1;
	s10 =	sld [smem:$0x3FB9];
	_ =	sdelay $0x3  }
0x34: {  	[smem:$0x3FB9] =	sst s10  }
0x35: {  	s10 =	sld [smem:$0x3FB8];
	_ =	sdelay $0x3  }
0x36: {  	p1 =	seq.s32 s10, $0x1;
	s10 =	sld [smem:$0x3FB9];
	_ =	sdelay $0x3  }
0x37: {  	[smem:$0x3FB9] =	sst s10  }
0x38: {  	s10 =	sld [smem:$0x3FBA]  }
0x39: {  	_ = 	snop;
	(pc) =	sbr.ind lr, $3  }
0x3a: {  	_ = 	snop  }
0x3b: {  	_ = 	snop  }
0x3c: {  	p2 =	seq.s32 s10, $0x1;
	s10 =	sld [smem:$0x3FB9]  }
0x3d: {  	_ =	shalt  }
0x3e: {  	_ =	shalt  }
0x3f: {  	_ =	shalt  }
0x40: {  	_ =	shalt  }
0x41: {  	_ =	shalt  }
0x42: {  	_ =	shalt  }
0x43: {  	_ =	shalt  }
0x44: {  	_ =	shalt  }
0x45: {  	_ =	shalt  }
0x46: {  	_ =	shalt  }
0x47: {  	_ =	shalt  }
0x48: {  	_ =	shalt  }
0x49: {  	_ =	shalt  }
0x4a: {  	_ =	shalt  }
0x4b: {  	_ =	shalt  }
0x4c: {  	_ =	shalt  }
0x4d: {  	_ =	shalt  }
0x4e: {  	_ =	shalt  }
0x4f: {  	_ =	shalt  }
0x50: {  	_ =	shalt  }
0x51: {  	_ =	shalt  }
0x52: {  	_ =	shalt  }
0x53: {  	_ =	shalt  }
0x54: {  	_ =	shalt  }
0x55: {  	_ =	shalt  }
0x56: {  	_ =	shalt  }
0x57: {  	_ =	shalt  }
0x58: {  	_ =	shalt  }
0x59: {  	_ =	shalt  }
0x5a: {  	_ =	shalt  }
0x5b: {  	_ =	shalt  }
0x5c: {  	_ =	shalt  }
0x5d: {  	_ =	shalt  }
0x5e: {  	_ =	shalt  }
0x5f: {  	_ =	shalt  }
0x60: {  	_ =	shalt  }
0x61: {  	_ =	shalt  }
0x62: {  	_ =	shalt  }
0x63: {  	_ =	shalt  }
0x64: {  	_ =	shalt  }
0x65: {  	_ =	shalt  }
0x66: {  	_ =	shalt  }
0x67: {  	_ =	shalt  }
0x68: {  	_ =	shalt  }
0x69: {  	_ =	shalt  }
0x6a: {  	_ =	shalt  }
0x6b: {  	_ =	shalt  }
0x6c: {  	_ =	shalt  }
0x6d: {  	_ =	shalt  }
0x6e: {  	_ =	shalt  }
0x6f: {  	_ =	shalt  }
0x70: {  	_ =	shalt  }
0x71: {  	_ =	shalt  }
0x72: {  	_ =	shalt  }
0x73: {  	_ =	shalt  }
0x74: {  	_ =	shalt  }
0x75: {  	_ =	shalt  }
0x76: {  	_ =	shalt  }
0x77: {  	_ =	shalt  }
0x78: {  	_ =	shalt  }
0x79: {  	_ =	shalt  }
0x7a: {  	_ =	shalt  }
0x7b: {  	_ =	shalt  }
0x7c: {  	_ =	shalt  }
0x7d: {  	_ =	shalt  }
0x7e: {  	_ =	shalt  }
0x7f: {  	_ =	shalt  }
0x80: {  	_ =	shalt  }
0x81: {  	_ =	shalt  }
0x82: {  	_ =	shalt  }
0x83: {  	_ =	shalt  }
0x84: {  	_ =	shalt  }
0x85: {  	_ =	shalt  }
0x86: {  	_ =	shalt  }
0x87: {  	_ =	shalt  }
.Lfunc_end0:
.L_simem_size_0:
called_computation_lowered:
.L_overlay_start_0:
0x88: {  	s2 =	sld [smem:$0x3FD9]  }
0x89: {  	s3 =	sld [smem:$0x3FFE];
	_ =	sdelay $0x1  }
0x8a: {  	s1 =	srdreg.scid  }
0x8b: {  	s0 =	sand.u32 $0x1, s1  }
0x8c: {  	s17 =	sshll.u32 s0, $0xA;
	s2 =	sadd.s32 s3, s2  }
0x8d: {  	s2 =	sadd.s32 s2, s17  }
0x8e: {  	[smem:$0x3FC5] =	sst s2  }
0x8f: {  	_ = 	snop  }
0x90: {  	s2 =	sld [smem:$0x3FC8];
	(tm) =	ssettm $0x1  }
0x91: {  	s18 =	sld [smem:$0x3FFB];
	_ =	sdelay $0x3  }
0x92: {  	_ =	strace s18  }
0x93: {  	s3 =	sld [smem:$0x3FFC];
	_ =	sdelay $0x3  }
0x94: {  	_ =	strace s3  }
0x95: {  	s3 =	sld [smem:$0x3FFD];
	_ =	sdelay $0x3  }
0x96: {  	_ =	strace s3  }
0x97: {  	_ =	strace $0x8FFFFFFF  }
0x98: {  	s19 =	sld [smem:$0x3FDB];
	_ =	sdelay $0x1  }
0x99: {  	s4 =	simm.s32 $_scs_section_size  }
0x9a: {  	s5 =	simm.s32 $_size__tile_overlayer_lowered;
	s6 =	simm.s32 $_tile_overlayer_lowered  }
0x9b: {  	s22 =	simm.s32 $0x1BFF;
	s21 =	sshll.u32 s6, $0x1;
	s3 =	sadd.s32 s4, s19  }
0x9c: {  	s7 =	simm.s32 $0x0;
	s20 =	sshll.u32 s5, $0x1;
	s5 =	sadd.s32 s21, s3  }
0x9d: {  	[timem:s7], [sflag:s22] =	dma.local [hbm:s5], s20  }
0x9e: {  	_ =	swait.ge [sflag:s22], s20  }
0x9f: {  	s4 =	ssub.s32 $0x0, s20;
	[sflag:s22] =	ssyncset.done $0x0  }
0xa0: {  	[sflag:s22] =	ssyncadd.s32 s4;
	_ =	sdelay $0x1  }
0xa1: {  	s23 =	simm.s32 $0x1B8B  }
0xa2: {  	_ =	swait.ge [sflag:s23], $0x1  }
0xa3: {  	[sflag:s23] =	ssyncset.done $0x0  }
0xa4: {  	s25 =	simm.s32 $0x1B8E;
	s24 =	sld [smem:$0x3FFE];
	[sflag:s23] =	ssyncadd.s32 $0xFFFFFFFF  }
0xa5: {  	s26 =	simm.s32 $execute0_lowered;
	[smem:$0x3FD2] =	sst s25  }
0xa6: {  	s5 =	sshll.u32 s26, $0x1;
	_ =	strace $0x80000046;
	[dreg:$0x1] =	wrdreg $0xFFFFFFFF  }
0xa7: {  	s28 =	simm.s32 $_size_execute0_lowered;
	s3 =	sadd.s32 s3, s5;
	[dreg:$0x0] =	wrdreg $0x0  }
0xa8: {  	s5 =	sshll.u32 s28, $0x1;
	[dreg:$0x2] =	wrdreg s3  }
0xa9: {  	[dreg:$0x3] =	wrdreg s5  }
0xaa: {  	[dreg:$0x4] =	wrdreg $0xC0  }
0xab: {  	_ =	task [dreg:s7], $0x5FFFF  }
0xac: {  	[dreg:$0x1] =	wrdreg $0xFFFFFFFF  }
0xad: {  	[dreg:$0x0] =	wrdreg $0x60  }
0xae: {  	[dreg:$0x2] =	wrdreg s24  }
0xaf: {  	[dreg:$0x3] =	wrdreg s2  }
0xb0: {  	[dreg:$0x4] =	wrdreg $0x9  }
0xb1: {  	_ =	task.clear_ibuf [dreg:s7], $0x5FFFF;
	_ =	strace $0x90000046  }
0xb2: {  	s29 =	simm.s32 $0x9;
	_ =	strace $0x80000048  }
0xb3: {  	_ =	swait.ge [sflag:s29], $0x1  }
0xb4: {  	[sflag:s29] =	ssyncadd.s32 $0xFFFFFFFF  }
0xb5: {  	_ =	strace $0x90000048  }
0xb6: {  	_ =	sfence  }
0xb7: {  	s30 =	sld [smem:$0x0];
	_ =	sdelay $0x2  }
0xb8: {  	s31 =	sshll.u32 s1, $0xD;
	s1 =	sshrl.u32 s1, $0x2  }
0xb9: {  	s3 =	sand.u32 $0x4000, s31;
	s1 =	sadd.s32 s1, s30  }
0xba: {  	s0 =	sor.u32 s3, s0;
	s1 =	sshll.u32 s1, $0x11  }
0xbb: {  	s0 =	sor.u32 s1, s0  }
0xbc: {  	s0 =	sadd.s32 $0x8F2B, s0  }
0xbd: {  	[sflag:s0] =	ssyncadd.remote.s32 $0x1  }
0xbe: {  	_ =	sfence.sel $0xFFFF  }
0xbf: {  	[dreg:$0x0] =	wrdreg $0xFFFFFFFF;
	(pc) =	sbr.abs _section_cstart, $3  }
0xc0: {  	[dreg:$0x1] =	wrdreg $0xFFFFFFFF  }
0xc1: {  	_ =	task.clear_ibuf [dreg:s7], $0x2FFFF;
	_ =	strace $0x9FFFFFFF  }
0xc2: {  	(tm) =	ssettm $0x7FFFFFFF  }
0xc3: {  	_ =	shalt  }
tec
execute0_lowered:
.L_overlay_start_1:
0x0: {  	(tag) =	ssettag $0x1  }
0x1: {  	v0 =	vlaneseq.u32  }
0x2: {  	s3 =	rddreg [dreg:$0x0];
	v0 =	vmul.u32 $0x80, v0  }
0x3: {  	s5 =	rddreg [dreg:$0x1];
	s2 =	simm.s32 $0x0  }
0x4: {  	[smem:$0x7FF] =	sst s2;
	v1 =	vor.u32 $0x1, v0  }
0x5: {  	s0 =	rddreg [dreg:$0x2];
	_ =	strace $0x80000047;
	[tilespmem:$0x1FC10] =	vst v1;
	v1 =	vor.u32 $0x2, v0  }
0x6: {  	[tilespmem:$0x1FC20] =	vst v1;
	v1 =	vor.u32 $0x3, v0  }
0x7: {  	[tilespmem:$0x1FC30] =	vst v1;
	v1 =	vor.u32 $0x4, v0  }
0x8: {  	[tilespmem:$0x1FC40] =	vst v1;
	v1 =	vor.u32 $0x5, v0  }
0x9: {  	[tilespmem:$0x1FC50] =	vst v1;
	v1 =	vor.u32 $0x6, v0  }
0xa: {  	[tilespmem:$0x1FC60] =	vst v1;
	v1 =	vor.u32 $0x7, v0  }
0xb: {  	[tilespmem:$0x1FC70] =	vst v1;
	v1 =	vor.u32 $0x8, v0  }
0xc: {  	[tilespmem:$0x1FC80] =	vst v1;
	v1 =	vor.u32 $0x9, v0  }
0xd: {  	[tilespmem:$0x1FC90] =	vst v1;
	v1 =	vor.u32 $0xA, v0  }
0xe: {  	[tilespmem:$0x1FCA0] =	vst v1;
	v1 =	vor.u32 $0xB, v0  }
0xf: {  	[tilespmem:$0x1FCB0] =	vst v1;
	v1 =	vor.u32 $0xC, v0  }
0x10: {  	[tilespmem:$0x1FCC0] =	vst v1;
	v1 =	vor.u32 $0xD, v0  }
0x11: {  	[tilespmem:$0x1FCD0] =	vst v1;
	v1 =	vor.u32 $0xE, v0  }
0x12: {  	[tilespmem:$0x1FCE0] =	vst v1;
	v1 =	vor.u32 $0xF, v0  }
0x13: {  	[tilespmem:$0x1FCF0] =	vst v1;
	v1 =	vor.u32 $0x10, v0  }
0x14: {  	[tilespmem:$0x1FD00] =	vst v1;
	v1 =	vor.u32 $0x11, v0  }
0x15: {  	[tilespmem:$0x1FD10] =	vst v1;
	v1 =	vor.u32 $0x12, v0  }
0x16: {  	[tilespmem:$0x1FD20] =	vst v1;
	v1 =	vor.u32 $0x13, v0  }
0x17: {  	[tilespmem:$0x1FD30] =	vst v1;
	v1 =	vor.u32 $0x14, v0  }
0x18: {  	[tilespmem:$0x1FD40] =	vst v1;
	v1 =	vor.u32 $0x15, v0  }
0x19: {  	[tilespmem:$0x1FD50] =	vst v1;
	v1 =	vor.u32 $0x16, v0  }
0x1a: {  	[tilespmem:$0x1FD60] =	vst v1;
	v1 =	vor.u32 $0x17, v0  }
0x1b: {  	[tilespmem:$0x1FD70] =	vst v1;
	v1 =	vor.u32 $0x18, v0  }
0x1c: {  	[tilespmem:$0x1FD80] =	vst v1;
	v1 =	vor.u32 $0x19, v0  }
0x1d: {  	[tilespmem:$0x1FD90] =	vst v1;
	v1 =	vor.u32 $0x1A, v0  }
0x1e: {  	[tilespmem:$0x1FDA0] =	vst v1;
	v1 =	vor.u32 $0x1B, v0  }
0x1f: {  	[tilespmem:$0x1FDB0] =	vst v1;
	v1 =	vor.u32 $0x1C, v0  }
0x20: {  	s24 =	simm.s32 $0x100;
	[tilespmem:$0x1FDC0] =	vst v1;
	v1 =	vor.u32 $0x1D, v0  }
0x21: {  	s25 =	simm.s32 $0x180;
	[dreg:$0x6] =	wrdreg s24;
	[tilespmem:$0x1FDD0] =	vst v1;
	v1 =	vor.u32 $0x1E, v0  }
0x22: {  	s26 =	simm.s32 $0x200;
	[dreg:$0x7] =	wrdreg s25;
	[tilespmem:$0x1FDE0] =	vst v1;
	v1 =	vor.u32 $0x1F, v0  }
0x23: {  	s28 =	simm.s32 $0x280;
	[dreg:$0x8] =	wrdreg s26;
	[tilespmem:$0x1FDF0] =	vst v1;
	v1 =	vor.u32 $0x20, v0  }
0x24: {  	s29 =	simm.s32 $0x300;
	[dreg:$0x9] =	wrdreg s28;
	[tilespmem:$0x1FE00] =	vst v1;
	v1 =	vor.u32 $0x21, v0  }
0x25: {  	s30 =	simm.s32 $0x380;
	[dreg:$0xa] =	wrdreg s29;
	[tilespmem:$0x1FE10] =	vst v1;
	v1 =	vor.u32 $0x22, v0  }
0x26: {  	s31 =	simm.s32 $0x400;
	[dreg:$0xb] =	wrdreg s30;
	[tilespmem:$0x1FE20] =	vst v1;
	v1 =	vor.u32 $0x23, v0  }
0x27: {  	s9 =	simm.s32 $0x600;
	[dreg:$0xc] =	wrdreg s31;
	[tilespmem:$0x1FE30] =	vst v1;
	v1 =	vor.u32 $0x24, v0  }
0x28: {  	s10 =	simm.s32 $0x680;
	[dreg:$0x10] =	wrdreg s9;
	[tilespmem:$0x1FE40] =	vst v1;
	v1 =	vor.u32 $0x25, v0  }
0x29: {  	s11 =	simm.s32 $0x700;
	[dreg:$0x11] =	wrdreg s10;
	[tilespmem:$0x1FE50] =	vst v1;
	v1 =	vor.u32 $0x26, v0  }
0x2a: {  	s12 =	simm.s32 $0x780;
	[dreg:$0x12] =	wrdreg s11;
	[tilespmem:$0x1FE60] =	vst v1;
	v1 =	vor.u32 $0x27, v0  }
0x2b: {  	s13 =	simm.s32 $0x800;
	[dreg:$0x13] =	wrdreg s12;
	[tilespmem:$0x1FE70] =	vst v1;
	v1 =	vor.u32 $0x28, v0  }
0x2c: {  	s14 =	simm.s32 $0x880;
	[dreg:$0x14] =	wrdreg s13;
	[tilespmem:$0x1FE80] =	vst v1;
	v1 =	vor.u32 $0x29, v0  }
0x2d: {  	s15 =	simm.s32 $0x900;
	[dreg:$0x15] =	wrdreg s14;
	[tilespmem:$0x1FE90] =	vst v1;
	v1 =	vor.u32 $0x2A, v0  }
0x2e: {  	s16 =	simm.s32 $0x980;
	[dreg:$0x16] =	wrdreg s15;
	[tilespmem:$0x1FEA0] =	vst v1;
	v1 =	vor.u32 $0x2B, v0  }
0x2f: {  	s17 =	simm.s32 $0xA00;
	[dreg:$0x17] =	wrdreg s16;
	[tilespmem:$0x1FEB0] =	vst v1;
	v1 =	vor.u32 $0x2C, v0  }
0x30: {  	s18 =	simm.s32 $0xA80;
	[dreg:$0x18] =	wrdreg s17;
	[tilespmem:$0x1FEC0] =	vst v1;
	v1 =	vor.u32 $0x2D, v0  }
0x31: {  	s19 =	simm.s32 $0xB00;
	[dreg:$0x19] =	wrdreg s18;
	[tilespmem:$0x1FED0] =	vst v1;
	v1 =	vor.u32 $0x2E, v0  }
0x32: {  	s4 =	srdreg.scid;
	s20 =	simm.s32 $0xB80;
	[dreg:$0x1a] =	wrdreg s19;
	[tilespmem:$0x1FEE0] =	vst v1;
	v1 =	vor.u32 $0x2F, v0  }
0x33: {  	s1 =	stileid.u32;
	s21 =	simm.s32 $0xC00;
	[dreg:$0x1b] =	wrdreg s20;
	[tilespmem:$0x1FEF0] =	vst v1;
	v1 =	vor.u32 $0x30, v0  }
0x34: {  	s4 =	sand.u32 $0x1, s4;
	[dreg:$0x1c] =	wrdreg s21;
	s24 =	simm.s32 $0xD80;
	[tilespmem:$0x1FF00] =	vst v1;
	v1 =	vor.u32 $0x31, v0  }
0x35: {  	s6 =	sshll.u32 s1, $0x1;
	s25 =	simm.s32 $0xE00;
	[dreg:$0x1f] =	wrdreg s24;
	[tilespmem:$0x1FF10] =	vst v1;
	v1 =	vor.u32 $0x32, v0  }
0x36: {  	s6 =	sor.u32 s4, s6;
	s28 =	simm.s32 $0xE80;
	[smem:$0x7F8] =	sst s25;
	[tilespmem:$0x1FF20] =	vst v1;
	v1 =	vor.u32 $0x33, v0  }
0x37: {  	s4 =	ssub.s32 $0x2, s4;
	s29 =	simm.s32 $0xF00;
	[smem:$0x7F9] =	sst s28;
	[tilespmem:$0x1FF30] =	vst v1;
	v1 =	vor.u32 $0x34, v0  }
0x38: {  	s30 =	simm.s32 $0xF80;
	s31 =	simm.s32 $0x1000;
	[smem:$0x7FA] =	sst s29;
	[tilespmem:$0x1FF40] =	vst v1;
	v1 =	vor.u32 $0x35, v0  }
0x39: {  	s9 =	simm.s32 $0x2080;
	s7 =	sshll.u32 s6, $0x9;
	[smem:$0x7FB] =	sst s30;
	[tilespmem:$0x1FF50] =	vst v1;
	v1 =	vor.u32 $0x36, v0  }
0x3a: {  	s8 =	sshll.u32 s6, $0x2;
	s6 =	sshll.u32 s6, $0x4;
	[smem:$0x7FC] =	sst s31;
	[tilespmem:$0x1FF60] =	vst v1;
	v1 =	vor.u32 $0x37, v0  }
0x3b: {  	s26 =	sshrl.u32 s4, $0x1;
	[smem:$0x7FD] =	sst s9;
	s5 =	sadd.s32 s5, s8;
	[tilespmem:$0x1FF70] =	vst v1;
	v1 =	vor.u32 $0x38, v0  }
0x3c: {  	s7 =	sadd.s32 s7, s3;
	s8 =	simm.s32 $0x580;
	[dreg:$0x3] =	wrdreg s5;
	[tilespmem:$0x1FF80] =	vst v1;
	v1 =	vor.u32 $0x39, v0  }
0x3d: {  	s6 =	sadd.s32 s6, s3;
	s22 =	sadd.s32 $0x186C00, s7;
	[dreg:$0xf] =	wrdreg s8;
	[tilespmem:$0x1FF90] =	vst v1;
	v1 =	vor.u32 $0x3A, v0  }
0x3e: {  	s3 =	sadd.s32 $0x200, s3;
	s23 =	sadd.s32 $0x18AC00, s6;
	[dreg:$0x4] =	wrdreg s22;
	[tilespmem:$0x1FFA0] =	vst v1;
	v1 =	vor.u32 $0x3B, v0  }
0x3f: {  	s4 =	ssub.s32 s4, s26;
	s6 =	simm.s32 $0x480;
	[dreg:$0x5] =	wrdreg s23;
	[tilespmem:$0x1FFB0] =	vst v1;
	v1 =	vor.u32 $0x3C, v0  }
0x40: {  	s7 =	simm.s32 $0x500;
	s4 =	smax.u32 s4, $0x1;
	[dreg:$0xd] =	wrdreg s6;
	[tilespmem:$0x1FFC0] =	vst v1;
	v1 =	vor.u32 $0x3D, v0  }
0x41: {  	s5 =	simm.s32 $0x2;
	[dreg:$0xe] =	wrdreg s7;
	s22 =	simm.s32 $0xC80;
	[tilespmem:$0x1FFD0] =	vst v1;
	v1 =	vor.u32 $0x3E, v0  }
0x42: {  	s8 =	simm.s32 $0x1;
	s23 =	simm.s32 $0xD00;
	[dreg:$0x1d] =	wrdreg s22;
	[tilespmem:$0x1FFE0] =	vst v1;
	v1 =	vor.u32 $0x3F, v0  }
0x43: {  	s6 =	simm.s32 $0x80;
	s7 =	simm.s32 $0x1080;
	[dreg:$0x1e] =	wrdreg s23;
	[tilespmem:$0x1FFF0] =	vst v1  }
.LBB2_1:
0x44: {  	s9 =	rddreg [dreg:$0x3]  }
0x45: {  	[tilespmem:s2], [sflag:$0x2] =	stream.linear.gather [hbm4b:s9+s2], $0x20, $0x38;
	[tilespmem:$0x2100] =	vst v63  }
0x46: {  	_ =	swait.ge [sflag:s5], $0x20  }
0x47: {  	[sflag:s5] =	ssyncset.done $0x0  }
0x48: {  	[sflag:s5] =	ssyncadd.s32 $0xFFFFFFE0  }
0x49: {  	v1 =	vld [tilespmem:$0x0];
	_ =	sdelay $0x4  }
0x4a: {  	v1 =	vshll.u32 v1, $0x4  }
0x4b: {  	(v2sf) =	vpush v1, $0x0;
	_ =	sdelay $0x1  }
0x4c: {  	(v2sf) =	vpush v1, $0x1;
	_ =	sdelay $0x1  }
0x4d: {  	(v2sf) =	vpush v1, $0x2;
	_ =	sdelay $0x4  }
0x4e: {  	(v2sf) =	vpush v1, $0x3;
	_ =	sdelay $0x5  }
0x4f: {  	s28 =	spop (v2sf);
	(v2sf) =	vpush v1, $0x4;
	_ =	sdelay $0x1  }
0x50: {  	s29 =	spop (v2sf);
	(v2sf) =	vpush v1, $0x5;
	_ =	sdelay $0x1  }
0x51: {  	s30 =	spop (v2sf);
	(v2sf) =	vpush v1, $0x6  }
0x52: {  	s9 =	sand.u32 $0x1FFFFFF0, s28  }
0x53: {  	s9 =	sadd.s32 s3, s9  }
0x54: {  	[tilespmem:s6], [sflag:$0x1] =	stream.linear.gather [hbm4b:s9+s2], $0x80, $0x38;
	[tilespmem:$0x2100] =	vst v63  }
0x55: {  	s9 =	sand.u32 $0x1FFFFFF0, s29  }
0x56: {  	s10 =	rddreg [dreg:$0x6];
	s11 =	spop (v2sf);
	(v2sf) =	vpush v1, $0x7;
	s9 =	sadd.s32 s3, s9  }
0x57: {  	[tilespmem:s10], [sflag:$0x1] =	stream.linear.gather [hbm4b:s9+s2], $0x80, $0x38;
	[tilespmem:$0x2100] =	vst v63  }
0x58: {  	s9 =	sand.u32 $0x1FFFFFF0, s30  }
0x59: {  	s31 =	rddreg [dreg:$0x7];
	s9 =	sadd.s32 s3, s9  }
0x5a: {  	[tilespmem:s31], [sflag:$0x1] =	stream.linear.gather [hbm4b:s9+s2], $0x80, $0x38;
	[tilespmem:$0x2100] =	vst v63  }
0x5b: {  	s9 =	sand.u32 $0x1FFFFFF0, s11  }
0x5c: {  	s12 =	rddreg [dreg:$0x8];
	s9 =	sadd.s32 s3, s9;
	s13 =	spop (v2sf);
	(v2sf) =	vpush v1, $0x8  }
0x5d: {  	[tilespmem:s12], [sflag:$0x1] =	stream.linear.gather [hbm4b:s9+s2], $0x80, $0x38;
	[tilespmem:$0x2100] =	vst v63  }
0x5e: {  	s15 =	spop (v2sf);
	(v2sf) =	vpush v1, $0x9  }
0x5f: {  	s9 =	sand.u32 $0x1FFFFFF0, s13  }
0x60: {  	s14 =	rddreg [dreg:$0x9];
	s9 =	sadd.s32 s3, s9;
	s17 =	spop (v2sf)  }
0x61: {  	(v2sf) =	vpush v1, $0xA;
	[tilespmem:s14], [sflag:$0x1] =	stream.linear.gather [hbm4b:s9+s2], $0x80, $0x38;
	[tilespmem:$0x2100] =	vst v63  }
0x62: {  	s9 =	sand.u32 $0x1FFFFFF0, s15  }
0x63: {  	s16 =	rddreg [dreg:$0xa];
	s9 =	sadd.s32 s3, s9  }
0x64: {  	[tilespmem:s16], [sflag:$0x1] =	stream.linear.gather [hbm4b:s9+s2], $0x80, $0x38;
	[tilespmem:$0x2100] =	vst v63  }
0x65: {  	s19 =	spop (v2sf);
	(v2sf) =	vpush v1, $0xB;
	s9 =	sand.u32 $0x1FFFFFF0, s17  }
0x66: {  	s18 =	rddreg [dreg:$0xb];
	s9 =	sadd.s32 s3, s9  }
0x67: {  	[tilespmem:s18], [sflag:$0x1] =	stream.linear.gather [hbm4b:s9+s2], $0x80, $0x38;
	[tilespmem:$0x2100] =	vst v63  }
0x68: {  	s9 =	sand.u32 $0x1FFFFFF0, s19  }
0x69: {  	s20 =	rddreg [dreg:$0xc];
	s9 =	sadd.s32 s3, s9  }
0x6a: {  	[tilespmem:s20], [sflag:$0x1] =	stream.linear.gather [hbm4b:s9+s2], $0x80, $0x38;
	[tilespmem:$0x2100] =	vst v63  }
0x6b: {  	s21 =	spop (v2sf);
	(v2sf) =	vpush v1, $0xC  }
0x6c: {  	s9 =	sand.u32 $0x1FFFFFF0, s21  }
0x6d: {  	s22 =	rddreg [dreg:$0xd];
	s23 =	spop (v2sf);
	(v2sf) =	vpush v1, $0xD;
	s9 =	sadd.s32 s3, s9  }
0x6e: {  	[tilespmem:s22], [sflag:$0x1] =	stream.linear.gather [hbm4b:s9+s2], $0x80, $0x38;
	[tilespmem:$0x2100] =	vst v63  }
0x6f: {  	s9 =	sand.u32 $0x1FFFFFF0, s23  }
0x70: {  	s24 =	rddreg [dreg:$0xe];
	s25 =	spop (v2sf);
	s9 =	sadd.s32 s3, s9  }
0x71: {  	[tilespmem:s24], [sflag:$0x1] =	stream.linear.gather [hbm4b:s9+s2], $0x80, $0x38;
	[tilespmem:$0x2100] =	vst v63  }
0x72: {  	s26 =	rddreg [dreg:$0xf];
	(v2sf) =	vpush v1, $0xE;
	_ =	sdelay $0x1  }
0x73: {  	s9 =	sand.u32 $0x1FFFFFF0, s25;
	s28 =	spop (v2sf);
	(v2sf) =	vpush v1, $0xF  }
0x74: {  	s9 =	sadd.s32 s3, s9  }
0x75: {  	[tilespmem:s26], [sflag:$0x1] =	stream.linear.gather [hbm4b:s9+s2], $0x80, $0x38;
	[tilespmem:$0x2100] =	vst v63  }
0x76: {  	s9 =	sand.u32 $0x1FFFFFF0, s28  }
0x77: {  	s29 =	rddreg [dreg:$0x10];
	s9 =	sadd.s32 s3, s9  }
0x78: {  	[tilespmem:s29], [sflag:$0x1] =	stream.linear.gather [hbm4b:s9+s2], $0x80, $0x38;
	[tilespmem:$0x2100] =	vst v63  }
0x79: {  	s30 =	spop (v2sf)  }
0x7a: {  	s9 =	sand.u32 $0x1FFFFFF0, s30  }
0x7b: {  	s31 =	rddreg [dreg:$0x11];
	s11 =	spop (v2sf);
	s9 =	sadd.s32 s3, s9  }
0x7c: {  	[tilespmem:s31], [sflag:$0x1] =	stream.linear.gather [hbm4b:s9+s2], $0x80, $0x38;
	[tilespmem:$0x2100] =	vst v63  }
0x7d: {  	s9 =	sand.u32 $0x1FFFFFF0, s11  }
0x7e: {  	s12 =	rddreg [dreg:$0x12];
	s9 =	sadd.s32 s3, s9  }
0x7f: {  	[tilespmem:s12], [sflag:$0x1] =	stream.linear.gather [hbm4b:s9+s2], $0x80, $0x38;
	[tilespmem:$0x2100] =	vst v63  }
0x80: {  	s13 =	spop (v2sf)  }
0x81: {  	s9 =	sand.u32 $0x1FFFFFF0, s13  }
0x82: {  	s14 =	rddreg [dreg:$0x13];
	s15 =	spop (v2sf);
	s9 =	sadd.s32 s3, s9  }
0x83: {  	[tilespmem:s14], [sflag:$0x1] =	stream.linear.gather [hbm4b:s9+s2], $0x80, $0x38;
	[tilespmem:$0x2100] =	vst v63  }
0x84: {  	s9 =	sand.u32 $0x1FFFFFF0, s15  }
0x85: {  	s16 =	rddreg [dreg:$0x14];
	s9 =	sadd.s32 s3, s9  }
0x86: {  	[tilespmem:s16], [sflag:$0x1] =	stream.linear.gather [hbm4b:s9+s2], $0x80, $0x38;
	[tilespmem:$0x2100] =	vst v63  }
0x87: {  	v1 =	vld [tilespmem:$0x10];
	_ =	sdelay $0x4  }
0x88: {  	v1 =	vshll.u32 v1, $0x4  }
0x89: {  	(v2sf) =	vpush v1, $0x0;
	_ =	sdelay $0x1  }
0x8a: {  	(v2sf) =	vpush v1, $0x1;
	_ =	sdelay $0x1  }
0x8b: {  	(v2sf) =	vpush v1, $0x2;
	_ =	sdelay $0x2  }
0x8c: {  	(v2sf) =	vpush v1, $0x3;
	_ =	sdelay $0x7  }
0x8d: {  	s17 =	spop (v2sf);
	(v2sf) =	vpush v1, $0x4;
	_ =	sdelay $0x1  }
0x8e: {  	s19 =	spop (v2sf);
	(v2sf) =	vpush v1, $0x5;
	_ =	sdelay $0x1  }
0x8f: {  	s21 =	spop (v2sf);
	(v2sf) =	vpush v1, $0x6;
	_ =	sdelay $0x1  }
0x90: {  	s9 =	sand.u32 $0x1FFFFFF0, s17  }
0x91: {  	s18 =	rddreg [dreg:$0x15];
	s9 =	sadd.s32 s3, s9;
	s23 =	spop (v2sf);
	(v2sf) =	vpush v1, $0x7  }
0x92: {  	[tilespmem:s18], [sflag:$0x1] =	stream.linear.gather [hbm4b:s9+s2], $0x80, $0x38;
	[tilespmem:$0x2100] =	vst v63  }
0x93: {  	s9 =	sand.u32 $0x1FFFFFF0, s19  }
0x94: {  	s20 =	rddreg [dreg:$0x16];
	s9 =	sadd.s32 s3, s9  }
0x95: {  	[tilespmem:s20], [sflag:$0x1] =	stream.linear.gather [hbm4b:s9+s2], $0x80, $0x38;
	[tilespmem:$0x2100] =	vst v63  }
0x96: {  	s9 =	sand.u32 $0x1FFFFFF0, s21  }
0x97: {  	s22 =	rddreg [dreg:$0x17];
	s9 =	sadd.s32 s3, s9  }
0x98: {  	[tilespmem:s22], [sflag:$0x1] =	stream.linear.gather [hbm4b:s9+s2], $0x80, $0x38;
	[tilespmem:$0x2100] =	vst v63  }
0x99: {  	s25 =	spop (v2sf);
	(v2sf) =	vpush v1, $0x8  }
0x9a: {  	s9 =	sand.u32 $0x1FFFFFF0, s23  }
0x9b: {  	s24 =	rddreg [dreg:$0x18];
	s9 =	sadd.s32 s3, s9;
	s28 =	spop (v2sf);
	(v2sf) =	vpush v1, $0x9  }
0x9c: {  	[tilespmem:s24], [sflag:$0x1] =	stream.linear.gather [hbm4b:s9+s2], $0x80, $0x38;
	[tilespmem:$0x2100] =	vst v63  }
0x9d: {  	s9 =	sand.u32 $0x1FFFFFF0, s25;
	s30 =	spop (v2sf);
	(v2sf) =	vpush v1, $0xA  }
0x9e: {  	s26 =	rddreg [dreg:$0x19];
	s9 =	sadd.s32 s3, s9  }
0x9f: {  	[tilespmem:s26], [sflag:$0x1] =	stream.linear.gather [hbm4b:s9+s2], $0x80, $0x38;
	[tilespmem:$0x2100] =	vst v63  }
0xa0: {  	s11 =	spop (v2sf);
	(v2sf) =	vpush v1, $0xB  }
0xa1: {  	s9 =	sand.u32 $0x1FFFFFF0, s28  }
0xa2: {  	s29 =	rddreg [dreg:$0x1a];
	s9 =	sadd.s32 s3, s9  }
0xa3: {  	[tilespmem:s29], [sflag:$0x1] =	stream.linear.gather [hbm4b:s9+s2], $0x80, $0x38;
	[tilespmem:$0x2100] =	vst v63  }
0xa4: {  	s9 =	sand.u32 $0x1FFFFFF0, s30  }
0xa5: {  	s31 =	rddreg [dreg:$0x1b];
	s9 =	sadd.s32 s3, s9  }
0xa6: {  	[tilespmem:s31], [sflag:$0x1] =	stream.linear.gather [hbm4b:s9+s2], $0x80, $0x38;
	[tilespmem:$0x2100] =	vst v63  }
0xa7: {  	s9 =	sand.u32 $0x1FFFFFF0, s11  }
0xa8: {  	s12 =	rddreg [dreg:$0x1c];
	s9 =	sadd.s32 s3, s9;
	s13 =	spop (v2sf);
	(v2sf) =	vpush v1, $0xC  }
0xa9: {  	[tilespmem:s12], [sflag:$0x1] =	stream.linear.gather [hbm4b:s9+s2], $0x80, $0x38;
	[tilespmem:$0x2100] =	vst v63  }
0xaa: {  	s15 =	spop (v2sf);
	(v2sf) =	vpush v1, $0xD  }
0xab: {  	s9 =	sand.u32 $0x1FFFFFF0, s13  }
0xac: {  	s14 =	rddreg [dreg:$0x1d];
	s9 =	sadd.s32 s3, s9;
	s17 =	spop (v2sf)  }
0xad: {  	(v2sf) =	vpush v1, $0xE;
	[tilespmem:s14], [sflag:$0x1] =	stream.linear.gather [hbm4b:s9+s2], $0x80, $0x38;
	[tilespmem:$0x2100] =	vst v63  }
0xae: {  	s9 =	sand.u32 $0x1FFFFFF0, s15  }
0xaf: {  	s16 =	rddreg [dreg:$0x1e];
	s19 =	spop (v2sf);
	s9 =	sadd.s32 s3, s9  }
0xb0: {  	(v2sf) =	vpush v1, $0xF;
	[tilespmem:s16], [sflag:$0x1] =	stream.linear.gather [hbm4b:s9+s2], $0x80, $0x38;
	[tilespmem:$0x2100] =	vst v63  }
0xb1: {  	s18 =	rddreg [dreg:$0x1f];
	s9 =	sand.u32 $0x1FFFFFF0, s17  }
0xb2: {  	s20 =	sld [smem:$0x7F8];
	s9 =	sadd.s32 s3, s9  }
0xb3: {  	[tilespmem:s18], [sflag:$0x1] =	stream.linear.gather [hbm4b:s9+s2], $0x80, $0x38;
	[tilespmem:$0x2100] =	vst v63  }
0xb4: {  	s9 =	sand.u32 $0x1FFFFFF0, s19  }
0xb5: {  	s9 =	sadd.s32 s3, s9  }
0xb6: {  	[tilespmem:s20], [sflag:$0x1] =	stream.linear.gather [hbm4b:s9+s2], $0x80, $0x38;
	[tilespmem:$0x2100] =	vst v63  }
0xb7: {  	s22 =	sld [smem:$0x7F9];
	s21 =	spop (v2sf)  }
0xb8: {  	s9 =	sand.u32 $0x1FFFFFF0, s21  }
0xb9: {  	s24 =	sld [smem:$0x7FA];
	s23 =	spop (v2sf);
	s9 =	sadd.s32 s3, s9  }
0xba: {  	[tilespmem:s22], [sflag:$0x1] =	stream.linear.gather [hbm4b:s9+s2], $0x80, $0x38;
	[tilespmem:$0x2100] =	vst v63  }
0xbb: {  	s9 =	sand.u32 $0x1FFFFFF0, s23  }
0xbc: {  	s26 =	sld [smem:$0x7FB];
	s25 =	spop (v2sf);
	s9 =	sadd.s32 s3, s9  }
0xbd: {  	[tilespmem:s24], [sflag:$0x1] =	stream.linear.gather [hbm4b:s9+s2], $0x80, $0x38;
	[tilespmem:$0x2100] =	vst v63  }
0xbe: {  	s9 =	sand.u32 $0x1FFFFFF0, s25  }
0xbf: {  	s29 =	sld [smem:$0x7FC];
	s28 =	spop (v2sf);
	s9 =	sadd.s32 s3, s9  }
0xc0: {  	[tilespmem:s26], [sflag:$0x1] =	stream.linear.gather [hbm4b:s9+s2], $0x80, $0x38;
	[tilespmem:$0x2100] =	vst v63  }
0xc1: {  	s9 =	sand.u32 $0x1FFFFFF0, s28  }
0xc2: {  	s9 =	sadd.s32 s3, s9  }
0xc3: {  	[tilespmem:s29], [sflag:$0x1] =	stream.linear.gather [hbm4b:s9+s2], $0x80, $0x38;
	[tilespmem:$0x2100] =	vst v63  }
0xc4: {  	s11 =	rddreg [dreg:$0x4]  }
0xc5: {  	[tilespmem:s7], [sflag:$0x2] =	stream.linear.gather [hbm4b:s11+s2], $0x1000, $0x38;
	[tilespmem:$0x2100] =	vst v63  }
0xc6: {  	_ =	swait.ge [sflag:s5], $0x1000  }
0xc7: {  	[sflag:s5] =	ssyncset.done $0x0  }
0xc8: {  	[sflag:s5] =	ssyncadd.s32 $0xFFFFF000  }
0xc9: {  	_ =	swait.ge [sflag:s8], $0x80  }
0xca: {  	[sflag:s8] =	ssyncset.done $0x0  }
0xcb: {  	[sflag:s8] =	ssyncadd.s32 $0xFFFFFF80  }
0xcc: {  	_ =	swait.ge [sflag:s8], $0x80  }
0xcd: {  	[sflag:s8] =	ssyncset.done $0x0  }
0xce: {  	[sflag:s8] =	ssyncadd.s32 $0xFFFFFF80  }
0xcf: {  	_ =	swait.ge [sflag:s8], $0x80  }
0xd0: {  	[sflag:s8] =	ssyncset.done $0x0  }
0xd1: {  	[sflag:s8] =	ssyncadd.s32 $0xFFFFFF80  }
0xd2: {  	_ =	swait.ge [sflag:s8], $0x80  }
0xd3: {  	[sflag:s8] =	ssyncset.done $0x0  }
0xd4: {  	[sflag:s8] =	ssyncadd.s32 $0xFFFFFF80  }
0xd5: {  	_ =	swait.ge [sflag:s8], $0x80  }
0xd6: {  	[sflag:s8] =	ssyncset.done $0x0  }
0xd7: {  	[sflag:s8] =	ssyncadd.s32 $0xFFFFFF80  }
0xd8: {  	_ =	swait.ge [sflag:s8], $0x80  }
0xd9: {  	[sflag:s8] =	ssyncset.done $0x0  }
0xda: {  	[sflag:s8] =	ssyncadd.s32 $0xFFFFFF80  }
0xdb: {  	_ =	swait.ge [sflag:s8], $0x80  }
0xdc: {  	[sflag:s8] =	ssyncset.done $0x0  }
0xdd: {  	[sflag:s8] =	ssyncadd.s32 $0xFFFFFF80  }
0xde: {  	_ =	swait.ge [sflag:s8], $0x80  }
0xdf: {  	[sflag:s8] =	ssyncset.done $0x0  }
0xe0: {  	[sflag:s8] =	ssyncadd.s32 $0xFFFFFF80  }
0xe1: {  	_ =	swait.ge [sflag:s8], $0x80  }
0xe2: {  	[sflag:s8] =	ssyncset.done $0x0  }
0xe3: {  	[sflag:s8] =	ssyncadd.s32 $0xFFFFFF80  }
0xe4: {  	_ =	swait.ge [sflag:s8], $0x80  }
0xe5: {  	[sflag:s8] =	ssyncset.done $0x0  }
0xe6: {  	[sflag:s8] =	ssyncadd.s32 $0xFFFFFF80  }
0xe7: {  	_ =	swait.ge [sflag:s8], $0x80  }
0xe8: {  	[sflag:s8] =	ssyncset.done $0x0  }
0xe9: {  	[sflag:s8] =	ssyncadd.s32 $0xFFFFFF80  }
0xea: {  	_ =	swait.ge [sflag:s8], $0x80  }
0xeb: {  	[sflag:s8] =	ssyncset.done $0x0  }
0xec: {  	[sflag:s8] =	ssyncadd.s32 $0xFFFFFF80  }
0xed: {  	_ =	swait.ge [sflag:s8], $0x80  }
0xee: {  	[sflag:s8] =	ssyncset.done $0x0  }
0xef: {  	[sflag:s8] =	ssyncadd.s32 $0xFFFFFF80  }
0xf0: {  	_ =	swait.ge [sflag:s8], $0x80  }
0xf1: {  	[sflag:s8] =	ssyncset.done $0x0  }
0xf2: {  	[sflag:s8] =	ssyncadd.s32 $0xFFFFFF80  }
0xf3: {  	_ =	swait.ge [sflag:s8], $0x80  }
0xf4: {  	[sflag:s8] =	ssyncset.done $0x0  }
0xf5: {  	[sflag:s8] =	ssyncadd.s32 $0xFFFFFF80  }
0xf6: {  	_ =	swait.ge [sflag:s8], $0x80  }
0xf7: {  	[sflag:s8] =	ssyncset.done $0x0  }
0xf8: {  	[sflag:s8] =	ssyncadd.s32 $0xFFFFFF80  }
0xf9: {  	_ =	swait.ge [sflag:s8], $0x80  }
0xfa: {  	[sflag:s8] =	ssyncset.done $0x0  }
0xfb: {  	[sflag:s8] =	ssyncadd.s32 $0xFFFFFF80  }
0xfc: {  	_ =	swait.ge [sflag:s8], $0x80  }
0xfd: {  	[sflag:s8] =	ssyncset.done $0x0  }
0xfe: {  	[sflag:s8] =	ssyncadd.s32 $0xFFFFFF80  }
0xff: {  	_ =	swait.ge [sflag:s8], $0x80  }
0x100: {  	[sflag:s8] =	ssyncset.done $0x0  }
0x101: {  	[sflag:s8] =	ssyncadd.s32 $0xFFFFFF80  }
0x102: {  	_ =	swait.ge [sflag:s8], $0x80  }
0x103: {  	[sflag:s8] =	ssyncset.done $0x0  }
0x104: {  	[sflag:s8] =	ssyncadd.s32 $0xFFFFFF80  }
0x105: {  	_ =	swait.ge [sflag:s8], $0x80  }
0x106: {  	[sflag:s8] =	ssyncset.done $0x0  }
0x107: {  	[sflag:s8] =	ssyncadd.s32 $0xFFFFFF80  }
0x108: {  	_ =	swait.ge [sflag:s8], $0x80  }
0x109: {  	[sflag:s8] =	ssyncset.done $0x0  }
0x10a: {  	[sflag:s8] =	ssyncadd.s32 $0xFFFFFF80  }
0x10b: {  	_ =	swait.ge [sflag:s8], $0x80  }
0x10c: {  	[sflag:s8] =	ssyncset.done $0x0  }
0x10d: {  	[sflag:s8] =	ssyncadd.s32 $0xFFFFFF80  }
0x10e: {  	_ =	swait.ge [sflag:s8], $0x80  }
0x10f: {  	[sflag:s8] =	ssyncset.done $0x0  }
0x110: {  	[sflag:s8] =	ssyncadd.s32 $0xFFFFFF80  }
0x111: {  	_ =	swait.ge [sflag:s8], $0x80  }
0x112: {  	[sflag:s8] =	ssyncset.done $0x0  }
0x113: {  	[sflag:s8] =	ssyncadd.s32 $0xFFFFFF80  }
0x114: {  	_ =	swait.ge [sflag:s8], $0x80  }
0x115: {  	[sflag:s8] =	ssyncset.done $0x0  }
0x116: {  	[sflag:s8] =	ssyncadd.s32 $0xFFFFFF80  }
0x117: {  	_ =	swait.ge [sflag:s8], $0x80  }
0x118: {  	[sflag:s8] =	ssyncset.done $0x0  }
0x119: {  	[sflag:s8] =	ssyncadd.s32 $0xFFFFFF80  }
0x11a: {  	_ =	swait.ge [sflag:s8], $0x80  }
0x11b: {  	[sflag:s8] =	ssyncset.done $0x0  }
0x11c: {  	[sflag:s8] =	ssyncadd.s32 $0xFFFFFF80  }
0x11d: {  	_ =	swait.ge [sflag:s8], $0x80  }
0x11e: {  	[sflag:s8] =	ssyncset.done $0x0  }
0x11f: {  	[sflag:s8] =	ssyncadd.s32 $0xFFFFFF80  }
0x120: {  	_ =	swait.ge [sflag:s8], $0x80  }
0x121: {  	[sflag:s8] =	ssyncset.done $0x0  }
0x122: {  	[sflag:s8] =	ssyncadd.s32 $0xFFFFFF80  }
0x123: {  	_ =	swait.ge [sflag:s8], $0x80  }
0x124: {  	[sflag:s8] =	ssyncset.done $0x0  }
0x125: {  	[sflag:s8] =	ssyncadd.s32 $0xFFFFFF80  }
0x126: {  	_ =	swait.ge [sflag:s8], $0x80  }
0x127: {  	v4 =	vld [tilespmem:$0x1FC10]  }
0x128: {  	v6 =	vld [tilespmem:$0x1FC20]  }
0x129: {  	v8 =	vld [tilespmem:$0x1FC30]  }
0x12a: {  	v10 =	vld [tilespmem:$0x1FC40]  }
0x12b: {  	v12 =	vld [tilespmem:$0x1FC50]  }
0x12c: {  	v14 =	vld [tilespmem:$0x1FC60]  }
0x12d: {  	v16 =	vld [tilespmem:$0x1FC70]  }
0x12e: {  	v18 =	vld [tilespmem:$0x1FC80]  }
0x12f: {  	v20 =	vld [tilespmem:$0x1FC90]  }
0x130: {  	v22 =	vld [tilespmem:$0x1FCA0]  }
0x131: {  	v24 =	vld [tilespmem:$0x1FCB0]  }
0x132: {  	v26 =	vld [tilespmem:$0x1FCC0]  }
0x133: {  	v28 =	vld [tilespmem:$0x1FCD0]  }
0x134: {  	v30 =	vld [tilespmem:$0x1FCE0]  }
0x135: {  	v32 =	vld [tilespmem:$0x1FCF0]  }
0x136: {  	v34 =	vld [tilespmem:$0x1FD00]  }
0x137: {  	v36 =	vld [tilespmem:$0x1FD10]  }
0x138: {  	v37 =	vld [tilespmem:$0x1FD20]  }
0x139: {  	v53 =	vld [tilespmem:$0x1FD30]  }
0x13a: {  	v43 =	vld [tilespmem:$0x1FD40]  }
0x13b: {  	v45 =	vld [tilespmem:$0x1FD50]  }
0x13c: {  	v56 =	vld [tilespmem:$0x1FD60]  }
0x13d: {  	v58 =	vld [tilespmem:$0x1FD70]  }
0x13e: {  	[sflag:s8] =	ssyncset.done $0x0;
	v60 =	vld [tilespmem:$0x1FD80]  }
0x13f: {  	v62 =	vld [tilespmem:$0x1FD90];
	[sflag:s8] =	ssyncadd.s32 $0xFFFFFF80  }
0x140: {  	v1 =	vld.idx.msk [tilespmem:v0+s7+$0x0], $0xffff  }
0x141: {  	v2 =	vld.idx.msk [tilespmem:v0+s6+$0x0], $0xffff  }
0x142: {  	v3 =	vld.idx.msk [tilespmem:v4+s7+$0x0], $0xffff  }
0x143: {  	v4 =	vld.idx.msk [tilespmem:v4+s6+$0x0], $0xffff  }
0x144: {  	v5 =	vld.idx.msk [tilespmem:v6+s7+$0x0], $0xffff  }
0x145: {  	v6 =	vld.idx.msk [tilespmem:v6+s6+$0x0], $0xffff  }
0x146: {  	v7 =	vld.idx.msk [tilespmem:v8+s7+$0x0], $0xffff  }
0x147: {  	v8 =	vld.idx.msk [tilespmem:v8+s6+$0x0], $0xffff  }
0x148: {  	v9 =	vld.idx.msk [tilespmem:v10+s7+$0x0], $0xffff  }
0x149: {  	v10 =	vld.idx.msk [tilespmem:v10+s6+$0x0], $0xffff  }
0x14a: {  	v11 =	vld.idx.msk [tilespmem:v12+s7+$0x0], $0xffff  }
0x14b: {  	v12 =	vld.idx.msk [tilespmem:v12+s6+$0x0], $0xffff  }
0x14c: {  	v13 =	vld.idx.msk [tilespmem:v14+s7+$0x0], $0xffff  }
0x14d: {  	v14 =	vld.idx.msk [tilespmem:v14+s6+$0x0], $0xffff  }
0x14e: {  	v15 =	vld.idx.msk [tilespmem:v16+s7+$0x0], $0xffff  }
0x14f: {  	v16 =	vld.idx.msk [tilespmem:v16+s6+$0x0], $0xffff  }
0x150: {  	v17 =	vld.idx.msk [tilespmem:v18+s7+$0x0], $0xffff  }
0x151: {  	v18 =	vld.idx.msk [tilespmem:v18+s6+$0x0], $0xffff  }
0x152: {  	v19 =	vld.idx.msk [tilespmem:v20+s7+$0x0], $0xffff  }
0x153: {  	v20 =	vld.idx.msk [tilespmem:v20+s6+$0x0], $0xffff  }
0x154: {  	v21 =	vld.idx.msk [tilespmem:v22+s7+$0x0], $0xffff  }
0x155: {  	v22 =	vld.idx.msk [tilespmem:v22+s6+$0x0], $0xffff  }
0x156: {  	v23 =	vld.idx.msk [tilespmem:v24+s7+$0x0], $0xffff  }
0x157: {  	v24 =	vld.idx.msk [tilespmem:v24+s6+$0x0], $0xffff  }
0x158: {  	v25 =	vld.idx.msk [tilespmem:v26+s7+$0x0], $0xffff  }
0x159: {  	v26 =	vld.idx.msk [tilespmem:v26+s6+$0x0], $0xffff  }
0x15a: {  	v27 =	vld.idx.msk [tilespmem:v28+s7+$0x0], $0xffff  }
0x15b: {  	v28 =	vld.idx.msk [tilespmem:v28+s6+$0x0], $0xffff  }
0x15c: {  	v29 =	vld.idx.msk [tilespmem:v30+s7+$0x0], $0xffff  }
0x15d: {  	v30 =	vld.idx.msk [tilespmem:v30+s6+$0x0], $0xffff  }
0x15e: {  	v31 =	vld.idx.msk [tilespmem:v32+s7+$0x0], $0xffff  }
0x15f: {  	v32 =	vld.idx.msk [tilespmem:v32+s6+$0x0], $0xffff  }
0x160: {  	v33 =	vld.idx.msk [tilespmem:v34+s7+$0x0], $0xffff  }
0x161: {  	v34 =	vld.idx.msk [tilespmem:v34+s6+$0x0], $0xffff  }
0x162: {  	v35 =	vld.idx.msk [tilespmem:v36+s7+$0x0], $0xffff  }
0x163: {  	v36 =	vld.idx.msk [tilespmem:v36+s6+$0x0], $0xffff  }
0x164: {  	v38 =	vld.idx.msk [tilespmem:v37+s7+$0x0], $0xffff  }
0x165: {  	v39 =	vld.idx.msk [tilespmem:v37+s6+$0x0], $0xffff  }
0x166: {  	v40 =	vld.idx.msk [tilespmem:v53+s7+$0x0], $0xffff  }
0x167: {  	v2 =	vmul.f32 v2, v1;
	v41 =	vld.idx.msk [tilespmem:v53+s6+$0x0], $0xffff  }
0x168: {  	v1 =	vmul.f32 v1, v1;
	v42 =	vld.idx.msk [tilespmem:v43+s7+$0x0], $0xffff;
	v54 =	vmul.f32 v3, v3  }
0x169: {  	v37 =	vld [tilespmem:$0x1FDA0]  }
0x16a: {  	v43 =	vld.idx.msk [tilespmem:v43+s6+$0x0], $0xffff;
	v55 =	vmul.f32 v5, v5;
	v1 =	vadd.f32 v54, v1  }
0x16b: {  	v44 =	vld.idx.msk [tilespmem:v45+s7+$0x0], $0xffff  }
0x16c: {  	v45 =	vld.idx.msk [tilespmem:v45+s6+$0x0], $0xffff;
	v57 =	vmul.f32 v7, v7;
	v1 =	vadd.f32 v55, v1  }
0x16d: {  	v46 =	vld.idx.msk [tilespmem:v56+s7+$0x0], $0xffff;
	v2 =	vadd.f32 $0.0e+00, v2;
	v3 =	vmul.f32 v4, v3  }
0x16e: {  	v47 =	vld.idx.msk [tilespmem:v56+s6+$0x0], $0xffff;
	v59 =	vmul.f32 v9, v9;
	v1 =	vadd.f32 v57, v1  }
0x16f: {  	v48 =	vld.idx.msk [tilespmem:v58+s6+$0x0], $0xffff;
	v2 =	vadd.f32 v3, v2;
	v3 =	vmul.f32 v6, v5  }
0x170: {  	v53 =	vld [tilespmem:$0x1FDB0];
	v61 =	vmul.f32 v11, v11;
	v1 =	vadd.f32 v59, v1  }
0x171: {  	v49 =	vld.idx.msk [tilespmem:v37+s7+$0x0], $0xffff;
	v2 =	vadd.f32 v3, v2;
	v3 =	vmul.f32 v8, v7  }
0x172: {  	v63 =	vmul.f32 v13, v13;
	v50 =	vld.idx.msk [tilespmem:v37+s6+$0x0], $0xffff;
	v1 =	vadd.f32 v61, v1  }
0x173: {  	v8 =	vld.idx.msk [tilespmem:v58+s7+$0x0], $0xffff;
	v2 =	vadd.f32 v3, v2;
	v3 =	vmul.f32 v10, v9  }
0x174: {  	v52 =	vmul.f32 v15, v15;
	v55 =	vld [tilespmem:$0x1FDC0];
	v1 =	vadd.f32 v63, v1  }
0x175: {  	v9 =	vld.idx.msk [tilespmem:v60+s7+$0x0], $0xffff;
	v2 =	vadd.f32 v3, v2;
	v3 =	vmul.f32 v12, v11  }
0x176: {  	v54 =	vmul.f32 v17, v17;
	v10 =	vld.idx.msk [tilespmem:v60+s6+$0x0], $0xffff;
	v1 =	vadd.f32 v52, v1  }
0x177: {  	v57 =	vld [tilespmem:$0x1FDD0];
	v2 =	vadd.f32 v3, v2;
	v3 =	vmul.f32 v14, v13  }
0x178: {  	v56 =	vmul.f32 v19, v19;
	v11 =	vld.idx.msk [tilespmem:v62+s7+$0x0], $0xffff;
	v1 =	vadd.f32 v54, v1  }
0x179: {  	v12 =	vld.idx.msk [tilespmem:v62+s6+$0x0], $0xffff;
	v2 =	vadd.f32 v3, v2;
	v3 =	vmul.f32 v16, v15  }
0x17a: {  	v58 =	vmul.f32 v21, v21;
	v59 =	vld [tilespmem:$0x1FDE0];
	v1 =	vadd.f32 v56, v1  }
0x17b: {  	v61 =	vld [tilespmem:$0x1FDF0];
	v2 =	vadd.f32 v3, v2;
	v3 =	vmul.f32 v18, v17  }
0x17c: {  	v60 =	vmul.f32 v23, v23;
	v14 =	vld [tilespmem:$0x1FE10];
	v1 =	vadd.f32 v58, v1  }
0x17d: {  	v15 =	vld.idx.msk [tilespmem:v53+s7+$0x0], $0xffff;
	v2 =	vadd.f32 v3, v2;
	v3 =	vmul.f32 v20, v19  }
0x17e: {  	v62 =	vmul.f32 v25, v25;
	v16 =	vld.idx.msk [tilespmem:v53+s6+$0x0], $0xffff;
	v1 =	vadd.f32 v60, v1  }
0x17f: {  	v63 =	vld [tilespmem:$0x1FE00];
	v2 =	vadd.f32 v3, v2;
	v3 =	vmul.f32 v22, v21  }
0x180: {  	v13 =	vmul.f32 v27, v27;
	v17 =	vld.idx.msk [tilespmem:v55+s7+$0x0], $0xffff;
	v1 =	vadd.f32 v62, v1  }
0x181: {  	v18 =	vld.idx.msk [tilespmem:v55+s6+$0x0], $0xffff;
	v2 =	vadd.f32 v3, v2;
	v3 =	vmul.f32 v24, v23  }
0x182: {  	v19 =	vld.idx.msk [tilespmem:v57+s7+$0x0], $0xffff;
	v21 =	vmul.f32 v29, v29;
	v1 =	vadd.f32 v13, v1  }
0x183: {  	v20 =	vld.idx.msk [tilespmem:v57+s6+$0x0], $0xffff;
	v2 =	vadd.f32 v3, v2;
	v3 =	vmul.f32 v26, v25  }
0x184: {  	v51 =	vld.idx.msk [tilespmem:v59+s7+$0x0], $0xffff;
	v23 =	vmul.f32 v31, v31;
	v1 =	vadd.f32 v21, v1  }
0x185: {  	v52 =	vld.idx.msk [tilespmem:v59+s6+$0x0], $0xffff;
	v2 =	vadd.f32 v3, v2;
	v3 =	vmul.f32 v28, v27  }
0x186: {  	v53 =	vld.idx.msk [tilespmem:v61+s7+$0x0], $0xffff;
	v25 =	vmul.f32 v33, v33;
	v1 =	vadd.f32 v23, v1  }
0x187: {  	v24 =	vld [tilespmem:$0x1FE30];
	v2 =	vadd.f32 v3, v2;
	v3 =	vmul.f32 v30, v29  }
0x188: {  	v54 =	vld.idx.msk [tilespmem:v61+s6+$0x0], $0xffff;
	v28 =	vmul.f32 v35, v35;
	v1 =	vadd.f32 v25, v1  }
0x189: {  	v26 =	vmul.f32 v34, v33;
	v34 =	vmul.f32 v40, v40;
	v27 =	vld [tilespmem:$0x1FE40];
	v2 =	vadd.f32 v3, v2  }
0x18a: {  	v55 =	vld.idx.msk [tilespmem:v63+s7+$0x0], $0xffff;
	v3 =	vmul.f32 v32, v31;
	v31 =	vmul.f32 v38, v38;
	v1 =	vadd.f32 v28, v1  }
0x18b: {  	v29 =	vmul.f32 v36, v35;
	v35 =	vmul.f32 v41, v40;
	v40 =	vld [tilespmem:$0x1FE70]  }
0x18c: {  	v56 =	vld.idx.msk [tilespmem:v63+s6+$0x0], $0xffff;
	v3 =	vadd.f32 v3, v2;
	v1 =	vadd.f32 v31, v1  }
0x18d: {  	v30 =	vld [tilespmem:$0x1FE50];
	v41 =	vmul.f32 v42, v42  }
0x18e: {  	v42 =	vmul.f32 v43, v42;
	v43 =	vld [tilespmem:$0x1FE80];
	v5 =	vadd.f32 v26, v3;
	v1 =	vadd.f32 v34, v1  }
0x18f: {  	v61 =	vld.idx.msk [tilespmem:v24+s7+$0x0], $0xffff;
	v32 =	vmul.f32 v39, v38  }
0x190: {  	v62 =	vld.idx.msk [tilespmem:v24+s6+$0x0], $0xffff;
	v24 =	vmul.f32 v44, v44;
	v6 =	vadd.f32 v29, v5;
	v1 =	vadd.f32 v41, v1  }
0x191: {  	v2 =	vld.idx.msk [tilespmem:v27+s7+$0x0], $0xffff  }
0x192: {  	v63 =	vld.idx.msk [tilespmem:v27+s6+$0x0], $0xffff;
	v27 =	vmul.f32 v46, v46;
	v13 =	vadd.f32 v32, v6;
	v1 =	vadd.f32 v24, v1  }
0x193: {  	v36 =	vld.idx.msk [tilespmem:v40+s6+$0x0], $0xffff  }
0x194: {  	v6 =	vld.idx.msk [tilespmem:v40+s7+$0x0], $0xffff;
	v40 =	vmul.f32 v8, v8;
	v13 =	vadd.f32 v35, v13;
	v1 =	vadd.f32 v27, v1  }
0x195: {  	v57 =	vld.idx.msk [tilespmem:v14+s7+$0x0], $0xffff  }
0x196: {  	v22 =	vld [tilespmem:$0x1FE20];
	v13 =	vadd.f32 v42, v13;
	v42 =	vmul.f32 v9, v9;
	v1 =	vadd.f32 v40, v1  }
0x197: {  	v39 =	vld [tilespmem:$0x1FEA0]  }
0x198: {  	v58 =	vld.idx.msk [tilespmem:v14+s6+$0x0], $0xffff;
	v25 =	vmul.f32 v45, v44;
	v44 =	vmul.f32 v11, v11;
	v1 =	vadd.f32 v42, v1  }
0x199: {  	v38 =	vmul.f32 v47, v46;
	v47 =	vmul.f32 v49, v49;
	v46 =	vld [tilespmem:$0x1FED0]  }
0x19a: {  	v45 =	vmul.f32 v12, v11;
	v3 =	vld.idx.msk [tilespmem:v30+s7+$0x0], $0xffff;
	v13 =	vadd.f32 v25, v13;
	v1 =	vadd.f32 v44, v1  }
0x19b: {  	v37 =	vld.idx.msk [tilespmem:v30+s6+$0x0], $0xffff;
	v8 =	vmul.f32 v48, v8;
	v48 =	vmul.f32 v50, v49  }
0x19c: {  	v7 =	vld.idx.msk [tilespmem:v43+s7+$0x0], $0xffff;
	v50 =	vmul.f32 v15, v15;
	v13 =	vadd.f32 v38, v13;
	v1 =	vadd.f32 v47, v1  }
0x19d: {  	v12 =	vmul.f32 v16, v15;
	v16 =	vmul.f32 v17, v17;
	v35 =	vld.idx.msk [tilespmem:v43+s6+$0x0], $0xffff  }
0x19e: {  	v43 =	vld [tilespmem:$0x1FEC0];
	v9 =	vmul.f32 v10, v9;
	v8 =	vadd.f32 v8, v13;
	v1 =	vadd.f32 v50, v1  }
0x19f: {  	v30 =	vld.idx.msk [tilespmem:v39+s7+$0x0], $0xffff  }
0x1a0: {  	v32 =	vld.idx.msk [tilespmem:v39+s6+$0x0], $0xffff;
	v39 =	vmul.f32 v19, v19;
	v8 =	vadd.f32 v9, v8;
	v1 =	vadd.f32 v16, v1  }
0x1a1: {  	v33 =	vld [tilespmem:$0x1FE60]  }
0x1a2: {  	v59 =	vld.idx.msk [tilespmem:v22+s7+$0x0], $0xffff;
	v42 =	vmul.f32 v51, v51;
	v8 =	vadd.f32 v45, v8;
	v1 =	vadd.f32 v39, v1  }
0x1a3: {  	v60 =	vld.idx.msk [tilespmem:v22+s6+$0x0], $0xffff  }
0x1a4: {  	v26 =	vld [tilespmem:$0x1FE90];
	v45 =	vmul.f32 v53, v53;
	v8 =	vadd.f32 v48, v8;
	v1 =	vadd.f32 v42, v1  }
0x1a5: {  	v18 =	vmul.f32 v18, v17;
	v28 =	vld.idx.msk [tilespmem:v46+s6+$0x0], $0xffff  }
0x1a6: {  	v13 =	vld.idx.msk [tilespmem:v43+s7+$0x0], $0xffff;
	v48 =	vmul.f32 v55, v55;
	v8 =	vadd.f32 v12, v8;
	v1 =	vadd.f32 v45, v1  }
0x1a7: {  	v29 =	vld.idx.msk [tilespmem:v43+s6+$0x0], $0xffff;
	v40 =	vmul.f32 v20, v19;
	v43 =	vmul.f32 v52, v51  }
0x1a8: {  	v27 =	vld.idx.msk [tilespmem:v46+s7+$0x0], $0xffff;
	v51 =	vmul.f32 v57, v57;
	v8 =	vadd.f32 v18, v8;
	v1 =	vadd.f32 v48, v1  }
0x1a9: {  	v46 =	vmul.f32 v54, v53;
	v50 =	vld [tilespmem:$0x1FF40]  }
0x1aa: {  	v49 =	vld [tilespmem:$0x1FEE0];
	v54 =	vmul.f32 v59, v59;
	v8 =	vadd.f32 v40, v8;
	v1 =	vadd.f32 v51, v1  }
0x1ab: {  	v4 =	vld.idx.msk [tilespmem:v33+s7+$0x0], $0xffff;
	v52 =	vmul.f32 v58, v57  }
0x1ac: {  	v5 =	vld.idx.msk [tilespmem:v33+s6+$0x0], $0xffff;
	v57 =	vmul.f32 v61, v61;
	v8 =	vadd.f32 v43, v8;
	v1 =	vadd.f32 v54, v1  }
0x1ad: {  	v33 =	vld.idx.msk [tilespmem:v26+s7+$0x0], $0xffff  }
0x1ae: {  	v8 =	vadd.f32 v46, v8;
	v46 =	vadd.f32 v57, v1;
	v1 =	vld [tilespmem:$0x1FF70]  }
0x1af: {  	v34 =	vld.idx.msk [tilespmem:v26+s6+$0x0], $0xffff  }
0x1b0: {  	v10 =	vld [tilespmem:$0x1FF80]  }
0x1b1: {  	v12 =	vld.idx.msk [tilespmem:v50+s6+$0x0], $0xffff  }
0x1b2: {  	v25 =	vld.idx.msk [tilespmem:v49+s7+$0x0], $0xffff  }
0x1b3: {  	v26 =	vld.idx.msk [tilespmem:v49+s6+$0x0], $0xffff;
	v49 =	vmul.f32 v56, v55  }
0x1b4: {  	v55 =	vmul.f32 v60, v59;
	v60 =	vmul.f32 v2, v2  }
0x1b5: {  	v15 =	vld [tilespmem:$0x1FEF0]  }
0x1b6: {  	[tilespmem:$0x1FBF0] =	vst v12;
	v12 =	vmul.f32 v3, v3;
	v46 =	vadd.f32 v60, v46;
	v1 =	vld.idx.msk [tilespmem:v1+s7+$0x0], $0xffff  }
0x1b7: {  	v41 =	vld [tilespmem:$0x1FEB0]  }
0x1b8: {  	v46 =	vadd.f32 v12, v46;
	v12 =	vld [tilespmem:$0x1FF90];
	_ =	sdelay $0x2  }
0x1b9: {  	[tilespmem:$0x1FB80] =	vst v1;
	v1 =	vld.idx.msk [tilespmem:v10+s7+$0x0], $0xffff;
	_ =	sdelay $0x1  }
0x1ba: {  	v23 =	vld.idx.msk [tilespmem:v15+s7+$0x0], $0xffff  }
0x1bb: {  	v38 =	vld [tilespmem:$0x1FF00]  }
0x1bc: {  	v14 =	vld.idx.msk [tilespmem:v41+s7+$0x0], $0xffff  }
0x1bd: {  	[tilespmem:$0x1FB90] =	vst v1;
	v1 =	vld.idx.msk [tilespmem:v12+s7+$0x0], $0xffff  }
0x1be: {  	v31 =	vld.idx.msk [tilespmem:v41+s6+$0x0], $0xffff  }
0x1bf: {  	v41 =	vld [tilespmem:$0x1FF10]  }
0x1c0: {  	v24 =	vld.idx.msk [tilespmem:v15+s6+$0x0], $0xffff  }
0x1c1: {  	v44 =	vld [tilespmem:$0x1FF20]  }
0x1c2: {  	[tilespmem:$0x1FBA0] =	vst v1;
	v1 =	vld [tilespmem:$0x1FFA0]  }
0x1c3: {  	v53 =	vld [tilespmem:$0x1FF50]  }
0x1c4: {  	v21 =	vld.idx.msk [tilespmem:v38+s7+$0x0], $0xffff  }
0x1c5: {  	v22 =	vld.idx.msk [tilespmem:v38+s6+$0x0], $0xffff  }
0x1c6: {  	v47 =	vld [tilespmem:$0x1FF30]  }
0x1c7: {  	v19 =	vld.idx.msk [tilespmem:v41+s7+$0x0], $0xffff  }
0x1c8: {  	v20 =	vld.idx.msk [tilespmem:v41+s6+$0x0], $0xffff  }
0x1c9: {  	v17 =	vld.idx.msk [tilespmem:v44+s7+$0x0], $0xffff  }
0x1ca: {  	v1 =	vld.idx.msk [tilespmem:v1+s7+$0x0], $0xffff  }
0x1cb: {  	v38 =	vor.u32 $0x800, v0;
	v18 =	vld.idx.msk [tilespmem:v44+s6+$0x0], $0xffff  }
0x1cc: {  	v9 =	vld.idx.msk [tilespmem:v53+s7+$0x0], $0xffff  }
0x1cd: {  	v39 =	vor.u32 $0x801, v0;
	v56 =	vld.idx.msk [tilespmem:v53+s6+$0x0], $0xffff;
	v8 =	vadd.f32 v49, v8  }
0x1ce: {  	v15 =	vld.idx.msk [tilespmem:v47+s7+$0x0], $0xffff  }
0x1cf: {  	v40 =	vor.u32 $0x802, v0;
	v8 =	vadd.f32 v52, v8;
	[tilespmem:$0x1FBB0] =	vst v1;
	v1 =	vld [tilespmem:$0x1FFB0]  }
0x1d0: {  	v42 =	vld.idx.msk [tilespmem:v38+s7+$0x0], $0xffff  }
0x1d1: {  	v43 =	vor.u32 $0x803, v0;
	v41 =	vadd.f32 v55, v8;
	v8 =	vld [tilespmem:$0x1FF60]  }
0x1d2: {  	v44 =	vld.idx.msk [tilespmem:v39+s7+$0x0], $0xffff  }
0x1d3: {  	v16 =	vld.idx.msk [tilespmem:v47+s6+$0x0], $0xffff;
	v45 =	vor.u32 $0x804, v0  }
0x1d4: {  	v48 =	vld.idx.msk [tilespmem:v40+s7+$0x0], $0xffff  }
0x1d5: {  	v11 =	vld.idx.msk [tilespmem:v50+s7+$0x0], $0xffff;
	v49 =	vor.u32 $0x805, v0  }
0x1d6: {  	v58 =	vmul.f32 v62, v61;
	v53 =	vor.u32 $0x806, v0;
	v50 =	vld.idx.msk [tilespmem:v43+s7+$0x0], $0xffff  }
0x1d7: {  	v61 =	vmul.f32 v42, v42;
	v62 =	vmul.f32 v44, v44;
	v1 =	vld.idx.msk [tilespmem:v1+s7+$0x0], $0xffff  }
0x1d8: {  	v63 =	vmul.f32 v63, v2;
	[tilespmem:$0x1FC00] =	vst v56;
	v56 =	vor.u32 $0x807, v0;
	v55 =	vld.idx.msk [tilespmem:v45+s7+$0x0], $0xffff  }
0x1d9: {  	v41 =	vadd.f32 v58, v41;
	v51 =	vadd.f32 v62, v61;
	v60 =	vmul.f32 v48, v48;
	v59 =	vld.idx.msk [tilespmem:v8+s7+$0x0], $0xffff  }
0x1da: {  	v37 =	vmul.f32 v37, v3;
	v5 =	vmul.f32 v5, v4;
	v54 =	vor.u32 $0x808, v0;
	v47 =	vld.idx.msk [tilespmem:v49+s7+$0x0], $0xffff  }
0x1db: {  	v61 =	vmul.f32 v50, v50;
	v57 =	vld.idx.msk [tilespmem:v53+s7+$0x0], $0xffff;
	v41 =	vadd.f32 v63, v41;
	v51 =	vadd.f32 v60, v51  }
0x1dc: {  	v36 =	vmul.f32 v36, v6;
	v62 =	vmul.f32 v4, v4;
	v58 =	vor.u32 $0x809, v0;
	[tilespmem:$0x1FBC0] =	vst v1;
	v1 =	vld [tilespmem:$0x1FFC0]  }
0x1dd: {  	v63 =	vmul.f32 v55, v55;
	v37 =	vadd.f32 v37, v41;
	v51 =	vadd.f32 v61, v51  }
0x1de: {  	v4 =	vmul.f32 v6, v6;
	v60 =	vor.u32 $0x80A, v0;
	v41 =	vadd.f32 v62, v46;
	[tilespmem:$0x1FB70] =	vst v59;
	v59 =	vld.idx.msk [tilespmem:v56+s7+$0x0], $0xffff  }
0x1df: {  	v38 =	vld.idx.msk [tilespmem:v38+s6+$0x0], $0xffff;
	v37 =	vadd.f32 v5, v37;
	v5 =	vmul.f32 v47, v47;
	v51 =	vadd.f32 v63, v51  }
0x1e0: {  	v35 =	vmul.f32 v35, v7;
	v6 =	vmul.f32 v7, v7;
	v61 =	vld.idx.msk [tilespmem:v54+s7+$0x0], $0xffff;
	v41 =	vadd.f32 v4, v41  }
0x1e1: {  	v52 =	vmul.f32 v57, v57;
	v62 =	vor.u32 $0x80B, v0;
	v51 =	vadd.f32 v5, v51;
	v5 =	vld [tilespmem:$0x1FFD0]  }
0x1e2: {  	v36 =	vadd.f32 v36, v37;
	v4 =	vmul.f32 v33, v33;
	v37 =	vadd.f32 v6, v41;
	v41 =	vld.idx.msk [tilespmem:v58+s7+$0x0], $0xffff  }
0x1e3: {  	v33 =	vmul.f32 v34, v33;
	v34 =	vld.idx.msk [tilespmem:v60+s7+$0x0], $0xffff;
	v7 =	vadd.f32 v52, v51;
	v63 =	vmul.f32 v59, v59  }
0x1e4: {  	v2 =	vor.u32 $0x80F, v0;
	v35 =	vadd.f32 v35, v36;
	v1 =	vld.idx.msk [tilespmem:v1+s7+$0x0], $0xffff  }
0x1e5: {  	v39 =	vld.idx.msk [tilespmem:v39+s6+$0x0], $0xffff;
	v6 =	vmul.f32 v61, v61;
	v52 =	vor.u32 $0x80C, v0;
	v46 =	vadd.f32 v63, v7  }
0x1e6: {  	v36 =	vadd.f32 v4, v37;
	v33 =	vadd.f32 v33, v35;
	v37 =	vld.idx.msk [tilespmem:v62+s7+$0x0], $0xffff;
	v7 =	vmul.f32 v30, v30  }
0x1e7: {  	v40 =	vld.idx.msk [tilespmem:v40+s6+$0x0], $0xffff;
	v4 =	vmul.f32 v41, v41;
	v63 =	vor.u32 $0x80D, v0;
	v46 =	vadd.f32 v6, v46  }
0x1e8: {  	v45 =	vld.idx.msk [tilespmem:v45+s6+$0x0], $0xffff;
	v30 =	vmul.f32 v32, v30;
	v35 =	vadd.f32 v7, v36;
	v6 =	vmul.f32 v14, v14  }
0x1e9: {  	v7 =	vmul.f32 v34, v34;
	v46 =	vadd.f32 v4, v46;
	[tilespmem:$0x1FBD0] =	vst v1;
	v1 =	vld.idx.msk [tilespmem:v5+s7+$0x0], $0xffff  }
0x1ea: {  	v39 =	vmul.f32 v39, v44;
	v36 =	vld.idx.msk [tilespmem:v52+s7+$0x0], $0xffff;
	v30 =	vadd.f32 v30, v33  }
0x1eb: {  	v33 =	vld.idx.msk [tilespmem:v43+s6+$0x0], $0xffff;
	v32 =	vadd.f32 v6, v35;
	v6 =	vmul.f32 v37, v37;
	v4 =	vadd.f32 v7, v46  }
0x1ec: {  	v44 =	vmul.f32 v27, v27;
	v51 =	vor.u32 $0x811, v0;
	v14 =	vmul.f32 v31, v14;
	v31 =	vld.idx.msk [tilespmem:v63+s7+$0x0], $0xffff  }
0x1ed: {  	v7 =	vmul.f32 v13, v13;
	v35 =	vadd.f32 v6, v4;
	v6 =	vmul.f32 v38, v42;
	v38 =	vld.idx.msk [tilespmem:v2+s7+$0x0], $0xffff  }
0x1ee: {  	v14 =	vadd.f32 v14, v30;
	v13 =	vmul.f32 v29, v13;
	v42 =	vld.idx.msk [tilespmem:v49+s6+$0x0], $0xffff;
	[tilespmem:$0x1FBE0] =	vst v1;
	v1 =	vor.u32 $0x80E, v0  }
0x1ef: {  	v27 =	vmul.f32 v28, v27;
	v46 =	vor.u32 $0x810, v0;
	v30 =	vadd.f32 v7, v32;
	v2 =	vld.idx.msk [tilespmem:v2+s6+$0x0], $0xffff  }
0x1f0: {  	v43 =	vor.u32 $0x812, v0;
	v32 =	vadd.f32 v13, v14;
	v49 =	vadd.f32 $0.0e+00, v6;
	v6 =	vld [tilespmem:$0x1FFE0]  }
0x1f1: {  	v3 =	vor.u32 $0x813, v0;
	v30 =	vadd.f32 v44, v30;
	v44 =	vld.idx.msk [tilespmem:v51+s7+$0x0], $0xffff  }
0x1f2: {  	v4 =	vmul.f32 v36, v36;
	v27 =	vadd.f32 v27, v32;
	v32 =	vmul.f32 v45, v55;
	v45 =	vld.idx.msk [tilespmem:v56+s6+$0x0], $0xffff  }
0x1f3: {  	v40 =	vmul.f32 v40, v48;
	v39 =	vadd.f32 v39, v49;
	v29 =	vld.idx.msk [tilespmem:v1+s7+$0x0], $0xffff  }
0x1f4: {  	v14 =	vadd.f32 v4, v35;
	v4 =	vld.idx.msk [tilespmem:v46+s7+$0x0], $0xffff  }
0x1f5: {  	v33 =	vmul.f32 v33, v50;
	v49 =	vor.u32 $0x814, v0;
	v28 =	vadd.f32 v40, v39;
	v39 =	vld.idx.msk [tilespmem:v43+s7+$0x0], $0xffff  }
0x1f6: {  	v35 =	vmul.f32 v31, v31;
	v40 =	vld.idx.msk [tilespmem:v53+s6+$0x0], $0xffff  }
0x1f7: {  	v50 =	vor.u32 $0x815, v0;
	v28 =	vadd.f32 v33, v28;
	v33 =	vld.idx.msk [tilespmem:v3+s7+$0x0], $0xffff  }
0x1f8: {  	v14 =	vadd.f32 v35, v14;
	v3 =	vld.idx.msk [tilespmem:v3+s6+$0x0], $0xffff;
	v7 =	vmul.f32 v29, v29  }
0x1f9: {  	v13 =	vld.idx.msk [tilespmem:v6+s7+$0x0], $0xffff;
	v28 =	vadd.f32 v32, v28;
	v32 =	vmul.f32 v42, v47  }
0x1fa: {  	v55 =	vor.u32 $0x817, v0;
	v48 =	vmul.f32 v38, v38;
	v47 =	vld.idx.msk [tilespmem:v49+s7+$0x0], $0xffff;
	v35 =	vadd.f32 v7, v14  }
0x1fb: {  	v42 =	vmul.f32 v25, v25;
	v49 =	vld.idx.msk [tilespmem:v49+s6+$0x0], $0xffff;
	v28 =	vadd.f32 v32, v28;
	v32 =	vmul.f32 v40, v57  }
0x1fc: {  	v56 =	vmul.f32 v44, v44;
	v53 =	vmul.f32 v4, v4;
	v40 =	vld.idx.msk [tilespmem:v50+s7+$0x0], $0xffff;
	v35 =	vadd.f32 v48, v35  }
0x1fd: {  	v25 =	vmul.f32 v26, v25;
	v30 =	vadd.f32 v42, v30;
	v42 =	vld.idx.msk [tilespmem:v58+s6+$0x0], $0xffff;
	v26 =	vadd.f32 v32, v28  }
0x1fe: {  	v28 =	vmul.f32 v45, v59;
	v48 =	vld.idx.msk [tilespmem:v54+s6+$0x0], $0xffff;
	v35 =	vadd.f32 v53, v35;
	v53 =	vor.u32 $0x816, v0  }
0x1ff: {  	v58 =	vor.u32 $0x81A, v0;
	v45 =	vld.idx.msk [tilespmem:v60+s6+$0x0], $0xffff  }
0x200: {  	v26 =	vadd.f32 v28, v26;
	v28 =	vld.idx.msk [tilespmem:v55+s7+$0x0], $0xffff;
	v54 =	vmul.f32 v39, v39;
	v35 =	vadd.f32 v56, v35  }
0x201: {  	v1 =	vld.idx.msk [tilespmem:v1+s6+$0x0], $0xffff;
	v56 =	vor.u32 $0x818, v0  }
0x202: {  	v7 =	vld [tilespmem:$0x1FFF0];
	v35 =	vadd.f32 v54, v35;
	v54 =	vmul.f32 v33, v33  }
0x203: {  	v2 =	vmul.f32 v2, v38;
	v57 =	vor.u32 $0x819, v0;
	v60 =	vmul.f32 v48, v61;
	v32 =	vld.idx.msk [tilespmem:v53+s7+$0x0], $0xffff  }
0x204: {  	v48 =	vld.idx.msk [tilespmem:v62+s6+$0x0], $0xffff;
	v62 =	vmul.f32 v23, v23;
	v35 =	vadd.f32 v54, v35;
	v54 =	vmul.f32 v47, v47  }
0x205: {  	v25 =	vadd.f32 v25, v27;
	v27 =	vld.idx.msk [tilespmem:v58+s7+$0x0], $0xffff;
	v26 =	vadd.f32 v60, v26;
	v60 =	vmul.f32 v42, v41  }
0x206: {  	v61 =	vmul.f32 v40, v40;
	v30 =	vadd.f32 v62, v30;
	v41 =	vld.idx.msk [tilespmem:v56+s7+$0x0], $0xffff;
	v35 =	vadd.f32 v54, v35  }
0x207: {  	v42 =	vld.idx.msk [tilespmem:v52+s6+$0x0], $0xffff;
	v62 =	vmul.f32 v45, v34;
	v26 =	vadd.f32 v60, v26;
	v54 =	vor.u32 $0x81B, v0  }
0x208: {  	v59 =	vor.u32 $0x81C, v0;
	v45 =	vld.idx.msk [tilespmem:v63+s6+$0x0], $0xffff;
	v35 =	vadd.f32 v61, v35;
	v61 =	vmul.f32 v32, v32  }
0x209: {  	v1 =	vmul.f32 v1, v29;
	v34 =	vld.idx.msk [tilespmem:v57+s7+$0x0], $0xffff;
	v63 =	vmul.f32 v28, v28;
	v60 =	vadd.f32 v62, v26  }
0x20a: {  	v29 =	vld.idx.msk [tilespmem:v51+s6+$0x0], $0xffff;
	v35 =	vadd.f32 v61, v35;
	v61 =	vmul.f32 v48, v37;
	v48 =	vor.u32 $0x81D, v0  }
0x20b: {  	v23 =	vmul.f32 v24, v23;
	v14 =	vld.idx.msk [tilespmem:v7+s7+$0x0], $0xffff;
	v62 =	vmul.f32 v41, v41;
	v37 =	vor.u32 $0x81E, v0  }
0x20c: {  	v26 =	vld.idx.msk [tilespmem:v54+s7+$0x0], $0xffff;
	v35 =	vadd.f32 v63, v35;
	v24 =	vadd.f32 v61, v60;
	v63 =	vmul.f32 v42, v36  }
0x20d: {  	v38 =	vor.u32 $0x821, v0;
	v23 =	vadd.f32 v23, v25;
	v61 =	vmul.f32 v45, v31;
	v31 =	vld.idx.msk [tilespmem:v59+s7+$0x0], $0xffff  }
0x20e: {  	v52 =	vmul.f32 v34, v34;
	v35 =	vadd.f32 v62, v35;
	v24 =	vadd.f32 v63, v24;
	v62 =	vld.idx.msk [tilespmem:v46+s6+$0x0], $0xffff  }
0x20f: {  	v60 =	vmul.f32 v21, v21;
	v42 =	vor.u32 $0x820, v0;
	v46 =	vor.u32 $0x81F, v0;
	v25 =	vld.idx.msk [tilespmem:v48+s7+$0x0], $0xffff  }
0x210: {  	v21 =	vmul.f32 v22, v21;
	v45 =	vor.u32 $0x823, v0;
	v22 =	vld.idx.msk [tilespmem:v37+s7+$0x0], $0xffff;
	v24 =	vadd.f32 v61, v24  }
0x211: {  	v63 =	vmul.f32 v27, v27;
	v30 =	vadd.f32 v60, v30;
	v35 =	vadd.f32 v52, v35;
	v52 =	vld.idx.msk [tilespmem:v43+s6+$0x0], $0xffff  }
0x212: {  	v21 =	vadd.f32 v21, v23;
	v51 =	vmul.f32 v26, v26;
	v1 =	vadd.f32 v1, v24;
	v24 =	vld.idx.msk [tilespmem:v38+s7+$0x0], $0xffff  }
0x213: {  	v35 =	vadd.f32 v63, v35;
	v63 =	vmul.f32 v19, v19;
	v19 =	vmul.f32 v20, v19;
	v20 =	vld.idx.msk [tilespmem:v53+s6+$0x0], $0xffff  }
0x214: {  	v60 =	vmul.f32 v31, v31;
	v1 =	vadd.f32 v2, v1;
	v2 =	vmul.f32 v62, v4;
	v4 =	vld.idx.msk [tilespmem:v46+s7+$0x0], $0xffff  }
0x215: {  	v30 =	vadd.f32 v63, v30;
	v19 =	vadd.f32 v19, v21;
	v21 =	vld.idx.msk [tilespmem:v45+s7+$0x0], $0xffff;
	v63 =	vmul.f32 v17, v17  }
0x216: {  	v35 =	vadd.f32 v51, v35;
	v1 =	vadd.f32 v2, v1;
	v2 =	vmul.f32 v29, v44;
	v29 =	vld.idx.msk [tilespmem:v42+s7+$0x0], $0xffff  }
0x217: {  	v30 =	vadd.f32 v63, v30;
	v63 =	vld.idx.msk [tilespmem:v59+s6+$0x0], $0xffff  }
0x218: {  	v36 =	vor.u32 $0x822, v0;
	v62 =	vmul.f32 v25, v25;
	v61 =	vadd.f32 v60, v35;
	v59 =	vld.idx.msk [tilespmem:v37+s6+$0x0], $0xffff  }
0x219: {  	v1 =	vadd.f32 v2, v1;
	v2 =	vmul.f32 v52, v39;
	v39 =	vld.idx.msk [tilespmem:v50+s6+$0x0], $0xffff  }
0x21a: {  	v23 =	vadd.f32 v62, v61;
	v61 =	vld.idx.msk [tilespmem:v55+s6+$0x0], $0xffff  }
0x21b: {  	v43 =	vor.u32 $0x824, v0;
	v51 =	vmul.f32 v22, v22;
	v50 =	vor.u32 $0x827, v0;
	v55 =	vld.idx.msk [tilespmem:v57+s6+$0x0], $0xffff  }
0x21c: {  	v17 =	vmul.f32 v18, v17;
	v57 =	vld.idx.msk [tilespmem:v58+s6+$0x0], $0xffff;
	v1 =	vadd.f32 v2, v1;
	v2 =	vmul.f32 v3, v33  }
0x21d: {  	v35 =	vor.u32 $0x825, v0;
	v52 =	vmul.f32 v4, v4;
	v23 =	vadd.f32 v51, v23;
	v3 =	vld.idx.msk [tilespmem:v36+s7+$0x0], $0xffff  }
0x21e: {  	v17 =	vadd.f32 v17, v19;
	v51 =	vld.idx.msk [tilespmem:v42+s6+$0x0], $0xffff;
	v1 =	vadd.f32 v2, v1;
	v2 =	vmul.f32 v49, v47  }
0x21f: {  	v60 =	vmul.f32 v29, v29;
	v23 =	vadd.f32 v52, v23;
	v47 =	vor.u32 $0x826, v0;
	v52 =	vld.idx.msk [tilespmem:v56+s6+$0x0], $0xffff  }
0x220: {  	v49 =	vor.u32 $0x828, v0;
	v19 =	vld.idx.msk [tilespmem:v50+s7+$0x0], $0xffff;
	v1 =	vadd.f32 v2, v1;
	v2 =	vmul.f32 v39, v40  }
0x221: {  	v62 =	vmul.f32 v24, v24;
	v23 =	vadd.f32 v60, v23;
	v39 =	vld.idx.msk [tilespmem:v43+s7+$0x0], $0xffff  }
0x222: {  	v60 =	vld.idx.msk [tilespmem:v54+s6+$0x0], $0xffff;
	v40 =	vor.u32 $0x82F, v0;
	v1 =	vadd.f32 v2, v1;
	v2 =	vmul.f32 v20, v32  }
0x223: {  	v44 =	vor.u32 $0x829, v0;
	v53 =	vmul.f32 v3, v3;
	v23 =	vadd.f32 v62, v23;
	v20 =	vld.idx.msk [tilespmem:v35+s7+$0x0], $0xffff  }
0x224: {  	v62 =	vmul.f32 v15, v15;
	v18 =	vld.idx.msk [tilespmem:v47+s7+$0x0], $0xffff;
	v1 =	vadd.f32 v2, v1;
	v2 =	vmul.f32 v61, v28  }
0x225: {  	v37 =	vor.u32 $0x82D, v0;
	v56 =	vmul.f32 v21, v21;
	v32 =	vld.idx.msk [tilespmem:v49+s7+$0x0], $0xffff;
	v23 =	vadd.f32 v53, v23  }
0x226: {  	v30 =	vadd.f32 v62, v30;
	v62 =	vld.idx.msk [tilespmem:v46+s6+$0x0], $0xffff;
	v1 =	vadd.f32 v2, v1;
	v2 =	vmul.f32 v52, v41  }
0x227: {  	v58 =	vmul.f32 v39, v39;
	v28 =	vld.idx.msk [tilespmem:v40+s7+$0x0], $0xffff;
	v23 =	vadd.f32 v56, v23;
	v41 =	vor.u32 $0x82A, v0  }
0x228: {  	v42 =	vor.u32 $0x833, v0;
	v1 =	vadd.f32 v2, v1;
	v2 =	vmul.f32 v55, v34;
	v55 =	vld.idx.msk [tilespmem:v38+s6+$0x0], $0xffff  }
0x229: {  	v52 =	vor.u32 $0x82B, v0;
	v61 =	vmul.f32 v20, v20;
	v23 =	vadd.f32 v58, v23;
	v34 =	vld.idx.msk [tilespmem:v36+s6+$0x0], $0xffff  }
0x22a: {  	v15 =	vmul.f32 v16, v15;
	v1 =	vadd.f32 v2, v1;
	v2 =	vmul.f32 v57, v27;
	v27 =	vld.idx.msk [tilespmem:v44+s7+$0x0], $0xffff  }
0x22b: {  	v56 =	vmul.f32 v18, v18;
	v23 =	vadd.f32 v61, v23;
	v57 =	vld.idx.msk [tilespmem:v48+s6+$0x0], $0xffff;
	v48 =	vor.u32 $0x82C, v0  }
0x22c: {  	v61 =	vmul.f32 v11, v11;
	v16 =	vld.idx.msk [tilespmem:v41+s7+$0x0], $0xffff;
	v1 =	vadd.f32 v2, v1;
	v2 =	vmul.f32 v60, v26  }
0x22d: {  	v54 =	vmul.f32 v9, v9;
	v58 =	vmul.f32 v19, v19;
	v23 =	vadd.f32 v56, v23;
	v26 =	vld.idx.msk [tilespmem:v42+s7+$0x0], $0xffff  }
0x22e: {  	v30 =	vadd.f32 v61, v30;
	v1 =	vadd.f32 v2, v1;
	v2 =	vmul.f32 v63, v31;
	v31 =	vld.idx.msk [tilespmem:v52+s7+$0x0], $0xffff  }
0x22f: {  	v46 =	vor.u32 $0x82E, v0;
	v60 =	vmul.f32 v32, v32;
	v23 =	vadd.f32 v58, v23;
	v58 =	vld [tilespmem:$0x1FB70]  }
0x230: {  	v30 =	vadd.f32 v54, v30;
	v54 =	vld [tilespmem:$0x1FB90];
	v1 =	vadd.f32 v2, v1;
	v2 =	vmul.f32 v57, v25  }
0x231: {  	v63 =	vmul.f32 v27, v27;
	v23 =	vadd.f32 v60, v23;
	v25 =	vld.idx.msk [tilespmem:v48+s7+$0x0], $0xffff  }
0x232: {  	v57 =	vld.idx.msk [tilespmem:v43+s6+$0x0], $0xffff;
	v1 =	vadd.f32 v2, v1;
	v2 =	vmul.f32 v59, v22  }
0x233: {  	v38 =	vor.u32 $0x830, v0;
	v53 =	vmul.f32 v16, v16;
	v23 =	vadd.f32 v63, v23;
	v22 =	vld.idx.msk [tilespmem:v37+s7+$0x0], $0xffff  }
0x234: {  	v63 =	vld.idx.msk [tilespmem:v45+s6+$0x0], $0xffff;
	v1 =	vadd.f32 v2, v1;
	v2 =	vmul.f32 v62, v4  }
0x235: {  	v60 =	vmul.f32 v31, v31;
	v23 =	vadd.f32 v53, v23;
	v4 =	vld.idx.msk [tilespmem:v46+s7+$0x0], $0xffff  }
0x236: {  	v36 =	vor.u32 $0x831, v0;
	v53 =	vld [tilespmem:$0x1FB80];
	v1 =	vadd.f32 v2, v1;
	v2 =	vmul.f32 v51, v29  }
0x237: {  	v43 =	vor.u32 $0x835, v0;
	v61 =	vmul.f32 v25, v25;
	v23 =	vadd.f32 v60, v23;
	v29 =	vld.idx.msk [tilespmem:v44+s6+$0x0], $0xffff  }
0x238: {  	v62 =	vmul.f32 v58, v58;
	v1 =	vadd.f32 v2, v1;
	v2 =	vmul.f32 v55, v24;
	v24 =	vld.idx.msk [tilespmem:v38+s7+$0x0], $0xffff  }
0x239: {  	v45 =	vor.u32 $0x832, v0;
	v56 =	vmul.f32 v22, v22;
	v23 =	vadd.f32 v61, v23;
	v61 =	vld.idx.msk [tilespmem:v35+s6+$0x0], $0xffff  }
0x23a: {  	v30 =	vadd.f32 v62, v30;
	v55 =	vld [tilespmem:$0x1FBA0];
	v1 =	vadd.f32 v2, v1;
	v2 =	vmul.f32 v34, v3  }
0x23b: {  	v62 =	vmul.f32 v28, v28;
	v59 =	vmul.f32 v4, v4;
	v23 =	vadd.f32 v56, v23;
	v3 =	vld.idx.msk [tilespmem:v36+s7+$0x0], $0xffff  }
0x23c: {  	v60 =	vmul.f32 v53, v53;
	v34 =	vld.idx.msk [tilespmem:v49+s6+$0x0], $0xffff;
	v1 =	vadd.f32 v2, v1;
	v2 =	vmul.f32 v63, v21  }
0x23d: {  	v35 =	vor.u32 $0x834, v0;
	v56 =	vmul.f32 v54, v54;
	v23 =	vadd.f32 v59, v23;
	v63 =	vld.idx.msk [tilespmem:v47+s6+$0x0], $0xffff  }
0x23e: {  	v30 =	vadd.f32 v60, v30;
	v21 =	vld.idx.msk [tilespmem:v45+s7+$0x0], $0xffff;
	v1 =	vadd.f32 v2, v1;
	v2 =	vmul.f32 v57, v39  }
0x23f: {  	v51 =	vmul.f32 v24, v24;
	v23 =	vadd.f32 v62, v23;
	v57 =	vld.idx.msk [tilespmem:v50+s6+$0x0], $0xffff;
	v50 =	vor.u32 $0x836, v0  }
0x240: {  	v30 =	vadd.f32 v56, v30;
	v56 =	vld [tilespmem:$0x1FBB0];
	v1 =	vadd.f32 v2, v1;
	v2 =	vmul.f32 v61, v20  }
0x241: {  	v39 =	vld.idx.msk [tilespmem:v41+s6+$0x0], $0xffff;
	v59 =	vmul.f32 v3, v3;
	v23 =	vadd.f32 v51, v23  }
0x242: {  	v20 =	vld.idx.msk [tilespmem:v35+s7+$0x0], $0xffff;
	v1 =	vadd.f32 v2, v1;
	v2 =	vmul.f32 v63, v18  }
0x243: {  	v47 =	vor.u32 $0x837, v0;
	v60 =	vmul.f32 v21, v21;
	v23 =	vadd.f32 v59, v23;
	v18 =	vld.idx.msk [tilespmem:v43+s7+$0x0], $0xffff  }
0x244: {  	v1 =	vadd.f32 v2, v1;
	v2 =	vmul.f32 v57, v19;
	v19 =	vld.idx.msk [tilespmem:v50+s7+$0x0], $0xffff  }
0x245: {  	v15 =	vadd.f32 v15, v17;
	v23 =	vadd.f32 v60, v23;
	v60 =	vld.idx.msk [tilespmem:v52+s6+$0x0], $0xffff  }
0x246: {  	v44 =	vor.u32 $0x838, v0;
	v62 =	vmul.f32 v26, v26;
	v41 =	vor.u32 $0x839, v0;
	v52 =	vld [tilespmem:$0x1FBC0]  }
0x247: {  	v17 =	vld.idx.msk [tilespmem:v36+s6+$0x0], $0xffff;
	v61 =	vmul.f32 v55, v55;
	v51 =	vor.u32 $0x83A, v0;
	v63 =	vmul.f32 v20, v20  }
0x248: {  	v23 =	vadd.f32 v62, v23;
	v1 =	vadd.f32 v2, v1;
	v2 =	vmul.f32 v34, v32;
	v32 =	vld.idx.msk [tilespmem:v47+s7+$0x0], $0xffff  }
0x249: {  	v30 =	vadd.f32 v61, v30;
	v59 =	vmul.f32 v56, v56;
	v62 =	vld.idx.msk [tilespmem:v48+s6+$0x0], $0xffff;
	v61 =	vmul.f32 v18, v18  }
0x24a: {  	v34 =	vld.idx.msk [tilespmem:v46+s6+$0x0], $0xffff;
	v23 =	vadd.f32 v63, v23;
	v1 =	vadd.f32 v2, v1;
	v2 =	vmul.f32 v29, v27  }
0x24b: {  	v30 =	vadd.f32 v59, v30;
	v27 =	vld.idx.msk [tilespmem:v44+s7+$0x0], $0xffff;
	v63 =	vmul.f32 v19, v19;
	v57 =	vmul.f32 v52, v52  }
0x24c: {  	v23 =	vadd.f32 v61, v23;
	v1 =	vadd.f32 v2, v1;
	v2 =	vmul.f32 v39, v16;
	v16 =	vld.idx.msk [tilespmem:v41+s7+$0x0], $0xffff  }
0x24d: {  	v48 =	vor.u32 $0x83B, v0;
	v30 =	vadd.f32 v57, v30;
	v57 =	vld [tilespmem:$0x1FBD0]  }
0x24e: {  	v37 =	vld.idx.msk [tilespmem:v37+s6+$0x0], $0xffff;
	v39 =	vor.u32 $0x83C, v0;
	v59 =	vmul.f32 v32, v32;
	v23 =	vadd.f32 v63, v23  }
0x24f: {  	v46 =	vor.u32 $0x83D, v0;
	v1 =	vadd.f32 v2, v1;
	v2 =	vmul.f32 v60, v31;
	v31 =	vld.idx.msk [tilespmem:v51+s7+$0x0], $0xffff  }
0x250: {  	v49 =	vld [tilespmem:$0x1FBE0];
	v4 =	vmul.f32 v34, v4;
	v60 =	vmul.f32 v27, v27;
	v23 =	vadd.f32 v59, v23  }
0x251: {  	v1 =	vadd.f32 v2, v1;
	v2 =	vmul.f32 v62, v25;
	v62 =	vld.idx.msk [tilespmem:v40+s6+$0x0], $0xffff;
	v40 =	vor.u32 $0x83E, v0  }
0x252: {  	v25 =	vld.idx.msk [tilespmem:v48+s7+$0x0], $0xffff;
	v63 =	vmul.f32 v16, v16;
	v61 =	vmul.f32 v57, v57  }
0x253: {  	v23 =	vadd.f32 v60, v23;
	v1 =	vadd.f32 v2, v1;
	v2 =	vmul.f32 v37, v22;
	v22 =	vld.idx.msk [tilespmem:v39+s7+$0x0], $0xffff  }
0x254: {  	v37 =	vld.idx.msk [tilespmem:v38+s6+$0x0], $0xffff;
	v38 =	vor.u32 $0x83F, v0;
	v59 =	vmul.f32 v31, v31;
	v30 =	vadd.f32 v61, v30  }
0x255: {  	v34 =	vld.idx.msk [tilespmem:v46+s7+$0x0], $0xffff;
	v23 =	vadd.f32 v63, v23;
	v1 =	vadd.f32 v2, v1;
	v2 =	vmul.f32 v49, v49  }
0x256: {  	v61 =	vmul.f32 v62, v28;
	v28 =	vld.idx.msk [tilespmem:v40+s7+$0x0], $0xffff  }
0x257: {  	v60 =	vmul.f32 v25, v25;
	v23 =	vadd.f32 v59, v23;
	v2 =	vadd.f32 v2, v30;
	v30 =	vld.idx.msk [tilespmem:v45+s6+$0x0], $0xffff  }
0x258: {  	v62 =	vmul.f32 v13, v13;
	v1 =	vadd.f32 v4, v1;
	v45 =	vld [tilespmem:$0x1FBF0]  }
0x259: {  	v63 =	vmul.f32 v22, v22;
	v59 =	vmul.f32 v37, v24;
	v23 =	vadd.f32 v60, v23  }
0x25a: {  	v24 =	vld.idx.msk [tilespmem:v38+s7+$0x0], $0xffff;
	v1 =	vadd.f32 v61, v1;
	v2 =	vadd.f32 v62, v2;
	v62 =	vmul.f32 v14, v14  }
0x25b: {  	v33 =	vld [tilespmem:$0x1FC00];
	v61 =	vmul.f32 v34, v34;
	v23 =	vadd.f32 v63, v23  }
0x25c: {  	v3 =	vmul.f32 v17, v3;
	v60 =	vld.idx.msk [tilespmem:v42+s6+$0x0], $0xffff;
	v1 =	vadd.f32 v59, v1;
	v2 =	vadd.f32 v62, v2  }
0x25d: {  	v59 =	vld [tilespmem:$0x1FF70];
	v11 =	vmul.f32 v45, v11;
	v63 =	vadd.f32 v61, v23;
	v23 =	vmul.f32 v28, v28  }
0x25e: {  	v35 =	vld.idx.msk [tilespmem:v35+s6+$0x0], $0xffff;
	v1 =	vadd.f32 v3, v1;
	v3 =	vmul.f32 v30, v21;
	v2 =	vmax.f32 v2, $1.000000020e-24  }
0x25f: {  	v62 =	vld.idx.msk [tilespmem:v50+s6+$0x0], $0xffff;
	v36 =	vmul.f32 v24, v24;
	v42 =	vshra.s32 v2, $0x1;
	v2 =	vmul.f32 $5.000000000e-01, v2  }
0x260: {  	v45 =	vld.idx.msk [tilespmem:v43+s6+$0x0], $0xffff;
	v11 =	vadd.f32 v11, v15;
	v15 =	vadd.f32 v23, v63;
	v61 =	vsub.s32 $0x5F3759DF, v42  }
0x261: {  	v4 =	vmul.f32 v33, v9;
	v50 =	vld [tilespmem:$0x1FFA0];
	v23 =	vmul.f32 v61, v2  }
0x262: {  	v37 =	vmul.f32 v60, v26;
	v1 =	vadd.f32 v3, v1;
	v15 =	vadd.f32 v36, v15;
	v36 =	vld.idx.msk [tilespmem:v47+s6+$0x0], $0xffff  }
0x263: {  	v9 =	vmul.f32 v35, v20;
	v3 =	vld.idx.msk [tilespmem:v8+s6+$0x0], $0xffff;
	v35 =	vmul.f32 v61, v23  }
0x264: {  	v1 =	vadd.f32 v37, v1;
	v47 =	vmul.f32 v62, v19;
	v62 =	vld [tilespmem:$0x1FFB0]  }
0x265: {  	v18 =	vmul.f32 v45, v18;
	v60 =	vld.idx.msk [tilespmem:v59+s6+$0x0], $0xffff;
	v15 =	vmax.f32 v15, $1.000000020e-24;
	v8 =	vsub.f32 $1.500000000e+00, v35  }
0x266: {  	v63 =	vld.idx.msk [tilespmem:v10+s6+$0x0], $0xffff;
	v1 =	vadd.f32 v9, v1;
	v33 =	vshra.s32 v15, $0x1;
	v15 =	vmul.f32 $5.000000000e-01, v15  }
0x267: {  	v20 =	vsub.s32 $0x5F3759DF, v33;
	v8 =	vmul.f32 v61, v8;
	v61 =	vmul.f32 v36, v32;
	v32 =	vld [tilespmem:$0x1FFC0]  }
0x268: {  	v4 =	vadd.f32 v4, v11;
	v45 =	vld.idx.msk [tilespmem:v44+s6+$0x0], $0xffff;
	v3 =	vmul.f32 v3, v58;
	v42 =	vmul.f32 v20, v15  }
0x269: {  	v37 =	vld.idx.msk [tilespmem:v12+s6+$0x0], $0xffff;
	v1 =	vadd.f32 v18, v1  }
0x26a: {  	v3 =	vadd.f32 v3, v4;
	v43 =	vmul.f32 v60, v53;
	v58 =	vmul.f32 v20, v42;
	v60 =	vld.idx.msk [tilespmem:v41+s6+$0x0], $0xffff  }
0x26b: {  	v1 =	vadd.f32 v47, v1;
	v53 =	vld.idx.msk [tilespmem:v50+s6+$0x0], $0xffff  }
0x26c: {  	v29 =	vld.idx.msk [tilespmem:v51+s6+$0x0], $0xffff;
	v59 =	vmul.f32 v63, v54;
	v3 =	vadd.f32 v43, v3;
	v19 =	vsub.f32 $1.500000000e+00, v58  }
0x26d: {  	v10 =	vmul.f32 v45, v27;
	v26 =	vmul.f32 v8, v2;
	v17 =	vld.idx.msk [tilespmem:v62+s6+$0x0], $0xffff;
	v1 =	vadd.f32 v61, v1  }
0x26e: {  	v35 =	vld.idx.msk [tilespmem:v48+s6+$0x0], $0xffff;
	v63 =	vmul.f32 v37, v55;
	v3 =	vadd.f32 v59, v3;
	v30 =	vmul.f32 v20, v19  }
0x26f: {  	v9 =	vmul.f32 v26, v8;
	v1 =	vadd.f32 v10, v1;
	v12 =	vmul.f32 v60, v16;
	v19 =	vld.idx.msk [tilespmem:v32+s6+$0x0], $0xffff  }
0x270: {  	v43 =	vld.idx.msk [tilespmem:v39+s6+$0x0], $0xffff;
	v33 =	vmul.f32 v53, v56;
	v3 =	vadd.f32 v63, v3;
	v37 =	vmul.f32 v30, v15  }
0x271: {  	v44 =	vmul.f32 v29, v31;
	v36 =	vld.idx.msk [tilespmem:v5+s6+$0x0], $0xffff;
	v42 =	vsub.f32 $1.500000000e+00, v9;
	v1 =	vadd.f32 v12, v1  }
0x272: {  	v48 =	vld.idx.msk [tilespmem:v46+s6+$0x0], $0xffff;
	v41 =	vmul.f32 v17, v52;
	v3 =	vadd.f32 v33, v3;
	v16 =	vmul.f32 v37, v30  }
0x273: {  	v45 =	vld.idx.msk [tilespmem:v6+s6+$0x0], $0xffff;
	v50 =	vmul.f32 v35, v25;
	v5 =	vmul.f32 v42, v8;
	v1 =	vadd.f32 v44, v1  }
0x274: {  	v53 =	vld.idx.msk [tilespmem:v40+s6+$0x0], $0xffff;
	v3 =	vadd.f32 v41, v3;
	v16 =	vsub.f32 $1.500000000e+00, v16;
	v47 =	vmul.f32 v19, v57  }
0x275: {  	v51 =	vld.idx.msk [tilespmem:v7+s6+$0x0], $0xffff;
	v54 =	vmul.f32 v43, v22;
	v2 =	vmul.f32 v5, v2;
	v1 =	vadd.f32 v50, v1  }
0x276: {  	v52 =	vmul.f32 v36, v49;
	v55 =	vmul.f32 v16, v30;
	v3 =	vadd.f32 v47, v3  }
0x277: {  	v6 =	vmul.f32 v48, v34;
	v2 =	vmul.f32 v2, v5;
	v57 =	vld.idx.msk [tilespmem:v38+s6+$0x0], $0xffff;
	v1 =	vadd.f32 v54, v1  }
0x278: {  	v56 =	vmul.f32 v45, v13;
	v58 =	vmul.f32 v55, v15;
	v3 =	vadd.f32 v52, v3  }
0x279: {  	v60 =	vmul.f32 v53, v28;
	v2 =	vsub.f32 $1.500000000e+00, v2;
	v1 =	vadd.f32 v6, v1  }
0x27a: {  	v59 =	vmul.f32 v51, v14;
	v61 =	vmul.f32 v58, v55;
	v3 =	vadd.f32 v56, v3  }
0x27b: {  	v2 =	vmul.f32 v2, v5;
	v1 =	vadd.f32 v60, v1  }
0x27c: {  	v62 =	vmul.f32 v57, v24;
	v63 =	vsub.f32 $1.500000000e+00, v61;
	v3 =	vadd.f32 v59, v3;
	_ =	sdelay $0x1  }
0x27d: {  	v1 =	vadd.f32 v62, v1;
	v2 =	vmul.f32 v2, v3;
	v3 =	vmul.f32 v63, v55;
	_ =	sdelay $0x1  }
0x27e: {  	v1 =	vmul.f32 v3, v1;
	v2 =	vmul.f32 $2.000000000e+01, v2;
	_ =	sdelay $0x1  }
0x27f: {  	v2 =	vadd.f32 $0.0e+00, v2;
	v1 =	vmul.f32 $2.000000000e+01, v1;
	_ =	sdelay $0x1  }
0x280: {  	s31 =	sld [smem:$0x7FD];
	v1 =	vadd.f32 v1, v2  }
0x281: {  	p0 =	sne.s32 s4, $0x1  }
.Ltmp0:
0x282: {  	s30 =	rddreg [dreg:$0x5];
	[tilespmem:$0x2080] =	vst v1;
	(pc) =	sbr.rel @p0 .LBB2_1-.Ltmp0, $4  }
0x283: {  	[hbm4b:s30+s2] =	stream.linear.scatter [tilespmem:s31], [sflag:$0x2], $0x80, $0x38;
	[tilespmem:$0x2100] =	vst v63  }
0x284: {  	_ =	swait.ge [sflag:s5], $0x80  }
0x285: {  	[sflag:s5] =	ssyncset.done $0x0  }
0x286: {  	s4 =	sadd.s32 $0xFFFFFFFF, s4;
	[sflag:s5] =	ssyncadd.s32 $0xFFFFFF80  }
0x287: {  	_ =	sfence.sel $0x180000  }
0x288: {  	[bflag:$0x0] =	sbarrier.arrive $0xFFFF  }
0x289: {  	p0 =	sne.s32 s1, $0x0;
	_ =	strace $0x90000047  }
0x28a: {  	s0 =	sadd.s32 @!p0 $0x100000, s0;
	[bflag:$0x2] =	sbarrier.arrive $0xFFFF  }
0x28b: {  	[sflag:s0] =	ssyncadd.tile.s32 @!p0 $0x1;
	_ =	shalt  }
.Lfunc_end2:
_tile_overlayer_lowered:
.L_overlay_start_2:
0x28c: {  	(tag) =	ssettag $0x2  }
0x28d: {  	s0 =	rddreg [dreg:$0x0];
	s2 =	stileid.u32  }
0x28e: {  	s1 =	rddreg [dreg:$0x1];
	p0 =	sne.s32 s2, $0x0  }
0x28f: {  	s3 =	rddreg [dreg:$0x2];
	[bflag:$0x3] =	sbarrier.arrive $0xFFFF;
	s2 =	simm.s32 @!p0 $0x1C02  }
0x290: {  	[timem:s3], [sflag:s2] =	dma.local @!p0 [hbm:s0], s1  }
0x291: {  	s0 =	simm.s32 @!p0 $0x2  }
0x292: {  	_ =	swait.ge @!p0 [sflag:s0], s1  }
0x293: {  	s1 =	ssub.s32 @!p0 $0x0, s1;
	[sflag:s0] =	ssyncset.done @!p0 $0x0  }
0x294: {  	[sflag:s0] =	ssyncadd.s32 @!p0 s1  }
0x295: {  	[bflag:$0x3] =	sbarrier.arrive $0xFFFF  }
0x296: {  	_ =	shalt  }

</sc_bundles>
